<compile_context>
chip_gen: v7x
topology: tpu7x:2x2x1
jax: 0.10.2.dev20260603
libtpu: 0.0.44.dev20260713+nightly
codegen_flags: <defaults>
</compile_context>

<pallas_src>
import functools

import jax
import jax.numpy as jnp
from jax import lax
from jax.experimental import pallas as pl
from jax.experimental.pallas import tpu as pltpu
from jax.experimental.pallas import tpu_sc as plsc

N = 10000
NP = 10240
E = 320000
EB = 2 * E
NW = 32
G_BI = 160
EB_PAD = NW * G_BI * 128
G_E = 80
E_PAD = NW * G_E * 128
NS = 16
RPT = NP // NS
NHR = NP // 128
HALF = NP // 2

f32 = jnp.float32


BLK = 256
BLK_E = 512


def _tca_body(nf, w, b, wl, h0_ref, p0_ref):
    h0 = jnp.dot(nf[...], w[...], preferred_element_type=f32) + b[...]
    h0_ref[...] = h0
    p0_ref[...] = jnp.dot(h0, wl[...], preferred_element_type=f32)


_tc_a = pl.pallas_call(
    _tca_body,
    grid=(NP // BLK,),
    in_specs=[
        pl.BlockSpec((BLK, 144), lambda i: (i, 0)),
        pl.BlockSpec((144, 128), lambda i: (0, 0)),
        pl.BlockSpec((1, 128), lambda i: (0, 0)),
        pl.BlockSpec((128, 128), lambda i: (0, 0)),
    ],
    out_specs=[
        pl.BlockSpec((BLK, 128), lambda i: (i, 0)),
        pl.BlockSpec((BLK, 128), lambda i: (i, 0)),
    ],
    out_shape=[
        jax.ShapeDtypeStruct((NP, 128), f32),
        jax.ShapeDtypeStruct((NP, 128), f32),
    ],
)


def _deg_col(degacc_ref):
    d2 = degacc_ref[0, 0] + degacc_ref[1, 0]
    a_const = (lax.broadcasted_iota(jnp.int32, (BLK, 2), 0) // 128
               == lax.broadcasted_iota(jnp.int32, (BLK, 2), 1)).astype(f32)
    sel = (lax.broadcasted_iota(jnp.int32, (BLK, 128), 0) % 128
           == lax.broadcasted_iota(jnp.int32, (BLK, 128), 1)).astype(f32)
    spread = jnp.dot(a_const, d2, preferred_element_type=f32)
    deg = jnp.sum(spread * sel, axis=1, keepdims=True)
    return jnp.maximum(deg, 1.0)


def _tcb_body(acc_ref, degacc_ref, h0_ref, wr, b, wl1, h1_ref, p1_ref, degb_ref):
    acc = acc_ref[0] + acc_ref[1]
    deg = _deg_col(degacc_ref)
    h1 = jnp.maximum(
        acc / deg + jnp.dot(h0_ref[...], wr[...], preferred_element_type=f32)
        + b[...], 0.0)
    h1_ref[...] = h1
    p1_ref[...] = jnp.dot(h1, wl1[...], preferred_element_type=f32)
    degb_ref[...] = jnp.broadcast_to(deg, (BLK, 128))


_tc_b = pl.pallas_call(
    _tcb_body,
    grid=(NP // BLK,),
    in_specs=[
        pl.BlockSpec((2, BLK, 128), lambda i: (0, i, 0)),
        pl.BlockSpec((2, 1, 2, 128), lambda i: (0, i, 0, 0)),
        pl.BlockSpec((BLK, 128), lambda i: (i, 0)),
        pl.BlockSpec((128, 128), lambda i: (0, 0)),
        pl.BlockSpec((1, 128), lambda i: (0, 0)),
        pl.BlockSpec((128, 128), lambda i: (0, 0)),
    ],
    out_specs=[
        pl.BlockSpec((BLK, 128), lambda i: (i, 0)),
        pl.BlockSpec((BLK, 128), lambda i: (i, 0)),
        pl.BlockSpec((BLK, 128), lambda i: (i, 0)),
    ],
    out_shape=[
        jax.ShapeDtypeStruct((NP, 128), f32),
        jax.ShapeDtypeStruct((NP, 128), f32),
        jax.ShapeDtypeStruct((NP, 128), f32),
    ],
)


def _tcc_body(acc_ref, h1_ref, degb_ref, wr, b, nw1, nb1, nw2, nb2, wa, wb,
              eb1, atab_ref, btab_ref, ph_ref):
    acc = acc_ref[0] + acc_ref[1]
    h2 = (acc / degb_ref[...]
          + jnp.dot(h1_ref[...], wr[...], preferred_element_type=f32) + b[...])
    atab_ref[...] = jnp.dot(h2, wa[...], preferred_element_type=f32) + eb1[...]
    btab_ref[...] = jnp.dot(h2, wb[...], preferred_element_type=f32)
    t = jnp.maximum(jnp.dot(h2, nw1[...], preferred_element_type=f32) + nb1[...], 0.0)
    ph = jnp.dot(t, nw2[...], preferred_element_type=f32) + nb2[...]
    ph_ref[...] = ph[:, :8]


_tc_c = pl.pallas_call(
    _tcc_body,
    grid=(NP // BLK,),
    in_specs=[
        pl.BlockSpec((2, BLK, 128), lambda i: (0, i, 0)),
        pl.BlockSpec((BLK, 128), lambda i: (i, 0)),
        pl.BlockSpec((BLK, 128), lambda i: (i, 0)),
        pl.BlockSpec((128, 128), lambda i: (0, 0)),
        pl.BlockSpec((1, 128), lambda i: (0, 0)),
        pl.BlockSpec((128, 128), lambda i: (0, 0)),
        pl.BlockSpec((1, 128), lambda i: (0, 0)),
        pl.BlockSpec((128, 128), lambda i: (0, 0)),
        pl.BlockSpec((1, 128), lambda i: (0, 0)),
        pl.BlockSpec((128, 128), lambda i: (0, 0)),
        pl.BlockSpec((128, 128), lambda i: (0, 0)),
        pl.BlockSpec((1, 128), lambda i: (0, 0)),
    ],
    out_specs=[
        pl.BlockSpec((BLK, 128), lambda i: (i, 0)),
        pl.BlockSpec((BLK, 128), lambda i: (i, 0)),
        pl.BlockSpec((BLK, 8), lambda i: (i, 0)),
    ],
    out_shape=[
        jax.ShapeDtypeStruct((NP, 128), f32),
        jax.ShapeDtypeStruct((NP, 128), f32),
        jax.ShapeDtypeStruct((NP, 8), f32),
    ],
)


def _tcd_body(sa_ref, sb_ref, ef_ref, wc, w2, b2, q_ref):
    hidden = (sa_ref[...] + sb_ref[...]
              + jnp.dot(ef_ref[...], wc[...], preferred_element_type=f32))
    q = jnp.dot(jnp.maximum(hidden, 0.0), w2[...], preferred_element_type=f32) + b2[...]
    q_ref[...] = q[:, :8]


_tc_d = pl.pallas_call(
    _tcd_body,
    grid=(E_PAD // BLK_E,),
    in_specs=[
        pl.BlockSpec((BLK_E, 128), lambda i: (i, 0)),
        pl.BlockSpec((BLK_E, 128), lambda i: (i, 0)),
        pl.BlockSpec((BLK_E, 32), lambda i: (i, 0)),
        pl.BlockSpec((32, 128), lambda i: (0, 0)),
        pl.BlockSpec((128, 128), lambda i: (0, 0)),
        pl.BlockSpec((1, 128), lambda i: (0, 0)),
    ],
    out_specs=pl.BlockSpec((BLK_E, 8), lambda i: (i, 0)),
    out_shape=jax.ShapeDtypeStruct((E_PAD, 8), f32),
)


_MESH = dict(core_axis_name="c", subcore_axis_name="s")


ACC_RPT = NP // NS
CH = 64
IB2 = 32
DEPTH = 4


def _make_sc_scatter(G2):

    @functools.partial(
        pl.kernel,
        out_type=jax.ShapeDtypeStruct((2, NP, 128), f32),
        mesh=plsc.VectorSubcoreMesh(**_MESH),
        scratch_types=(
            [pltpu.VMEM((IB2, CH), jnp.int32),
             pltpu.VMEM((IB2, CH), jnp.int32)]
            + [pltpu.VMEM((CH, 128), f32)] * DEPTH
            + [pltpu.VMEM_SHARED((NP, 128), f32)]
            + [pltpu.SemaphoreType.DMA] * (2 * DEPTH)
        ),
    )
    def sc_scatter(table, sidx, didx, zeros, out, sidx_v, didx_v, *scr):
        rbufs = scr[:DEPTH]
        acc_sh = scr[DEPTH]
        gsems = scr[DEPTH + 1:DEPTH + 1 + DEPTH]
        ssems = scr[DEPTH + 1 + DEPTH:]
        c = lax.axis_index("c")
        s = lax.axis_index("s")
        wid = s * 2 + c
        pltpu.sync_copy(zeros.at[pl.ds(s * ACC_RPT, ACC_RPT)],
                        acc_sh.at[pl.ds(s * ACC_RPT, ACC_RPT)])
        plsc.subcore_barrier()

        def blk_body(j, carry):
            pltpu.sync_copy(sidx.at[wid, pl.ds(j * IB2, IB2)], sidx_v)
            pltpu.sync_copy(didx.at[wid, pl.ds(j * IB2, IB2)], didx_v)

            def body(i, carry2):
                g = i * DEPTH
                hs = [pltpu.async_copy(table.at[sidx_v.at[g + k]], rbufs[k],
                                       gsems[k])
                      for k in range(DEPTH)]
                ws = []
                for k in range(DEPTH):
                    hs[k].wait()
                    ws.append(pltpu.async_copy(
                        rbufs[k], acc_sh.at[didx_v.at[g + k]], ssems[k],
                        add=True))
                for w in ws:
                    w.wait()
                return carry2

            lax.fori_loop(0, IB2 // DEPTH, body, 0)
            return carry

        lax.fori_loop(0, G2 // IB2, blk_body, 0)
        plsc.subcore_barrier()
        pltpu.sync_copy(acc_sh.at[pl.ds(s * ACC_RPT, ACC_RPT)],
                        out.at[c, pl.ds(s * ACC_RPT, ACC_RPT)])

    return sc_scatter


_sc_scatter = _make_sc_scatter(G_BI * 128 // CH)


@functools.partial(
    pl.kernel,
    out_type=jax.ShapeDtypeStruct((2, NHR, 128), f32),
    mesh=plsc.VectorSubcoreMesh(**_MESH),
    compiler_params=pltpu.CompilerParams(needs_layout_passes=False),
    scratch_types=[
        pltpu.VMEM((G_BI, 128), jnp.int32),
        pltpu.VMEM((16 * HALF,), f32),
        pltpu.VMEM((NHR, 128), f32),
        pltpu.VMEM((1, NHR), jnp.int32),
        pltpu.VMEM_SHARED((NHR, 128), f32),
        pltpu.SemaphoreType.DMA,
    ],
)
def _sc_deg(didx, rowids, zeros, out, didx_v, hist_v, deg_v, rid_v, acc_sh, sem):
    c = lax.axis_index("c")
    s = lax.axis_index("s")
    wid = s * 2 + c
    pltpu.sync_copy(didx.at[wid], didx_v)
    pltpu.sync_copy(rowids, rid_v)

    @pl.when(s < NHR // 8)
    def _zero():
        pltpu.sync_copy(zeros.at[pl.ds(s * 8, 8)], acc_sh.at[pl.ds(s * 8, 8)])

    lane_off = lax.iota(jnp.int32, 16) * HALF
    ones16 = jnp.ones((16,), f32)
    zeros16 = jnp.zeros((16,), f32)

    for half in range(2):
        lo = half * HALF

        def zero_body(j, carry):
            hist_v[pl.ds(j * 16, 16)] = zeros16
            return carry

        lax.fori_loop(0, 16 * (HALF // 16), zero_body, 0)

        def count_body(g, carry):
            for k in range(8):
                idx16 = didx_v[g, pl.ds(k * 16, 16)]
                m = (idx16 >= lo) & (idx16 < lo + HALF)
                idxc = jnp.where(m, idx16 - lo, 0) + lane_off
                plsc.addupdate_scatter(hist_v, [idxc], ones16, mask=m)
            return carry

        lax.fori_loop(0, G_BI, count_body, 0)

        def fold_body(j, carry):
            t = hist_v[pl.ds(j * 16, 16)]
            for r in range(1, 16):
                t = t + hist_v[pl.ds(r * HALF + j * 16, 16)]
            flat = half * HALF + j * 16
            deg_v[flat // 128, pl.ds(flat % 128, 16)] = t
            return carry

        lax.fori_loop(0, HALF // 16, fold_body, 0)

    plsc.subcore_barrier()
    pltpu.sync_copy(deg_v, acc_sh.at[rid_v.at[0]], add=True)
    plsc.subcore_barrier()

    @pl.when(s < NHR // 8)
    def _writeback():
        pltpu.sync_copy(acc_sh.at[pl.ds(s * 8, 8)], out.at[c, pl.ds(s * 8, 8)])


@functools.partial(
    pl.kernel,
    out_type=(
        jax.ShapeDtypeStruct((E_PAD, 128), f32),
        jax.ShapeDtypeStruct((E_PAD, 128), f32),
    ),
    mesh=plsc.VectorSubcoreMesh(**_MESH),
    scratch_types=[
        pltpu.VMEM((G_E, 128), jnp.int32),
        pltpu.VMEM((G_E, 128), jnp.int32),
        pltpu.VMEM((128, 128), f32),
        pltpu.VMEM((128, 128), f32),
        pltpu.VMEM((128, 128), f32),
        pltpu.VMEM((128, 128), f32),
        pltpu.SemaphoreType.DMA,
        pltpu.SemaphoreType.DMA,
        pltpu.SemaphoreType.DMA,
        pltpu.SemaphoreType.DMA,
        pltpu.SemaphoreType.DMA,
        pltpu.SemaphoreType.DMA,
        pltpu.SemaphoreType.DMA,
        pltpu.SemaphoreType.DMA,
    ],
)
def _sc_edge_gather(atab, btab, sidx, didx, outa, outb, sidx_v, didx_v,
                    ra0, rb0, ra1, rb1, ga0, gb0, ga1, gb1, wa0, wb0, wa1, wb1):
    c = lax.axis_index("c")
    s = lax.axis_index("s")
    wid = s * 2 + c
    pltpu.sync_copy(sidx.at[wid], sidx_v)
    pltpu.sync_copy(didx.at[wid], didx_v)
    base = wid * (G_E * 128)

    def body(i, carry):
        g = i * 2
        ha0 = pltpu.async_copy(atab.at[sidx_v.at[g]], ra0, ga0)
        hb0 = pltpu.async_copy(btab.at[didx_v.at[g]], rb0, gb0)
        ha1 = pltpu.async_copy(atab.at[sidx_v.at[g + 1]], ra1, ga1)
        hb1 = pltpu.async_copy(btab.at[didx_v.at[g + 1]], rb1, gb1)
        ha0.wait()
        va0 = pltpu.async_copy(ra0, outa.at[pl.ds(base + g * 128, 128)], wa0)
        hb0.wait()
        vb0 = pltpu.async_copy(rb0, outb.at[pl.ds(base + g * 128, 128)], wb0)
        ha1.wait()
        va1 = pltpu.async_copy(ra1, outa.at[pl.ds(base + (g + 1) * 128, 128)], wa1)
        hb1.wait()
        vb1 = pltpu.async_copy(rb1, outb.at[pl.ds(base + (g + 1) * 128, 128)], wb1)
        va0.wait()
        vb0.wait()
        va1.wait()
        vb1.wait()
        return carry

    lax.fori_loop(0, G_E // 2, body, 0)




def kernel(edge_index, node_static, edge_static, p_obs, q_obs, p_mask, q_mask, params):
    pr = params
    ei = edge_index.astype(jnp.int32)
    e0, e1 = ei[0], ei[1]

    nf = jnp.concatenate(
        [node_static, p_obs[:, None], p_mask[:, None].astype(f32)], axis=1)
    nf = jnp.pad(nf, ((0, NP - N), (0, 144 - nf.shape[1])))
    encW = jnp.pad(pr['enc_W'], ((0, 144 - pr['enc_W'].shape[0]), (0, 0)))

    src = jnp.concatenate([e0, e1])
    dst = jnp.concatenate([e1, e0])
    pad_bi = jnp.full((EB_PAD - EB,), N, jnp.int32)
    src_pad = jnp.concatenate([src, pad_bi])
    dst_pad = jnp.concatenate([dst, pad_bi])
    srcp = src_pad.reshape(NW, G_BI * 128 // CH, CH)
    dstp = dst_pad.reshape(NW, G_BI * 128 // CH, CH)
    pad_e = jnp.full((E_PAD - E,), N, jnp.int32)
    sp = jnp.concatenate([e0, pad_e]).reshape(NW, G_E, 128)
    dp = jnp.concatenate([e1, pad_e]).reshape(NW, G_E, 128)

    zeros_acc = jnp.zeros((NP, 128), f32)
    zeros_deg = jnp.zeros((NHR, 128), f32)
    rowids = jnp.arange(NHR, dtype=jnp.int32)[None, :]

    degacc = _sc_deg(dst_pad.reshape(NW, G_BI, 128), rowids, zeros_deg)
    h0, p0 = _tc_a(nf, encW, pr['enc_b'][None], pr['sage0_Wl'])
    acc0 = _sc_scatter(p0, srcp, dstp, zeros_acc)
    h1, p1, degb = _tc_b(acc0, degacc.reshape(2, NHR // 2, 2, 128), h0,
                         pr['sage0_Wr'], pr['sage0_b'][None], pr['sage1_Wl'])
    acc1 = _sc_scatter(p1, srcp, dstp, zeros_acc)
    ehW1 = pr['eh_W1']
    atab, btab, ph8 = _tc_c(
        acc1, h1, degb, pr['sage1_Wr'], pr['sage1_b'][None],
        pr['nh_W1'], pr['nh_b1'][None],
        jnp.pad(pr['nh_W2'], ((0, 0), (0, 127))),
        jnp.pad(pr['nh_b2'], (0, 127))[None],
        ehW1[:128], ehW1[128:256], pr['eh_b1'][None])
    sa, sb = _sc_edge_gather(atab, btab, sp, dp)
    ef = jnp.concatenate(
        [edge_static, q_obs[:, None], q_mask[:, None].astype(f32)], axis=1)
    ef = jnp.pad(ef, ((0, E_PAD - E), (0, 32 - ef.shape[1])))
    ehW1c = jnp.pad(ehW1[256:], ((0, 32 - (ehW1.shape[0] - 256)), (0, 0)))
    q8 = _tc_d(sa, sb, ef, ehW1c,
               jnp.pad(pr['eh_W2'], ((0, 0), (0, 127))),
               jnp.pad(pr['eh_b2'], (0, 127))[None])

    return (ph8[:N, 0], q8[:E, 0])

# --- scband reference (transcript-rebuilt; emitter-appended) ---
"""Pipeline reference for scband-recon-gnn-7894149890553 (READ-ONLY COPY).

The authoritative reference and input builder live on the scoring server;
editing this copy changes nothing except your own understanding.
"""

import jax, jax.numpy as jnp
import numpy as np

N_NODES = 10000
N_EDGES = 320000
NODE_STATIC = 128
EDGE_STATIC = 16
NODE_IN = NODE_STATIC + 2
EDGE_IN = EDGE_STATIC + 2
HID = 128
NUM_LAYERS = 2


def setup_inputs(seed: int = 0) -> dict:
    key = jax.random.key(seed)
    ks = jax.random.split(key, 32)
    inp = {}
    inp['edge_index'] = jax.random.randint(ks[0], (2, N_EDGES), 0, N_NODES, dtype=jnp.int64)
    inp['node_static'] = jax.random.normal(ks[1], (N_NODES, NODE_STATIC), dtype=jnp.float32)
    inp['edge_static'] = jax.random.normal(ks[2], (N_EDGES, EDGE_STATIC), dtype=jnp.float32)
    inp['p_obs'] = jax.random.normal(ks[3], (N_NODES,), dtype=jnp.float32)
    inp['q_obs'] = jax.random.normal(ks[4], (N_EDGES,), dtype=jnp.float32)
    inp['p_mask'] = jax.random.randint(ks[5], (N_NODES,), 0, 2) > 0
    inp['q_mask'] = jax.random.randint(ks[6], (N_EDGES,), 0, 2) > 0
    s = 0.05
    params = {}
    params['enc_W'] = jax.random.normal(ks[7], (NODE_IN, HID), dtype=jnp.float32) * s
    params['enc_b'] = jnp.zeros((HID,), dtype=jnp.float32)
    for l in range(NUM_LAYERS):
        params[f'sage{l}_Wl'] = jax.random.normal(ks[8 + 2 * l], (HID, HID), dtype=jnp.float32) * s
        params[f'sage{l}_Wr'] = jax.random.normal(ks[9 + 2 * l], (HID, HID), dtype=jnp.float32) * s
        params[f'sage{l}_b'] = jnp.zeros((HID,), dtype=jnp.float32)
    params['nh_W1'] = jax.random.normal(ks[14], (HID, HID), dtype=jnp.float32) * s
    params['nh_b1'] = jnp.zeros((HID,), dtype=jnp.float32)
    params['nh_W2'] = jax.random.normal(ks[15], (HID, 1), dtype=jnp.float32) * s
    params['nh_b2'] = jnp.zeros((1,), dtype=jnp.float32)
    params['eh_W1'] = jax.random.normal(ks[16], (2 * HID + EDGE_IN, HID), dtype=jnp.float32) * s
    params['eh_b1'] = jnp.zeros((HID,), dtype=jnp.float32)
    params['eh_W2'] = jax.random.normal(ks[17], (HID, 1), dtype=jnp.float32) * s
    params['eh_b2'] = jnp.zeros((1,), dtype=jnp.float32)
    inp['params'] = params
    return inp


def _mlp(x, W1, b1, W2, b2):
    h = jax.nn.relu(x @ W1 + b1)
    return h @ W2 + b2


def reference(edge_index, node_static, edge_static, p_obs, q_obs, p_mask, q_mask, params):
    # node feature construction
    node_feats = jnp.concatenate(
        [node_static, p_obs[:, None], p_mask[:, None].astype(jnp.float32)], axis=-1)
    h = node_feats @ params['enc_W'] + params['enc_b']
    # make_bidirectional: append reversed edges
    bi = jnp.concatenate([edge_index, edge_index[::-1]], axis=1)
    src, dst = bi[0], bi[1]
    N = h.shape[0]
    deg = jax.ops.segment_sum(jnp.ones(dst.shape, h.dtype), dst, num_segments=N)
    deg = jnp.maximum(deg, 1.0)[:, None]
    # GraphSAGE (mean aggregation) layers
    for l in range(NUM_LAYERS):
        msgs = h[src]  # gather
        agg = jax.ops.segment_sum(msgs, dst, num_segments=N)  # scatter-add
        mean = agg / deg
        h_new = mean @ params[f'sage{l}_Wl'] + h @ params[f'sage{l}_Wr'] + params[f'sage{l}_b']
        if l < NUM_LAYERS - 1:
            h_new = jax.nn.relu(h_new)
        h = h_new
    # node head
    p_hat = _mlp(h, params['nh_W1'], params['nh_b1'], params['nh_W2'], params['nh_b2']).squeeze(-1)
    # edge head on original (directed) edges
    s_idx = edge_index[0]
    d_idx = edge_index[1]
    edge_feats = jnp.concatenate(
        [h[s_idx], h[d_idx], edge_static, q_obs[:, None], q_mask[:, None].astype(jnp.float32)],
        axis=-1)
    q_hat = _mlp(edge_feats, params['eh_W1'], params['eh_b1'], params['eh_W2'], params['eh_b2']).squeeze(-1)
    return (p_hat, q_hat)

if __name__ == "__main__":
    import jax
    _d = setup_inputs()
    print(jax.jit(kernel)(*tuple(_d.values())))

</pallas_src>

<mosaic_0001>
#map = affine_map<(d0, d1) -> (0, 0, 0)>
#map1 = affine_map<(d0, d1) -> (0, 0)>
module attributes {stable_mosaic.version = 14 : i64} {
  func.func @_sc_deg(%arg0: i32, %arg1: i32, %arg2: memref<32x160x128xi32, #tpu.memory_space<hbm>>, %arg3: memref<1x80xi32, #tpu.memory_space<hbm>>, %arg4: memref<80x128xf32, #tpu.memory_space<hbm>>, %arg5: memref<2x80x128xf32, #tpu.memory_space<hbm>>, %arg6: memref<160x128xi32, #tpu.memory_space<vmem>>, %arg7: memref<81920xf32, #tpu.memory_space<vmem>>, %arg8: memref<80x128xf32, #tpu.memory_space<vmem>>, %arg9: memref<1x80xi32, #tpu.memory_space<vmem>>, %arg10: memref<80x128xf32, #tpu.memory_space<vmem_shared>>, %arg11: memref<!tpu.dma_semaphore, #tpu.memory_space<semaphore_mem>>) attributes {dimension_semantics = [#tpu.dimension_semantics<core_parallel>, #tpu.dimension_semantics<subcore_parallel>], iteration_bounds = array<i64: 2, 16>, scalar_prefetch = 0 : i64, scratch_operands = 6 : i64, tpu.core_type = #tpu.core_type<sc_vector_subcore>, window_params = [{transform_indices = #map}, {transform_indices = #map1}, {transform_indices = #map1}, {transform_indices = #map}]} {
    %mul3A = arith.constant 2 : i32
    %mul3A_0 = arith.muli %arg1, %mul3A : i32
    %add3A = arith.addi %mul3A_0, %arg0 : i32
    "tpu.region"() ({
      %run_scoped3A_50 = tpu.sem_alloc : memref<!tpu.dma_semaphore, #tpu.memory_space<semaphore_mem>>
      %dma_start3A = arith.constant 0 : i32
      %dma_start3A_51 = arith.constant 0 : i32
      %dma_start3A_52 = tpu.memref_slice %arg2[%add3A, %dma_start3A, %dma_start3A_51] : memref<32x160x128xi32, #tpu.memory_space<hbm>> -> memref<1x160x128xi32, #tpu.memory_space<hbm>>
      %dma_start3A_53 = tpu.memref_squeeze %dma_start3A_52 : memref<1x160x128xi32, #tpu.memory_space<hbm>> -> memref<160x128xi32, #tpu.memory_space<hbm>>
      %dma_start3A_54 = arith.constant 0 : i32
      %dma_start3A_55 = arith.constant 0 : i32
      %dma_start3A_56 = tpu.memref_slice %arg2[%add3A, %dma_start3A_54, %dma_start3A_55] : memref<32x160x128xi32, #tpu.memory_space<hbm>> -> memref<1x160x128xi32, #tpu.memory_space<hbm>>
      %dma_start3A_57 = tpu.memref_squeeze %dma_start3A_56 : memref<1x160x128xi32, #tpu.memory_space<hbm>> -> memref<160x128xi32, #tpu.memory_space<hbm>>
      tpu.enqueue_dma source(%dma_start3A_57 : memref<160x128xi32, #tpu.memory_space<hbm>>) target(%arg6 : memref<160x128xi32, #tpu.memory_space<vmem>>) target_semaphore(%run_scoped3A_50 : memref<!tpu.dma_semaphore, #tpu.memory_space<semaphore_mem>>)
      %dma_wait3A = arith.constant 0 : i32
      %dma_wait3A_58 = arith.constant 0 : i32
      %dma_wait3A_59 = tpu.memref_slice %arg2[%add3A, %dma_wait3A, %dma_wait3A_58] : memref<32x160x128xi32, #tpu.memory_space<hbm>> -> memref<1x160x128xi32, #tpu.memory_space<hbm>>
      %dma_wait3A_60 = tpu.memref_squeeze %dma_wait3A_59 : memref<1x160x128xi32, #tpu.memory_space<hbm>> -> memref<160x128xi32, #tpu.memory_space<hbm>>
      %dma_wait3A_61 = arith.constant 0 : i32
      %dma_wait3A_62 = arith.constant 0 : i32
      %dma_wait3A_63 = tpu.memref_slice %arg2[%add3A, %dma_wait3A_61, %dma_wait3A_62] : memref<32x160x128xi32, #tpu.memory_space<hbm>> -> memref<1x160x128xi32, #tpu.memory_space<hbm>>
      %dma_wait3A_64 = tpu.memref_squeeze %dma_wait3A_63 : memref<1x160x128xi32, #tpu.memory_space<hbm>> -> memref<160x128xi32, #tpu.memory_space<hbm>>
      tpu.wait_dma2 semaphore(%run_scoped3A_50 : memref<!tpu.dma_semaphore, #tpu.memory_space<semaphore_mem>>) src(%dma_wait3A_64 : memref<160x128xi32, #tpu.memory_space<hbm>>) dst(%arg6 : memref<160x128xi32, #tpu.memory_space<vmem>>)
      tpu.yield
    }) : () -> ()
    "tpu.region"() ({
      %run_scoped3A_50 = tpu.sem_alloc : memref<!tpu.dma_semaphore, #tpu.memory_space<semaphore_mem>>
      tpu.enqueue_dma source(%arg3 : memref<1x80xi32, #tpu.memory_space<hbm>>) target(%arg9 : memref<1x80xi32, #tpu.memory_space<vmem>>) target_semaphore(%run_scoped3A_50 : memref<!tpu.dma_semaphore, #tpu.memory_space<semaphore_mem>>)
      tpu.wait_dma2 semaphore(%run_scoped3A_50 : memref<!tpu.dma_semaphore, #tpu.memory_space<semaphore_mem>>) src(%arg3 : memref<1x80xi32, #tpu.memory_space<hbm>>) dst(%arg9 : memref<1x80xi32, #tpu.memory_space<vmem>>)
      tpu.yield
    }) : () -> ()
    %lt3A = arith.constant 10 : i32
    %lt3A_1 = arith.cmpi slt, %arg1, %lt3A : i32
    %convert_element_type3A = arith.extui %lt3A_1 : i1 to i32
    %cond3A = arith.constant 0 : i32
    %cond3A_2 = arith.cmpi ne, %convert_element_type3A, %cond3A : i32
    scf.if %cond3A_2 {
      %mul3A_50 = arith.constant 8 : i32
      %mul3A_51 = arith.muli %arg1, %mul3A_50 : i32
      %mul3A_52 = arith.constant 8 : i32
      %mul3A_53 = arith.muli %arg1, %mul3A_52 : i32
      "tpu.region"() ({
        %run_scoped3A_54 = tpu.sem_alloc : memref<!tpu.dma_semaphore, #tpu.memory_space<semaphore_mem>>
        %dma_start3A = arith.constant 0 : i32
        %dma_start3A_55 = tpu.memref_slice %arg10[%mul3A_53, %dma_start3A] : memref<80x128xf32, #tpu.memory_space<vmem_shared>> -> memref<8x128xf32, #tpu.memory_space<vmem_shared>>
        %dma_start3A_56 = arith.constant 0 : i32
        %dma_start3A_57 = tpu.memref_slice %arg4[%mul3A_51, %dma_start3A_56] : memref<80x128xf32, #tpu.memory_space<hbm>> -> memref<8x128xf32, #tpu.memory_space<hbm>>
        tpu.enqueue_dma source(%dma_start3A_57 : memref<8x128xf32, #tpu.memory_space<hbm>>) target(%dma_start3A_55 : memref<8x128xf32, #tpu.memory_space<vmem_shared>>) target_semaphore(%run_scoped3A_54 : memref<!tpu.dma_semaphore, #tpu.memory_space<semaphore_mem>>)
        %dma_wait3A = arith.constant 0 : i32
        %dma_wait3A_58 = tpu.memref_slice %arg10[%mul3A_53, %dma_wait3A] : memref<80x128xf32, #tpu.memory_space<vmem_shared>> -> memref<8x128xf32, #tpu.memory_space<vmem_shared>>
        %dma_wait3A_59 = arith.constant 0 : i32
        %dma_wait3A_60 = tpu.memref_slice %arg4[%mul3A_51, %dma_wait3A_59] : memref<80x128xf32, #tpu.memory_space<hbm>> -> memref<8x128xf32, #tpu.memory_space<hbm>>
        tpu.wait_dma2 semaphore(%run_scoped3A_54 : memref<!tpu.dma_semaphore, #tpu.memory_space<semaphore_mem>>) src(%dma_wait3A_60 : memref<8x128xf32, #tpu.memory_space<hbm>>) dst(%dma_wait3A_58 : memref<8x128xf32, #tpu.memory_space<vmem_shared>>)
        tpu.yield
      }) : () -> ()
    } else {
    }
    %iota3A = tpu.iota {dimensions = array<i32: 0>} : vector<16xi32>
    %mul3A_3 = arith.constant 5120 : i32
    %mul3A_4 = vector.broadcast %mul3A_3 : i32 to vector<16xi32>
    %mul3A_5 = arith.muli %iota3A, %mul3A_4 : vector<16xi32>
    %broadcast_in_dim3A = arith.constant 1.000000e+00 : f32
    %broadcast_in_dim3A_6 = vector.broadcast %broadcast_in_dim3A : f32 to vector<16xf32>
    %broadcast_in_dim3A_7 = arith.constant 0.000000e+00 : f32
    %broadcast_in_dim3A_8 = vector.broadcast %broadcast_in_dim3A_7 : f32 to vector<16xf32>
    %scan3A = arith.constant 0 : i32
    %scan3A_9 = arith.constant 0 : i32
    %scan3A_10 = arith.constant 5120 : i32
    %scan3A_11 = arith.addi %scan3A_9, %scan3A_10 : i32
    %scan3A_12 = arith.constant 1 : i32
    scf.for %scan3A_50 = %scan3A_9 to %scan3A_11 step %scan3A_12  : i32 {
      %mul3A_51 = arith.constant 16 : i32
      %mul3A_52 = arith.muli %scan3A_50, %mul3A_51 : i32
      %swap3A = arith.index_cast %mul3A_52 : i32 to index
      %swap3A_53 = tpu.vector_load %arg7[%swap3A] {strides = array<i32>} : memref<81920xf32, #tpu.memory_space<vmem>>, vector<16xf32>,
      tpu.vector_store %arg7[%swap3A], %broadcast_in_dim3A_8 {strides = array<i32>} : memref<81920xf32, #tpu.memory_space<vmem>>, vector<16xf32>,
    }
    %scan3A_13 = arith.constant 5120 : i32
    %scan3A_14 = arith.constant 0 : i32
    %scan3A_15 = arith.constant 0 : i32
    %scan3A_16 = arith.constant 160 : i32
    %scan3A_17 = arith.addi %scan3A_15, %scan3A_16 : i32
    %scan3A_18 = arith.constant 1 : i32
    scf.for %scan3A_50 = %scan3A_15 to %scan3A_17 step %scan3A_18  : i32 {
      %get3A = arith.index_cast %scan3A_50 : i32 to index
      %get3A_51 = arith.constant 0 : index
      %get3A_52 = tpu.vector_load %arg6[%get3A, %get3A_51] {strides = array<i32>} : memref<160x128xi32, #tpu.memory_space<vmem>>, vector<16xi32>,
      %ge3A = arith.constant 0 : i32
      %ge3A_53 = vector.broadcast %ge3A : i32 to vector<16xi32>
      %ge3A_54 = arith.cmpi sge, %get3A_52, %ge3A_53 : vector<16xi32>
      %lt3A_55 = arith.constant 5120 : i32
      %lt3A_56 = vector.broadcast %lt3A_55 : i32 to vector<16xi32>
      %lt3A_57 = arith.cmpi slt, %get3A_52, %lt3A_56 : vector<16xi32>
      %and3A = arith.andi %ge3A_54, %lt3A_57 : vector<16xi1>
      %sub3A = arith.constant 0 : i32
      %sub3A_58 = vector.broadcast %sub3A : i32 to vector<16xi32>
      %sub3A_59 = arith.subi %get3A_52, %sub3A_58 : vector<16xi32>
      %jit3A = arith.constant 0 : i32
      %broadcast_in_dim3A_60 = vector.broadcast %jit3A : i32 to vector<16xi32>
      %select_n3A = arith.select %and3A, %sub3A_59, %broadcast_in_dim3A_60 : vector<16xi1>, vector<16xi32>
      %add3A_61 = arith.addi %select_n3A, %mul3A_5 : vector<16xi32>
      tpu.vector_store_idx %arg7[%add3A_61], %broadcast_in_dim3A_6 masked %and3A {add = true} : memref<81920xf32, #tpu.memory_space<vmem>>[vector<16xi32>], vector<16xf32>, vector<16xi1>
      %get3A_62 = arith.index_cast %scan3A_50 : i32 to index
      %get3A_63 = arith.constant 16 : index
      %get3A_64 = tpu.vector_load %arg6[%get3A_62, %get3A_63] {strides = array<i32>} : memref<160x128xi32, #tpu.memory_space<vmem>>, vector<16xi32>,
      %ge3A_65 = arith.constant 0 : i32
      %ge3A_66 = vector.broadcast %ge3A_65 : i32 to vector<16xi32>
      %ge3A_67 = arith.cmpi sge, %get3A_64, %ge3A_66 : vector<16xi32>
      %lt3A_68 = arith.constant 5120 : i32
      %lt3A_69 = vector.broadcast %lt3A_68 : i32 to vector<16xi32>
      %lt3A_70 = arith.cmpi slt, %get3A_64, %lt3A_69 : vector<16xi32>
      %and3A_71 = arith.andi %ge3A_67, %lt3A_70 : vector<16xi1>
      %sub3A_72 = arith.constant 0 : i32
      %sub3A_73 = vector.broadcast %sub3A_72 : i32 to vector<16xi32>
      %sub3A_74 = arith.subi %get3A_64, %sub3A_73 : vector<16xi32>
      %jit3A_75 = arith.constant 0 : i32
      %broadcast_in_dim3A_76 = vector.broadcast %jit3A_75 : i32 to vector<16xi32>
      %select_n3A_77 = arith.select %and3A_71, %sub3A_74, %broadcast_in_dim3A_76 : vector<16xi1>, vector<16xi32>
      %add3A_78 = arith.addi %select_n3A_77, %mul3A_5 : vector<16xi32>
      tpu.vector_store_idx %arg7[%add3A_78], %broadcast_in_dim3A_6 masked %and3A_71 {add = true} : memref<81920xf32, #tpu.memory_space<vmem>>[vector<16xi32>], vector<16xf32>, vector<16xi1>
      %get3A_79 = arith.index_cast %scan3A_50 : i32 to index
      %get3A_80 = arith.constant 32 : index
      %get3A_81 = tpu.vector_load %arg6[%get3A_79, %get3A_80] {strides = array<i32>} : memref<160x128xi32, #tpu.memory_space<vmem>>, vector<16xi32>,
      %ge3A_82 = arith.constant 0 : i32
      %ge3A_83 = vector.broadcast %ge3A_82 : i32 to vector<16xi32>
      %ge3A_84 = arith.cmpi sge, %get3A_81, %ge3A_83 : vector<16xi32>
      %lt3A_85 = arith.constant 5120 : i32
      %lt3A_86 = vector.broadcast %lt3A_85 : i32 to vector<16xi32>
      %lt3A_87 = arith.cmpi slt, %get3A_81, %lt3A_86 : vector<16xi32>
      %and3A_88 = arith.andi %ge3A_84, %lt3A_87 : vector<16xi1>
      %sub3A_89 = arith.constant 0 : i32
      %sub3A_90 = vector.broadcast %sub3A_89 : i32 to vector<16xi32>
      %sub3A_91 = arith.subi %get3A_81, %sub3A_90 : vector<16xi32>
      %jit3A_92 = arith.constant 0 : i32
      %broadcast_in_dim3A_93 = vector.broadcast %jit3A_92 : i32 to vector<16xi32>
      %select_n3A_94 = arith.select %and3A_88, %sub3A_91, %broadcast_in_dim3A_93 : vector<16xi1>, vector<16xi32>
      %add3A_95 = arith.addi %select_n3A_94, %mul3A_5 : vector<16xi32>
      tpu.vector_store_idx %arg7[%add3A_95], %broadcast_in_dim3A_6 masked %and3A_88 {add = true} : memref<81920xf32, #tpu.memory_space<vmem>>[vector<16xi32>], vector<16xf32>, vector<16xi1>
      %get3A_96 = arith.index_cast %scan3A_50 : i32 to index
      %get3A_97 = arith.constant 48 : index
      %get3A_98 = tpu.vector_load %arg6[%get3A_96, %get3A_97] {strides = array<i32>} : memref<160x128xi32, #tpu.memory_space<vmem>>, vector<16xi32>,
      %ge3A_99 = arith.constant 0 : i32
      %ge3A_100 = vector.broadcast %ge3A_99 : i32 to vector<16xi32>
      %ge3A_101 = arith.cmpi sge, %get3A_98, %ge3A_100 : vector<16xi32>
      %lt3A_102 = arith.constant 5120 : i32
      %lt3A_103 = vector.broadcast %lt3A_102 : i32 to vector<16xi32>
      %lt3A_104 = arith.cmpi slt, %get3A_98, %lt3A_103 : vector<16xi32>
      %and3A_105 = arith.andi %ge3A_101, %lt3A_104 : vector<16xi1>
      %sub3A_106 = arith.constant 0 : i32
      %sub3A_107 = vector.broadcast %sub3A_106 : i32 to vector<16xi32>
      %sub3A_108 = arith.subi %get3A_98, %sub3A_107 : vector<16xi32>
      %jit3A_109 = arith.constant 0 : i32
      %broadcast_in_dim3A_110 = vector.broadcast %jit3A_109 : i32 to vector<16xi32>
      %select_n3A_111 = arith.select %and3A_105, %sub3A_108, %broadcast_in_dim3A_110 : vector<16xi1>, vector<16xi32>
      %add3A_112 = arith.addi %select_n3A_111, %mul3A_5 : vector<16xi32>
      tpu.vector_store_idx %arg7[%add3A_112], %broadcast_in_dim3A_6 masked %and3A_105 {add = true} : memref<81920xf32, #tpu.memory_space<vmem>>[vector<16xi32>], vector<16xf32>, vector<16xi1>
      %get3A_113 = arith.index_cast %scan3A_50 : i32 to index
      %get3A_114 = arith.constant 64 : index
      %get3A_115 = tpu.vector_load %arg6[%get3A_113, %get3A_114] {strides = array<i32>} : memref<160x128xi32, #tpu.memory_space<vmem>>, vector<16xi32>,
      %ge3A_116 = arith.constant 0 : i32
      %ge3A_117 = vector.broadcast %ge3A_116 : i32 to vector<16xi32>
      %ge3A_118 = arith.cmpi sge, %get3A_115, %ge3A_117 : vector<16xi32>
      %lt3A_119 = arith.constant 5120 : i32
      %lt3A_120 = vector.broadcast %lt3A_119 : i32 to vector<16xi32>
      %lt3A_121 = arith.cmpi slt, %get3A_115, %lt3A_120 : vector<16xi32>
      %and3A_122 = arith.andi %ge3A_118, %lt3A_121 : vector<16xi1>
      %sub3A_123 = arith.constant 0 : i32
      %sub3A_124 = vector.broadcast %sub3A_123 : i32 to vector<16xi32>
      %sub3A_125 = arith.subi %get3A_115, %sub3A_124 : vector<16xi32>
      %jit3A_126 = arith.constant 0 : i32
      %broadcast_in_dim3A_127 = vector.broadcast %jit3A_126 : i32 to vector<16xi32>
      %select_n3A_128 = arith.select %and3A_122, %sub3A_125, %broadcast_in_dim3A_127 : vector<16xi1>, vector<16xi32>
      %add3A_129 = arith.addi %select_n3A_128, %mul3A_5 : vector<16xi32>
      tpu.vector_store_idx %arg7[%add3A_129], %broadcast_in_dim3A_6 masked %and3A_122 {add = true} : memref<81920xf32, #tpu.memory_space<vmem>>[vector<16xi32>], vector<16xf32>, vector<16xi1>
      %get3A_130 = arith.index_cast %scan3A_50 : i32 to index
      %get3A_131 = arith.constant 80 : index
      %get3A_132 = tpu.vector_load %arg6[%get3A_130, %get3A_131] {strides = array<i32>} : memref<160x128xi32, #tpu.memory_space<vmem>>, vector<16xi32>,
      %ge3A_133 = arith.constant 0 : i32
      %ge3A_134 = vector.broadcast %ge3A_133 : i32 to vector<16xi32>
      %ge3A_135 = arith.cmpi sge, %get3A_132, %ge3A_134 : vector<16xi32>
      %lt3A_136 = arith.constant 5120 : i32
      %lt3A_137 = vector.broadcast %lt3A_136 : i32 to vector<16xi32>
      %lt3A_138 = arith.cmpi slt, %get3A_132, %lt3A_137 : vector<16xi32>
      %and3A_139 = arith.andi %ge3A_135, %lt3A_138 : vector<16xi1>
      %sub3A_140 = arith.constant 0 : i32
      %sub3A_141 = vector.broadcast %sub3A_140 : i32 to vector<16xi32>
      %sub3A_142 = arith.subi %get3A_132, %sub3A_141 : vector<16xi32>
      %jit3A_143 = arith.constant 0 : i32
      %broadcast_in_dim3A_144 = vector.broadcast %jit3A_143 : i32 to vector<16xi32>
      %select_n3A_145 = arith.select %and3A_139, %sub3A_142, %broadcast_in_dim3A_144 : vector<16xi1>, vector<16xi32>
      %add3A_146 = arith.addi %select_n3A_145, %mul3A_5 : vector<16xi32>
      tpu.vector_store_idx %arg7[%add3A_146], %broadcast_in_dim3A_6 masked %and3A_139 {add = true} : memref<81920xf32, #tpu.memory_space<vmem>>[vector<16xi32>], vector<16xf32>, vector<16xi1>
      %get3A_147 = arith.index_cast %scan3A_50 : i32 to index
      %get3A_148 = arith.constant 96 : index
      %get3A_149 = tpu.vector_load %arg6[%get3A_147, %get3A_148] {strides = array<i32>} : memref<160x128xi32, #tpu.memory_space<vmem>>, vector<16xi32>,
      %ge3A_150 = arith.constant 0 : i32
      %ge3A_151 = vector.broadcast %ge3A_150 : i32 to vector<16xi32>
      %ge3A_152 = arith.cmpi sge, %get3A_149, %ge3A_151 : vector<16xi32>
      %lt3A_153 = arith.constant 5120 : i32
      %lt3A_154 = vector.broadcast %lt3A_153 : i32 to vector<16xi32>
      %lt3A_155 = arith.cmpi slt, %get3A_149, %lt3A_154 : vector<16xi32>
      %and3A_156 = arith.andi %ge3A_152, %lt3A_155 : vector<16xi1>
      %sub3A_157 = arith.constant 0 : i32
      %sub3A_158 = vector.broadcast %sub3A_157 : i32 to vector<16xi32>
      %sub3A_159 = arith.subi %get3A_149, %sub3A_158 : vector<16xi32>
      %jit3A_160 = arith.constant 0 : i32
      %broadcast_in_dim3A_161 = vector.broadcast %jit3A_160 : i32 to vector<16xi32>
      %select_n3A_162 = arith.select %and3A_156, %sub3A_159, %broadcast_in_dim3A_161 : vector<16xi1>, vector<16xi32>
      %add3A_163 = arith.addi %select_n3A_162, %mul3A_5 : vector<16xi32>
      tpu.vector_store_idx %arg7[%add3A_163], %broadcast_in_dim3A_6 masked %and3A_156 {add = true} : memref<81920xf32, #tpu.memory_space<vmem>>[vector<16xi32>], vector<16xf32>, vector<16xi1>
      %get3A_164 = arith.index_cast %scan3A_50 : i32 to index
      %get3A_165 = arith.constant 112 : index
      %get3A_166 = tpu.vector_load %arg6[%get3A_164, %get3A_165] {strides = array<i32>} : memref<160x128xi32, #tpu.memory_space<vmem>>, vector<16xi32>,
      %ge3A_167 = arith.constant 0 : i32
      %ge3A_168 = vector.broadcast %ge3A_167 : i32 to vector<16xi32>
      %ge3A_169 = arith.cmpi sge, %get3A_166, %ge3A_168 : vector<16xi32>
      %lt3A_170 = arith.constant 5120 : i32
      %lt3A_171 = vector.broadcast %lt3A_170 : i32 to vector<16xi32>
      %lt3A_172 = arith.cmpi slt, %get3A_166, %lt3A_171 : vector<16xi32>
      %and3A_173 = arith.andi %ge3A_169, %lt3A_172 : vector<16xi1>
      %sub3A_174 = arith.constant 0 : i32
      %sub3A_175 = vector.broadcast %sub3A_174 : i32 to vector<16xi32>
      %sub3A_176 = arith.subi %get3A_166, %sub3A_175 : vector<16xi32>
      %jit3A_177 = arith.constant 0 : i32
      %broadcast_in_dim3A_178 = vector.broadcast %jit3A_177 : i32 to vector<16xi32>
      %select_n3A_179 = arith.select %and3A_173, %sub3A_176, %broadcast_in_dim3A_178 : vector<16xi1>, vector<16xi32>
      %add3A_180 = arith.addi %select_n3A_179, %mul3A_5 : vector<16xi32>
      tpu.vector_store_idx %arg7[%add3A_180], %broadcast_in_dim3A_6 masked %and3A_173 {add = true} : memref<81920xf32, #tpu.memory_space<vmem>>[vector<16xi32>], vector<16xf32>, vector<16xi1>
    }
    %scan3A_19 = arith.constant 160 : i32
    %scan3A_20 = arith.constant 0 : i32
    %scan3A_21 = arith.constant 0 : i32
    %scan3A_22 = arith.constant 320 : i32
    %scan3A_23 = arith.addi %scan3A_21, %scan3A_22 : i32
    %scan3A_24 = arith.constant 1 : i32
    scf.for %scan3A_50 = %scan3A_21 to %scan3A_23 step %scan3A_24  : i32 {
      %mul3A_51 = arith.constant 16 : i32
      %mul3A_52 = arith.muli %scan3A_50, %mul3A_51 : i32
      %get3A = arith.index_cast %mul3A_52 : i32 to index
      %get3A_53 = tpu.vector_load %arg7[%get3A] {strides = array<i32>} : memref<81920xf32, #tpu.memory_space<vmem>>, vector<16xf32>,
      %mul3A_54 = arith.constant 16 : i32
      %mul3A_55 = arith.muli %scan3A_50, %mul3A_54 : i32
      %add3A_56 = arith.constant 5120 : i32
      %add3A_57 = arith.addi %add3A_56, %mul3A_55 : i32
      %get3A_58 = arith.index_cast %add3A_57 : i32 to index
      %get3A_59 = tpu.vector_load %arg7[%get3A_58] {strides = array<i32>} : memref<81920xf32, #tpu.memory_space<vmem>>, vector<16xf32>,
      %add3A_60 = arith.addf %get3A_53, %get3A_59 : vector<16xf32>
      %mul3A_61 = arith.constant 16 : i32
      %mul3A_62 = arith.muli %scan3A_50, %mul3A_61 : i32
      %add3A_63 = arith.constant 10240 : i32
      %add3A_64 = arith.addi %add3A_63, %mul3A_62 : i32
      %get3A_65 = arith.index_cast %add3A_64 : i32 to index
      %get3A_66 = tpu.vector_load %arg7[%get3A_65] {strides = array<i32>} : memref<81920xf32, #tpu.memory_space<vmem>>, vector<16xf32>,
      %add3A_67 = arith.addf %add3A_60, %get3A_66 : vector<16xf32>
      %mul3A_68 = arith.constant 16 : i32
      %mul3A_69 = arith.muli %scan3A_50, %mul3A_68 : i32
      %add3A_70 = arith.constant 15360 : i32
      %add3A_71 = arith.addi %add3A_70, %mul3A_69 : i32
      %get3A_72 = arith.index_cast %add3A_71 : i32 to index
      %get3A_73 = tpu.vector_load %arg7[%get3A_72] {strides = array<i32>} : memref<81920xf32, #tpu.memory_space<vmem>>, vector<16xf32>,
      %add3A_74 = arith.addf %add3A_67, %get3A_73 : vector<16xf32>
      %mul3A_75 = arith.constant 16 : i32
      %mul3A_76 = arith.muli %scan3A_50, %mul3A_75 : i32
      %add3A_77 = arith.constant 20480 : i32
      %add3A_78 = arith.addi %add3A_77, %mul3A_76 : i32
      %get3A_79 = arith.index_cast %add3A_78 : i32 to index
      %get3A_80 = tpu.vector_load %arg7[%get3A_79] {strides = array<i32>} : memref<81920xf32, #tpu.memory_space<vmem>>, vector<16xf32>,
      %add3A_81 = arith.addf %add3A_74, %get3A_80 : vector<16xf32>
      %mul3A_82 = arith.constant 16 : i32
      %mul3A_83 = arith.muli %scan3A_50, %mul3A_82 : i32
      %add3A_84 = arith.constant 25600 : i32
      %add3A_85 = arith.addi %add3A_84, %mul3A_83 : i32
      %get3A_86 = arith.index_cast %add3A_85 : i32 to index
      %get3A_87 = tpu.vector_load %arg7[%get3A_86] {strides = array<i32>} : memref<81920xf32, #tpu.memory_space<vmem>>, vector<16xf32>,
      %add3A_88 = arith.addf %add3A_81, %get3A_87 : vector<16xf32>
      %mul3A_89 = arith.constant 16 : i32
      %mul3A_90 = arith.muli %scan3A_50, %mul3A_89 : i32
      %add3A_91 = arith.constant 30720 : i32
      %add3A_92 = arith.addi %add3A_91, %mul3A_90 : i32
      %get3A_93 = arith.index_cast %add3A_92 : i32 to index
      %get3A_94 = tpu.vector_load %arg7[%get3A_93] {strides = array<i32>} : memref<81920xf32, #tpu.memory_space<vmem>>, vector<16xf32>,
      %add3A_95 = arith.addf %add3A_88, %get3A_94 : vector<16xf32>
      %mul3A_96 = arith.constant 16 : i32
      %mul3A_97 = arith.muli %scan3A_50, %mul3A_96 : i32
      %add3A_98 = arith.constant 35840 : i32
      %add3A_99 = arith.addi %add3A_98, %mul3A_97 : i32
      %get3A_100 = arith.index_cast %add3A_99 : i32 to index
      %get3A_101 = tpu.vector_load %arg7[%get3A_100] {strides = array<i32>} : memref<81920xf32, #tpu.memory_space<vmem>>, vector<16xf32>,
      %add3A_102 = arith.addf %add3A_95, %get3A_101 : vector<16xf32>
      %mul3A_103 = arith.constant 16 : i32
      %mul3A_104 = arith.muli %scan3A_50, %mul3A_103 : i32
      %add3A_105 = arith.constant 40960 : i32
      %add3A_106 = arith.addi %add3A_105, %mul3A_104 : i32
      %get3A_107 = arith.index_cast %add3A_106 : i32 to index
      %get3A_108 = tpu.vector_load %arg7[%get3A_107] {strides = array<i32>} : memref<81920xf32, #tpu.memory_space<vmem>>, vector<16xf32>,
      %add3A_109 = arith.addf %add3A_102, %get3A_108 : vector<16xf32>
      %mul3A_110 = arith.constant 16 : i32
      %mul3A_111 = arith.muli %scan3A_50, %mul3A_110 : i32
      %add3A_112 = arith.constant 46080 : i32
      %add3A_113 = arith.addi %add3A_112, %mul3A_111 : i32
      %get3A_114 = arith.index_cast %add3A_113 : i32 to index
      %get3A_115 = tpu.vector_load %arg7[%get3A_114] {strides = array<i32>} : memref<81920xf32, #tpu.memory_space<vmem>>, vector<16xf32>,
      %add3A_116 = arith.addf %add3A_109, %get3A_115 : vector<16xf32>
      %mul3A_117 = arith.constant 16 : i32
      %mul3A_118 = arith.muli %scan3A_50, %mul3A_117 : i32
      %add3A_119 = arith.constant 51200 : i32
      %add3A_120 = arith.addi %add3A_119, %mul3A_118 : i32
      %get3A_121 = arith.index_cast %add3A_120 : i32 to index
      %get3A_122 = tpu.vector_load %arg7[%get3A_121] {strides = array<i32>} : memref<81920xf32, #tpu.memory_space<vmem>>, vector<16xf32>,
      %add3A_123 = arith.addf %add3A_116, %get3A_122 : vector<16xf32>
      %mul3A_124 = arith.constant 16 : i32
      %mul3A_125 = arith.muli %scan3A_50, %mul3A_124 : i32
      %add3A_126 = arith.constant 56320 : i32
      %add3A_127 = arith.addi %add3A_126, %mul3A_125 : i32
      %get3A_128 = arith.index_cast %add3A_127 : i32 to index
      %get3A_129 = tpu.vector_load %arg7[%get3A_128] {strides = array<i32>} : memref<81920xf32, #tpu.memory_space<vmem>>, vector<16xf32>,
      %add3A_130 = arith.addf %add3A_123, %get3A_129 : vector<16xf32>
      %mul3A_131 = arith.constant 16 : i32
      %mul3A_132 = arith.muli %scan3A_50, %mul3A_131 : i32
      %add3A_133 = arith.constant 61440 : i32
      %add3A_134 = arith.addi %add3A_133, %mul3A_132 : i32
      %get3A_135 = arith.index_cast %add3A_134 : i32 to index
      %get3A_136 = tpu.vector_load %arg7[%get3A_135] {strides = array<i32>} : memref<81920xf32, #tpu.memory_space<vmem>>, vector<16xf32>,
      %add3A_137 = arith.addf %add3A_130, %get3A_136 : vector<16xf32>
      %mul3A_138 = arith.constant 16 : i32
      %mul3A_139 = arith.muli %scan3A_50, %mul3A_138 : i32
      %add3A_140 = arith.constant 66560 : i32
      %add3A_141 = arith.addi %add3A_140, %mul3A_139 : i32
      %get3A_142 = arith.index_cast %add3A_141 : i32 to index
      %get3A_143 = tpu.vector_load %arg7[%get3A_142] {strides = array<i32>} : memref<81920xf32, #tpu.memory_space<vmem>>, vector<16xf32>,
      %add3A_144 = arith.addf %add3A_137, %get3A_143 : vector<16xf32>
      %mul3A_145 = arith.constant 16 : i32
      %mul3A_146 = arith.muli %scan3A_50, %mul3A_145 : i32
      %add3A_147 = arith.constant 71680 : i32
      %add3A_148 = arith.addi %add3A_147, %mul3A_146 : i32
      %get3A_149 = arith.index_cast %add3A_148 : i32 to index
      %get3A_150 = tpu.vector_load %arg7[%get3A_149] {strides = array<i32>} : memref<81920xf32, #tpu.memory_space<vmem>>, vector<16xf32>,
      %add3A_151 = arith.addf %add3A_144, %get3A_150 : vector<16xf32>
      %mul3A_152 = arith.constant 16 : i32
      %mul3A_153 = arith.muli %scan3A_50, %mul3A_152 : i32
      %add3A_154 = arith.constant 76800 : i32
      %add3A_155 = arith.addi %add3A_154, %mul3A_153 : i32
      %get3A_156 = arith.index_cast %add3A_155 : i32 to index
      %get3A_157 = tpu.vector_load %arg7[%get3A_156] {strides = array<i32>} : memref<81920xf32, #tpu.memory_space<vmem>>, vector<16xf32>,
      %add3A_158 = arith.addf %add3A_151, %get3A_157 : vector<16xf32>
      %mul3A_159 = arith.constant 16 : i32
      %mul3A_160 = arith.muli %scan3A_50, %mul3A_159 : i32
      %add3A_161 = arith.constant 0 : i32
      %add3A_162 = arith.addi %add3A_161, %mul3A_160 : i32
      %jit3A = arith.constant 128 : i32
      %div3A = arith.divsi %add3A_162, %jit3A : i32
      %sign3A = arith.constant 0 : i32
      %sign3A_163 = arith.cmpi sgt, %add3A_162, %sign3A : i32
      %sign3A_164 = arith.extui %sign3A_163 : i1 to i32
      %sign3A_165 = arith.constant 0 : i32
      %sign3A_166 = arith.cmpi slt, %add3A_162, %sign3A_165 : i32
      %sign3A_167 = arith.extui %sign3A_166 : i1 to i32
      %sign3A_168 = arith.subi %sign3A_164, %sign3A_167 : i32
      %sign3A_169 = arith.constant 0 : i32
      %sign3A_170 = arith.cmpi sgt, %jit3A, %sign3A_169 : i32
      %sign3A_171 = arith.extui %sign3A_170 : i1 to i32
      %sign3A_172 = arith.constant 0 : i32
      %sign3A_173 = arith.cmpi slt, %jit3A, %sign3A_172 : i32
      %sign3A_174 = arith.extui %sign3A_173 : i1 to i32
      %sign3A_175 = arith.subi %sign3A_171, %sign3A_174 : i32
      %ne3A = arith.cmpi ne, %sign3A_168, %sign3A_175 : i32
      %rem3A = arith.remsi %add3A_162, %jit3A : i32
      %ne3A_176 = arith.constant 0 : i32
      %ne3A_177 = arith.cmpi ne, %rem3A, %ne3A_176 : i32
      %and3A = arith.andi %ne3A, %ne3A_177 : i1
      %sub3A = arith.constant 1 : i32
      %sub3A_178 = arith.subi %div3A, %sub3A : i32
      %select_n3A = arith.select %and3A, %sub3A_178, %div3A : i32
      %jit3A_179 = arith.constant 128 : i32
      %eq3A = arith.constant 0 : i32
      %eq3A_180 = arith.cmpi eq, %jit3A_179, %eq3A : i32
      %jit3A_181 = arith.constant 1 : i32
      %select_n3A_182 = arith.select %eq3A_180, %jit3A_181, %jit3A_179 : i32
      %rem3A_183 = arith.remsi %add3A_162, %select_n3A_182 : i32
      %ne3A_184 = arith.constant 0 : i32
      %ne3A_185 = arith.cmpi ne, %rem3A_183, %ne3A_184 : i32
      %lt3A_186 = arith.constant 0 : i32
      %lt3A_187 = arith.cmpi slt, %rem3A_183, %lt3A_186 : i32
      %lt3A_188 = arith.constant 0 : i32
      %lt3A_189 = arith.cmpi slt, %select_n3A_182, %lt3A_188 : i32
      %ne3A_190 = arith.xori %lt3A_187, %lt3A_189 : i1
      %and3A_191 = arith.andi %ne3A_190, %ne3A_185 : i1
      %add3A_192 = arith.addi %rem3A_183, %select_n3A_182 : i32
      %select_n3A_193 = arith.select %and3A_191, %add3A_192, %rem3A_183 : i32
      %swap3A = arith.index_cast %select_n3A : i32 to index
      %swap3A_194 = arith.index_cast %select_n3A_193 : i32 to index
      %swap3A_195 = tpu.vector_load %arg8[%swap3A, %swap3A_194] {strides = array<i32>} : memref<80x128xf32, #tpu.memory_space<vmem>>, vector<16xf32>,
      tpu.vector_store %arg8[%swap3A, %swap3A_194], %add3A_158 {strides = array<i32>} : memref<80x128xf32, #tpu.memory_space<vmem>>, vector<16xf32>,
    }
    %scan3A_25 = arith.constant 320 : i32
    %scan3A_26 = arith.constant 0 : i32
    %scan3A_27 = arith.constant 0 : i32
    %scan3A_28 = arith.constant 5120 : i32
    %scan3A_29 = arith.addi %scan3A_27, %scan3A_28 : i32
    %scan3A_30 = arith.constant 1 : i32
    scf.for %scan3A_50 = %scan3A_27 to %scan3A_29 step %scan3A_30  : i32 {
      %mul3A_51 = arith.constant 16 : i32
      %mul3A_52 = arith.muli %scan3A_50, %mul3A_51 : i32
      %swap3A = arith.index_cast %mul3A_52 : i32 to index
      %swap3A_53 = tpu.vector_load %arg7[%swap3A] {strides = array<i32>} : memref<81920xf32, #tpu.memory_space<vmem>>, vector<16xf32>,
      tpu.vector_store %arg7[%swap3A], %broadcast_in_dim3A_8 {strides = array<i32>} : memref<81920xf32, #tpu.memory_space<vmem>>, vector<16xf32>,
    }
    %scan3A_31 = arith.constant 5120 : i32
    %scan3A_32 = arith.constant 0 : i32
    %scan3A_33 = arith.constant 0 : i32
    %scan3A_34 = arith.constant 160 : i32
    %scan3A_35 = arith.addi %scan3A_33, %scan3A_34 : i32
    %scan3A_36 = arith.constant 1 : i32
    scf.for %scan3A_50 = %scan3A_33 to %scan3A_35 step %scan3A_36  : i32 {
      %get3A = arith.index_cast %scan3A_50 : i32 to index
      %get3A_51 = arith.constant 0 : index
      %get3A_52 = tpu.vector_load %arg6[%get3A, %get3A_51] {strides = array<i32>} : memref<160x128xi32, #tpu.memory_space<vmem>>, vector<16xi32>,
      %ge3A = arith.constant 5120 : i32
      %ge3A_53 = vector.broadcast %ge3A : i32 to vector<16xi32>
      %ge3A_54 = arith.cmpi sge, %get3A_52, %ge3A_53 : vector<16xi32>
      %lt3A_55 = arith.constant 10240 : i32
      %lt3A_56 = vector.broadcast %lt3A_55 : i32 to vector<16xi32>
      %lt3A_57 = arith.cmpi slt, %get3A_52, %lt3A_56 : vector<16xi32>
      %and3A = arith.andi %ge3A_54, %lt3A_57 : vector<16xi1>
      %sub3A = arith.constant 5120 : i32
      %sub3A_58 = vector.broadcast %sub3A : i32 to vector<16xi32>
      %sub3A_59 = arith.subi %get3A_52, %sub3A_58 : vector<16xi32>
      %jit3A = arith.constant 0 : i32
      %broadcast_in_dim3A_60 = vector.broadcast %jit3A : i32 to vector<16xi32>
      %select_n3A = arith.select %and3A, %sub3A_59, %broadcast_in_dim3A_60 : vector<16xi1>, vector<16xi32>
      %add3A_61 = arith.addi %select_n3A, %mul3A_5 : vector<16xi32>
      tpu.vector_store_idx %arg7[%add3A_61], %broadcast_in_dim3A_6 masked %and3A {add = true} : memref<81920xf32, #tpu.memory_space<vmem>>[vector<16xi32>], vector<16xf32>, vector<16xi1>
      %get3A_62 = arith.index_cast %scan3A_50 : i32 to index
      %get3A_63 = arith.constant 16 : index
      %get3A_64 = tpu.vector_load %arg6[%get3A_62, %get3A_63] {strides = array<i32>} : memref<160x128xi32, #tpu.memory_space<vmem>>, vector<16xi32>,
      %ge3A_65 = arith.constant 5120 : i32
      %ge3A_66 = vector.broadcast %ge3A_65 : i32 to vector<16xi32>
      %ge3A_67 = arith.cmpi sge, %get3A_64, %ge3A_66 : vector<16xi32>
      %lt3A_68 = arith.constant 10240 : i32
      %lt3A_69 = vector.broadcast %lt3A_68 : i32 to vector<16xi32>
      %lt3A_70 = arith.cmpi slt, %get3A_64, %lt3A_69 : vector<16xi32>
      %and3A_71 = arith.andi %ge3A_67, %lt3A_70 : vector<16xi1>
      %sub3A_72 = arith.constant 5120 : i32
      %sub3A_73 = vector.broadcast %sub3A_72 : i32 to vector<16xi32>
      %sub3A_74 = arith.subi %get3A_64, %sub3A_73 : vector<16xi32>
      %jit3A_75 = arith.constant 0 : i32
      %broadcast_in_dim3A_76 = vector.broadcast %jit3A_75 : i32 to vector<16xi32>
      %select_n3A_77 = arith.select %and3A_71, %sub3A_74, %broadcast_in_dim3A_76 : vector<16xi1>, vector<16xi32>
      %add3A_78 = arith.addi %select_n3A_77, %mul3A_5 : vector<16xi32>
      tpu.vector_store_idx %arg7[%add3A_78], %broadcast_in_dim3A_6 masked %and3A_71 {add = true} : memref<81920xf32, #tpu.memory_space<vmem>>[vector<16xi32>], vector<16xf32>, vector<16xi1>
      %get3A_79 = arith.index_cast %scan3A_50 : i32 to index
      %get3A_80 = arith.constant 32 : index
      %get3A_81 = tpu.vector_load %arg6[%get3A_79, %get3A_80] {strides = array<i32>} : memref<160x128xi32, #tpu.memory_space<vmem>>, vector<16xi32>,
      %ge3A_82 = arith.constant 5120 : i32
      %ge3A_83 = vector.broadcast %ge3A_82 : i32 to vector<16xi32>
      %ge3A_84 = arith.cmpi sge, %get3A_81, %ge3A_83 : vector<16xi32>
      %lt3A_85 = arith.constant 10240 : i32
      %lt3A_86 = vector.broadcast %lt3A_85 : i32 to vector<16xi32>
      %lt3A_87 = arith.cmpi slt, %get3A_81, %lt3A_86 : vector<16xi32>
      %and3A_88 = arith.andi %ge3A_84, %lt3A_87 : vector<16xi1>
      %sub3A_89 = arith.constant 5120 : i32
      %sub3A_90 = vector.broadcast %sub3A_89 : i32 to vector<16xi32>
      %sub3A_91 = arith.subi %get3A_81, %sub3A_90 : vector<16xi32>
      %jit3A_92 = arith.constant 0 : i32
      %broadcast_in_dim3A_93 = vector.broadcast %jit3A_92 : i32 to vector<16xi32>
      %select_n3A_94 = arith.select %and3A_88, %sub3A_91, %broadcast_in_dim3A_93 : vector<16xi1>, vector<16xi32>
      %add3A_95 = arith.addi %select_n3A_94, %mul3A_5 : vector<16xi32>
      tpu.vector_store_idx %arg7[%add3A_95], %broadcast_in_dim3A_6 masked %and3A_88 {add = true} : memref<81920xf32, #tpu.memory_space<vmem>>[vector<16xi32>], vector<16xf32>, vector<16xi1>
      %get3A_96 = arith.index_cast %scan3A_50 : i32 to index
      %get3A_97 = arith.constant 48 : index
      %get3A_98 = tpu.vector_load %arg6[%get3A_96, %get3A_97] {strides = array<i32>} : memref<160x128xi32, #tpu.memory_space<vmem>>, vector<16xi32>,
      %ge3A_99 = arith.constant 5120 : i32
      %ge3A_100 = vector.broadcast %ge3A_99 : i32 to vector<16xi32>
      %ge3A_101 = arith.cmpi sge, %get3A_98, %ge3A_100 : vector<16xi32>
      %lt3A_102 = arith.constant 10240 : i32
      %lt3A_103 = vector.broadcast %lt3A_102 : i32 to vector<16xi32>
      %lt3A_104 = arith.cmpi slt, %get3A_98, %lt3A_103 : vector<16xi32>
      %and3A_105 = arith.andi %ge3A_101, %lt3A_104 : vector<16xi1>
      %sub3A_106 = arith.constant 5120 : i32
      %sub3A_107 = vector.broadcast %sub3A_106 : i32 to vector<16xi32>
      %sub3A_108 = arith.subi %get3A_98, %sub3A_107 : vector<16xi32>
      %jit3A_109 = arith.constant 0 : i32
      %broadcast_in_dim3A_110 = vector.broadcast %jit3A_109 : i32 to vector<16xi32>
      %select_n3A_111 = arith.select %and3A_105, %sub3A_108, %broadcast_in_dim3A_110 : vector<16xi1>, vector<16xi32>
      %add3A_112 = arith.addi %select_n3A_111, %mul3A_5 : vector<16xi32>
      tpu.vector_store_idx %arg7[%add3A_112], %broadcast_in_dim3A_6 masked %and3A_105 {add = true} : memref<81920xf32, #tpu.memory_space<vmem>>[vector<16xi32>], vector<16xf32>, vector<16xi1>
      %get3A_113 = arith.index_cast %scan3A_50 : i32 to index
      %get3A_114 = arith.constant 64 : index
      %get3A_115 = tpu.vector_load %arg6[%get3A_113, %get3A_114] {strides = array<i32>} : memref<160x128xi32, #tpu.memory_space<vmem>>, vector<16xi32>,
      %ge3A_116 = arith.constant 5120 : i32
      %ge3A_117 = vector.broadcast %ge3A_116 : i32 to vector<16xi32>
      %ge3A_118 = arith.cmpi sge, %get3A_115, %ge3A_117 : vector<16xi32>
      %lt3A_119 = arith.constant 10240 : i32
      %lt3A_120 = vector.broadcast %lt3A_119 : i32 to vector<16xi32>
      %lt3A_121 = arith.cmpi slt, %get3A_115, %lt3A_120 : vector<16xi32>
      %and3A_122 = arith.andi %ge3A_118, %lt3A_121 : vector<16xi1>
      %sub3A_123 = arith.constant 5120 : i32
      %sub3A_124 = vector.broadcast %sub3A_123 : i32 to vector<16xi32>
      %sub3A_125 = arith.subi %get3A_115, %sub3A_124 : vector<16xi32>
      %jit3A_126 = arith.constant 0 : i32
      %broadcast_in_dim3A_127 = vector.broadcast %jit3A_126 : i32 to vector<16xi32>
      %select_n3A_128 = arith.select %and3A_122, %sub3A_125, %broadcast_in_dim3A_127 : vector<16xi1>, vector<16xi32>
      %add3A_129 = arith.addi %select_n3A_128, %mul3A_5 : vector<16xi32>
      tpu.vector_store_idx %arg7[%add3A_129], %broadcast_in_dim3A_6 masked %and3A_122 {add = true} : memref<81920xf32, #tpu.memory_space<vmem>>[vector<16xi32>], vector<16xf32>, vector<16xi1>
      %get3A_130 = arith.index_cast %scan3A_50 : i32 to index
      %get3A_131 = arith.constant 80 : index
      %get3A_132 = tpu.vector_load %arg6[%get3A_130, %get3A_131] {strides = array<i32>} : memref<160x128xi32, #tpu.memory_space<vmem>>, vector<16xi32>,
      %ge3A_133 = arith.constant 5120 : i32
      %ge3A_134 = vector.broadcast %ge3A_133 : i32 to vector<16xi32>
      %ge3A_135 = arith.cmpi sge, %get3A_132, %ge3A_134 : vector<16xi32>
      %lt3A_136 = arith.constant 10240 : i32
      %lt3A_137 = vector.broadcast %lt3A_136 : i32 to vector<16xi32>
      %lt3A_138 = arith.cmpi slt, %get3A_132, %lt3A_137 : vector<16xi32>
      %and3A_139 = arith.andi %ge3A_135, %lt3A_138 : vector<16xi1>
      %sub3A_140 = arith.constant 5120 : i32
      %sub3A_141 = vector.broadcast %sub3A_140 : i32 to vector<16xi32>
      %sub3A_142 = arith.subi %get3A_132, %sub3A_141 : vector<16xi32>
      %jit3A_143 = arith.constant 0 : i32
      %broadcast_in_dim3A_144 = vector.broadcast %jit3A_143 : i32 to vector<16xi32>
      %select_n3A_145 = arith.select %and3A_139, %sub3A_142, %broadcast_in_dim3A_144 : vector<16xi1>, vector<16xi32>
      %add3A_146 = arith.addi %select_n3A_145, %mul3A_5 : vector<16xi32>
      tpu.vector_store_idx %arg7[%add3A_146], %broadcast_in_dim3A_6 masked %and3A_139 {add = true} : memref<81920xf32, #tpu.memory_space<vmem>>[vector<16xi32>], vector<16xf32>, vector<16xi1>
      %get3A_147 = arith.index_cast %scan3A_50 : i32 to index
      %get3A_148 = arith.constant 96 : index
      %get3A_149 = tpu.vector_load %arg6[%get3A_147, %get3A_148] {strides = array<i32>} : memref<160x128xi32, #tpu.memory_space<vmem>>, vector<16xi32>,
      %ge3A_150 = arith.constant 5120 : i32
      %ge3A_151 = vector.broadcast %ge3A_150 : i32 to vector<16xi32>
      %ge3A_152 = arith.cmpi sge, %get3A_149, %ge3A_151 : vector<16xi32>
      %lt3A_153 = arith.constant 10240 : i32
      %lt3A_154 = vector.broadcast %lt3A_153 : i32 to vector<16xi32>
      %lt3A_155 = arith.cmpi slt, %get3A_149, %lt3A_154 : vector<16xi32>
      %and3A_156 = arith.andi %ge3A_152, %lt3A_155 : vector<16xi1>
      %sub3A_157 = arith.constant 5120 : i32
      %sub3A_158 = vector.broadcast %sub3A_157 : i32 to vector<16xi32>
      %sub3A_159 = arith.subi %get3A_149, %sub3A_158 : vector<16xi32>
      %jit3A_160 = arith.constant 0 : i32
      %broadcast_in_dim3A_161 = vector.broadcast %jit3A_160 : i32 to vector<16xi32>
      %select_n3A_162 = arith.select %and3A_156, %sub3A_159, %broadcast_in_dim3A_161 : vector<16xi1>, vector<16xi32>
      %add3A_163 = arith.addi %select_n3A_162, %mul3A_5 : vector<16xi32>
      tpu.vector_store_idx %arg7[%add3A_163], %broadcast_in_dim3A_6 masked %and3A_156 {add = true} : memref<81920xf32, #tpu.memory_space<vmem>>[vector<16xi32>], vector<16xf32>, vector<16xi1>
      %get3A_164 = arith.index_cast %scan3A_50 : i32 to index
      %get3A_165 = arith.constant 112 : index
      %get3A_166 = tpu.vector_load %arg6[%get3A_164, %get3A_165] {strides = array<i32>} : memref<160x128xi32, #tpu.memory_space<vmem>>, vector<16xi32>,
      %ge3A_167 = arith.constant 5120 : i32
      %ge3A_168 = vector.broadcast %ge3A_167 : i32 to vector<16xi32>
      %ge3A_169 = arith.cmpi sge, %get3A_166, %ge3A_168 : vector<16xi32>
      %lt3A_170 = arith.constant 10240 : i32
      %lt3A_171 = vector.broadcast %lt3A_170 : i32 to vector<16xi32>
      %lt3A_172 = arith.cmpi slt, %get3A_166, %lt3A_171 : vector<16xi32>
      %and3A_173 = arith.andi %ge3A_169, %lt3A_172 : vector<16xi1>
      %sub3A_174 = arith.constant 5120 : i32
      %sub3A_175 = vector.broadcast %sub3A_174 : i32 to vector<16xi32>
      %sub3A_176 = arith.subi %get3A_166, %sub3A_175 : vector<16xi32>
      %jit3A_177 = arith.constant 0 : i32
      %broadcast_in_dim3A_178 = vector.broadcast %jit3A_177 : i32 to vector<16xi32>
      %select_n3A_179 = arith.select %and3A_173, %sub3A_176, %broadcast_in_dim3A_178 : vector<16xi1>, vector<16xi32>
      %add3A_180 = arith.addi %select_n3A_179, %mul3A_5 : vector<16xi32>
      tpu.vector_store_idx %arg7[%add3A_180], %broadcast_in_dim3A_6 masked %and3A_173 {add = true} : memref<81920xf32, #tpu.memory_space<vmem>>[vector<16xi32>], vector<16xf32>, vector<16xi1>
    }
    %scan3A_37 = arith.constant 160 : i32
    %scan3A_38 = arith.constant 0 : i32
    %scan3A_39 = arith.constant 0 : i32
    %scan3A_40 = arith.constant 320 : i32
    %scan3A_41 = arith.addi %scan3A_39, %scan3A_40 : i32
    %scan3A_42 = arith.constant 1 : i32
    scf.for %scan3A_50 = %scan3A_39 to %scan3A_41 step %scan3A_42  : i32 {
      %mul3A_51 = arith.constant 16 : i32
      %mul3A_52 = arith.muli %scan3A_50, %mul3A_51 : i32
      %get3A = arith.index_cast %mul3A_52 : i32 to index
      %get3A_53 = tpu.vector_load %arg7[%get3A] {strides = array<i32>} : memref<81920xf32, #tpu.memory_space<vmem>>, vector<16xf32>,
      %mul3A_54 = arith.constant 16 : i32
      %mul3A_55 = arith.muli %scan3A_50, %mul3A_54 : i32
      %add3A_56 = arith.constant 5120 : i32
      %add3A_57 = arith.addi %add3A_56, %mul3A_55 : i32
      %get3A_58 = arith.index_cast %add3A_57 : i32 to index
      %get3A_59 = tpu.vector_load %arg7[%get3A_58] {strides = array<i32>} : memref<81920xf32, #tpu.memory_space<vmem>>, vector<16xf32>,
      %add3A_60 = arith.addf %get3A_53, %get3A_59 : vector<16xf32>
      %mul3A_61 = arith.constant 16 : i32
      %mul3A_62 = arith.muli %scan3A_50, %mul3A_61 : i32
      %add3A_63 = arith.constant 10240 : i32
      %add3A_64 = arith.addi %add3A_63, %mul3A_62 : i32
      %get3A_65 = arith.index_cast %add3A_64 : i32 to index
      %get3A_66 = tpu.vector_load %arg7[%get3A_65] {strides = array<i32>} : memref<81920xf32, #tpu.memory_space<vmem>>, vector<16xf32>,
      %add3A_67 = arith.addf %add3A_60, %get3A_66 : vector<16xf32>
      %mul3A_68 = arith.constant 16 : i32
      %mul3A_69 = arith.muli %scan3A_50, %mul3A_68 : i32
      %add3A_70 = arith.constant 15360 : i32
      %add3A_71 = arith.addi %add3A_70, %mul3A_69 : i32
      %get3A_72 = arith.index_cast %add3A_71 : i32 to index
      %get3A_73 = tpu.vector_load %arg7[%get3A_72] {strides = array<i32>} : memref<81920xf32, #tpu.memory_space<vmem>>, vector<16xf32>,
      %add3A_74 = arith.addf %add3A_67, %get3A_73 : vector<16xf32>
      %mul3A_75 = arith.constant 16 : i32
      %mul3A_76 = arith.muli %scan3A_50, %mul3A_75 : i32
      %add3A_77 = arith.constant 20480 : i32
      %add3A_78 = arith.addi %add3A_77, %mul3A_76 : i32
      %get3A_79 = arith.index_cast %add3A_78 : i32 to index
      %get3A_80 = tpu.vector_load %arg7[%get3A_79] {strides = array<i32>} : memref<81920xf32, #tpu.memory_space<vmem>>, vector<16xf32>,
      %add3A_81 = arith.addf %add3A_74, %get3A_80 : vector<16xf32>
      %mul3A_82 = arith.constant 16 : i32
      %mul3A_83 = arith.muli %scan3A_50, %mul3A_82 : i32
      %add3A_84 = arith.constant 25600 : i32
      %add3A_85 = arith.addi %add3A_84, %mul3A_83 : i32
      %get3A_86 = arith.index_cast %add3A_85 : i32 to index
      %get3A_87 = tpu.vector_load %arg7[%get3A_86] {strides = array<i32>} : memref<81920xf32, #tpu.memory_space<vmem>>, vector<16xf32>,
      %add3A_88 = arith.addf %add3A_81, %get3A_87 : vector<16xf32>
      %mul3A_89 = arith.constant 16 : i32
      %mul3A_90 = arith.muli %scan3A_50, %mul3A_89 : i32
      %add3A_91 = arith.constant 30720 : i32
      %add3A_92 = arith.addi %add3A_91, %mul3A_90 : i32
      %get3A_93 = arith.index_cast %add3A_92 : i32 to index
      %get3A_94 = tpu.vector_load %arg7[%get3A_93] {strides = array<i32>} : memref<81920xf32, #tpu.memory_space<vmem>>, vector<16xf32>,
      %add3A_95 = arith.addf %add3A_88, %get3A_94 : vector<16xf32>
      %mul3A_96 = arith.constant 16 : i32
      %mul3A_97 = arith.muli %scan3A_50, %mul3A_96 : i32
      %add3A_98 = arith.constant 35840 : i32
      %add3A_99 = arith.addi %add3A_98, %mul3A_97 : i32
      %get3A_100 = arith.index_cast %add3A_99 : i32 to index
      %get3A_101 = tpu.vector_load %arg7[%get3A_100] {strides = array<i32>} : memref<81920xf32, #tpu.memory_space<vmem>>, vector<16xf32>,
      %add3A_102 = arith.addf %add3A_95, %get3A_101 : vector<16xf32>
      %mul3A_103 = arith.constant 16 : i32
      %mul3A_104 = arith.muli %scan3A_50, %mul3A_103 : i32
      %add3A_105 = arith.constant 40960 : i32
      %add3A_106 = arith.addi %add3A_105, %mul3A_104 : i32
      %get3A_107 = arith.index_cast %add3A_106 : i32 to index
      %get3A_108 = tpu.vector_load %arg7[%get3A_107] {strides = array<i32>} : memref<81920xf32, #tpu.memory_space<vmem>>, vector<16xf32>,
      %add3A_109 = arith.addf %add3A_102, %get3A_108 : vector<16xf32>
      %mul3A_110 = arith.constant 16 : i32
      %mul3A_111 = arith.muli %scan3A_50, %mul3A_110 : i32
      %add3A_112 = arith.constant 46080 : i32
      %add3A_113 = arith.addi %add3A_112, %mul3A_111 : i32
      %get3A_114 = arith.index_cast %add3A_113 : i32 to index
      %get3A_115 = tpu.vector_load %arg7[%get3A_114] {strides = array<i32>} : memref<81920xf32, #tpu.memory_space<vmem>>, vector<16xf32>,
      %add3A_116 = arith.addf %add3A_109, %get3A_115 : vector<16xf32>
      %mul3A_117 = arith.constant 16 : i32
      %mul3A_118 = arith.muli %scan3A_50, %mul3A_117 : i32
      %add3A_119 = arith.constant 51200 : i32
      %add3A_120 = arith.addi %add3A_119, %mul3A_118 : i32
      %get3A_121 = arith.index_cast %add3A_120 : i32 to index
      %get3A_122 = tpu.vector_load %arg7[%get3A_121] {strides = array<i32>} : memref<81920xf32, #tpu.memory_space<vmem>>, vector<16xf32>,
      %add3A_123 = arith.addf %add3A_116, %get3A_122 : vector<16xf32>
      %mul3A_124 = arith.constant 16 : i32
      %mul3A_125 = arith.muli %scan3A_50, %mul3A_124 : i32
      %add3A_126 = arith.constant 56320 : i32
      %add3A_127 = arith.addi %add3A_126, %mul3A_125 : i32
      %get3A_128 = arith.index_cast %add3A_127 : i32 to index
      %get3A_129 = tpu.vector_load %arg7[%get3A_128] {strides = array<i32>} : memref<81920xf32, #tpu.memory_space<vmem>>, vector<16xf32>,
      %add3A_130 = arith.addf %add3A_123, %get3A_129 : vector<16xf32>
      %mul3A_131 = arith.constant 16 : i32
      %mul3A_132 = arith.muli %scan3A_50, %mul3A_131 : i32
      %add3A_133 = arith.constant 61440 : i32
      %add3A_134 = arith.addi %add3A_133, %mul3A_132 : i32
      %get3A_135 = arith.index_cast %add3A_134 : i32 to index
      %get3A_136 = tpu.vector_load %arg7[%get3A_135] {strides = array<i32>} : memref<81920xf32, #tpu.memory_space<vmem>>, vector<16xf32>,
      %add3A_137 = arith.addf %add3A_130, %get3A_136 : vector<16xf32>
      %mul3A_138 = arith.constant 16 : i32
      %mul3A_139 = arith.muli %scan3A_50, %mul3A_138 : i32
      %add3A_140 = arith.constant 66560 : i32
      %add3A_141 = arith.addi %add3A_140, %mul3A_139 : i32
      %get3A_142 = arith.index_cast %add3A_141 : i32 to index
      %get3A_143 = tpu.vector_load %arg7[%get3A_142] {strides = array<i32>} : memref<81920xf32, #tpu.memory_space<vmem>>, vector<16xf32>,
      %add3A_144 = arith.addf %add3A_137, %get3A_143 : vector<16xf32>
      %mul3A_145 = arith.constant 16 : i32
      %mul3A_146 = arith.muli %scan3A_50, %mul3A_145 : i32
      %add3A_147 = arith.constant 71680 : i32
      %add3A_148 = arith.addi %add3A_147, %mul3A_146 : i32
      %get3A_149 = arith.index_cast %add3A_148 : i32 to index
      %get3A_150 = tpu.vector_load %arg7[%get3A_149] {strides = array<i32>} : memref<81920xf32, #tpu.memory_space<vmem>>, vector<16xf32>,
      %add3A_151 = arith.addf %add3A_144, %get3A_150 : vector<16xf32>
      %mul3A_152 = arith.constant 16 : i32
      %mul3A_153 = arith.muli %scan3A_50, %mul3A_152 : i32
      %add3A_154 = arith.constant 76800 : i32
      %add3A_155 = arith.addi %add3A_154, %mul3A_153 : i32
      %get3A_156 = arith.index_cast %add3A_155 : i32 to index
      %get3A_157 = tpu.vector_load %arg7[%get3A_156] {strides = array<i32>} : memref<81920xf32, #tpu.memory_space<vmem>>, vector<16xf32>,
      %add3A_158 = arith.addf %add3A_151, %get3A_157 : vector<16xf32>
      %mul3A_159 = arith.constant 16 : i32
      %mul3A_160 = arith.muli %scan3A_50, %mul3A_159 : i32
      %add3A_161 = arith.constant 5120 : i32
      %add3A_162 = arith.addi %add3A_161, %mul3A_160 : i32
      %jit3A = arith.constant 128 : i32
      %div3A = arith.divsi %add3A_162, %jit3A : i32
      %sign3A = arith.constant 0 : i32
      %sign3A_163 = arith.cmpi sgt, %add3A_162, %sign3A : i32
      %sign3A_164 = arith.extui %sign3A_163 : i1 to i32
      %sign3A_165 = arith.constant 0 : i32
      %sign3A_166 = arith.cmpi slt, %add3A_162, %sign3A_165 : i32
      %sign3A_167 = arith.extui %sign3A_166 : i1 to i32
      %sign3A_168 = arith.subi %sign3A_164, %sign3A_167 : i32
      %sign3A_169 = arith.constant 0 : i32
      %sign3A_170 = arith.cmpi sgt, %jit3A, %sign3A_169 : i32
      %sign3A_171 = arith.extui %sign3A_170 : i1 to i32
      %sign3A_172 = arith.constant 0 : i32
      %sign3A_173 = arith.cmpi slt, %jit3A, %sign3A_172 : i32
      %sign3A_174 = arith.extui %sign3A_173 : i1 to i32
      %sign3A_175 = arith.subi %sign3A_171, %sign3A_174 : i32
      %ne3A = arith.cmpi ne, %sign3A_168, %sign3A_175 : i32
      %rem3A = arith.remsi %add3A_162, %jit3A : i32
      %ne3A_176 = arith.constant 0 : i32
      %ne3A_177 = arith.cmpi ne, %rem3A, %ne3A_176 : i32
      %and3A = arith.andi %ne3A, %ne3A_177 : i1
      %sub3A = arith.constant 1 : i32
      %sub3A_178 = arith.subi %div3A, %sub3A : i32
      %select_n3A = arith.select %and3A, %sub3A_178, %div3A : i32
      %jit3A_179 = arith.constant 128 : i32
      %eq3A = arith.constant 0 : i32
      %eq3A_180 = arith.cmpi eq, %jit3A_179, %eq3A : i32
      %jit3A_181 = arith.constant 1 : i32
      %select_n3A_182 = arith.select %eq3A_180, %jit3A_181, %jit3A_179 : i32
      %rem3A_183 = arith.remsi %add3A_162, %select_n3A_182 : i32
      %ne3A_184 = arith.constant 0 : i32
      %ne3A_185 = arith.cmpi ne, %rem3A_183, %ne3A_184 : i32
      %lt3A_186 = arith.constant 0 : i32
      %lt3A_187 = arith.cmpi slt, %rem3A_183, %lt3A_186 : i32
      %lt3A_188 = arith.constant 0 : i32
      %lt3A_189 = arith.cmpi slt, %select_n3A_182, %lt3A_188 : i32
      %ne3A_190 = arith.xori %lt3A_187, %lt3A_189 : i1
      %and3A_191 = arith.andi %ne3A_190, %ne3A_185 : i1
      %add3A_192 = arith.addi %rem3A_183, %select_n3A_182 : i32
      %select_n3A_193 = arith.select %and3A_191, %add3A_192, %rem3A_183 : i32
      %swap3A = arith.index_cast %select_n3A : i32 to index
      %swap3A_194 = arith.index_cast %select_n3A_193 : i32 to index
      %swap3A_195 = tpu.vector_load %arg8[%swap3A, %swap3A_194] {strides = array<i32>} : memref<80x128xf32, #tpu.memory_space<vmem>>, vector<16xf32>,
      tpu.vector_store %arg8[%swap3A, %swap3A_194], %add3A_158 {strides = array<i32>} : memref<80x128xf32, #tpu.memory_space<vmem>>, vector<16xf32>,
    }
    %scan3A_43 = arith.constant 320 : i32
    %barrier3A = arith.constant 0 : index
    tpu.barrier barrier_id(%barrier3A)
    %run_scoped3A = arith.constant 0 : i32
    "tpu.region"() ({
      %run_scoped3A_50 = tpu.sem_alloc : memref<!tpu.dma_semaphore, #tpu.memory_space<semaphore_mem>>
      %dma_start3A = arith.constant 0 : i32
      %dma_start3A_51 = tpu.memref_slice %arg9[%run_scoped3A, %dma_start3A] : memref<1x80xi32, #tpu.memory_space<vmem>> -> memref<1x80xi32, #tpu.memory_space<vmem>>
      %dma_start3A_52 = tpu.memref_squeeze %dma_start3A_51 : memref<1x80xi32, #tpu.memory_space<vmem>> -> memref<80xi32, #tpu.memory_space<vmem>>
      %dma_start3A_53 = arith.constant 0 : i32
      %dma_start3A_54 = arith.constant 0 : i32
      %dma_start3A_55 = tpu.memref_slice %arg10[%dma_start3A_53, %dma_start3A_54] : memref<80x128xf32, #tpu.memory_space<vmem_shared>> -> memref<80x128xf32, #tpu.memory_space<vmem_shared>>
      tpu.enqueue_indirect_dma source(%arg8 : memref<80x128xf32, #tpu.memory_space<vmem>>) target(%dma_start3A_55 : memref<80x128xf32, #tpu.memory_space<vmem_shared>>) offsets(%dma_start3A_52 : memref<80xi32, #tpu.memory_space<vmem>>) semaphore(%run_scoped3A_50 : memref<!tpu.dma_semaphore, #tpu.memory_space<semaphore_mem>>) {add = true}
      %dma_wait3A = arith.constant 0 : i32
      %dma_wait3A_56 = tpu.memref_slice %arg9[%run_scoped3A, %dma_wait3A] : memref<1x80xi32, #tpu.memory_space<vmem>> -> memref<1x80xi32, #tpu.memory_space<vmem>>
      %dma_wait3A_57 = tpu.memref_squeeze %dma_wait3A_56 : memref<1x80xi32, #tpu.memory_space<vmem>> -> memref<80xi32, #tpu.memory_space<vmem>>
      %dma_wait3A_58 = arith.constant 0 : i32
      %dma_wait3A_59 = arith.constant 0 : i32
      %dma_wait3A_60 = tpu.memref_slice %arg10[%dma_wait3A_58, %dma_wait3A_59] : memref<80x128xf32, #tpu.memory_space<vmem_shared>> -> memref<80x128xf32, #tpu.memory_space<vmem_shared>>
      tpu.wait_indirect_dma semaphore(%run_scoped3A_50 : memref<!tpu.dma_semaphore, #tpu.memory_space<semaphore_mem>>) src(%arg8 : memref<80x128xf32, #tpu.memory_space<vmem>>) dst(%dma_wait3A_60 : memref<80x128xf32, #tpu.memory_space<vmem_shared>>)
      tpu.yield
    }) : () -> ()
    %barrier3A_44 = arith.constant 0 : index
    tpu.barrier barrier_id(%barrier3A_44)
    %lt3A_45 = arith.constant 10 : i32
    %lt3A_46 = arith.cmpi slt, %arg1, %lt3A_45 : i32
    %convert_element_type3A_47 = arith.extui %lt3A_46 : i1 to i32
    %cond3A_48 = arith.constant 0 : i32
    %cond3A_49 = arith.cmpi ne, %convert_element_type3A_47, %cond3A_48 : i32
    scf.if %cond3A_49 {
      %mul3A_50 = arith.constant 8 : i32
      %mul3A_51 = arith.muli %arg1, %mul3A_50 : i32
      %mul3A_52 = arith.constant 8 : i32
      %mul3A_53 = arith.muli %arg1, %mul3A_52 : i32
      "tpu.region"() ({
        %run_scoped3A_54 = tpu.sem_alloc : memref<!tpu.dma_semaphore, #tpu.memory_space<semaphore_mem>>
        %dma_start3A = arith.constant 0 : i32
        %dma_start3A_55 = tpu.memref_slice %arg5[%arg0, %mul3A_53, %dma_start3A] : memref<2x80x128xf32, #tpu.memory_space<hbm>> -> memref<1x8x128xf32, #tpu.memory_space<hbm>>
        %dma_start3A_56 = tpu.memref_squeeze %dma_start3A_55 : memref<1x8x128xf32, #tpu.memory_space<hbm>> -> memref<8x128xf32, #tpu.memory_space<hbm>>
        %dma_start3A_57 = arith.constant 0 : i32
        %dma_start3A_58 = tpu.memref_slice %arg10[%mul3A_51, %dma_start3A_57] : memref<80x128xf32, #tpu.memory_space<vmem_shared>> -> memref<8x128xf32, #tpu.memory_space<vmem_shared>>
        tpu.enqueue_dma source(%dma_start3A_58 : memref<8x128xf32, #tpu.memory_space<vmem_shared>>) target(%dma_start3A_56 : memref<8x128xf32, #tpu.memory_space<hbm>>) target_semaphore(%run_scoped3A_54 : memref<!tpu.dma_semaphore, #tpu.memory_space<semaphore_mem>>)
        %dma_wait3A = arith.constant 0 : i32
        %dma_wait3A_59 = tpu.memref_slice %arg5[%arg0, %mul3A_53, %dma_wait3A] : memref<2x80x128xf32, #tpu.memory_space<hbm>> -> memref<1x8x128xf32, #tpu.memory_space<hbm>>
        %dma_wait3A_60 = tpu.memref_squeeze %dma_wait3A_59 : memref<1x8x128xf32, #tpu.memory_space<hbm>> -> memref<8x128xf32, #tpu.memory_space<hbm>>
        %dma_wait3A_61 = arith.constant 0 : i32
        %dma_wait3A_62 = tpu.memref_slice %arg10[%mul3A_51, %dma_wait3A_61] : memref<80x128xf32, #tpu.memory_space<vmem_shared>> -> memref<8x128xf32, #tpu.memory_space<vmem_shared>>
        tpu.wait_dma2 semaphore(%run_scoped3A_54 : memref<!tpu.dma_semaphore, #tpu.memory_space<semaphore_mem>>) src(%dma_wait3A_62 : memref<8x128xf32, #tpu.memory_space<vmem_shared>>) dst(%dma_wait3A_60 : memref<8x128xf32, #tpu.memory_space<hbm>>)
        tpu.yield
      }) : () -> ()
    } else {
    }
    return
  }
}

#map = affine_map<(d0, d1) -> (0, 0)>
#map1 = affine_map<(d0, d1) -> (0, 0, 0)>
module attributes {stable_mosaic.version = 14 : i64} {
  func.func @_sc_edge_gather(%arg0: i32, %arg1: i32, %arg2: memref<10240x128xf32, #tpu.memory_space<hbm>>, %arg3: memref<10240x128xf32, #tpu.memory_space<hbm>>, %arg4: memref<32x80x128xi32, #tpu.memory_space<hbm>>, %arg5: memref<32x80x128xi32, #tpu.memory_space<hbm>>, %arg6: memref<327680x128xf32, #tpu.memory_space<hbm>>, %arg7: memref<327680x128xf32, #tpu.memory_space<hbm>>, %arg8: memref<80x128xi32, #tpu.memory_space<vmem>>, %arg9: memref<80x128xi32, #tpu.memory_space<vmem>>, %arg10: memref<128x128xf32, #tpu.memory_space<vmem>>, %arg11: memref<128x128xf32, #tpu.memory_space<vmem>>, %arg12: memref<128x128xf32, #tpu.memory_space<vmem>>, %arg13: memref<128x128xf32, #tpu.memory_space<vmem>>, %arg14: memref<!tpu.dma_semaphore, #tpu.memory_space<semaphore_mem>>, %arg15: memref<!tpu.dma_semaphore, #tpu.memory_space<semaphore_mem>>, %arg16: memref<!tpu.dma_semaphore, #tpu.memory_space<semaphore_mem>>, %arg17: memref<!tpu.dma_semaphore, #tpu.memory_space<semaphore_mem>>, %arg18: memref<!tpu.dma_semaphore, #tpu.memory_space<semaphore_mem>>, %arg19: memref<!tpu.dma_semaphore, #tpu.memory_space<semaphore_mem>>, %arg20: memref<!tpu.dma_semaphore, #tpu.memory_space<semaphore_mem>>, %arg21: memref<!tpu.dma_semaphore, #tpu.memory_space<semaphore_mem>>) attributes {dimension_semantics = [#tpu.dimension_semantics<core_parallel>, #tpu.dimension_semantics<subcore_parallel>], iteration_bounds = array<i64: 2, 16>, scalar_prefetch = 0 : i64, scratch_operands = 14 : i64, tpu.core_type = #tpu.core_type<sc_vector_subcore>, window_params = [{transform_indices = #map}, {transform_indices = #map}, {transform_indices = #map1}, {transform_indices = #map1}, {transform_indices = #map}, {transform_indices = #map}]} {
    %mul3A = arith.constant 2 : i32
    %mul3A_0 = arith.muli %arg1, %mul3A : i32
    %add3A = arith.addi %mul3A_0, %arg0 : i32
    "tpu.region"() ({
      %run_scoped3A = tpu.sem_alloc : memref<!tpu.dma_semaphore, #tpu.memory_space<semaphore_mem>>
      %dma_start3A = arith.constant 0 : i32
      %dma_start3A_8 = arith.constant 0 : i32
      %dma_start3A_9 = tpu.memref_slice %arg4[%add3A, %dma_start3A, %dma_start3A_8] : memref<32x80x128xi32, #tpu.memory_space<hbm>> -> memref<1x80x128xi32, #tpu.memory_space<hbm>>
      %dma_start3A_10 = tpu.memref_squeeze %dma_start3A_9 : memref<1x80x128xi32, #tpu.memory_space<hbm>> -> memref<80x128xi32, #tpu.memory_space<hbm>>
      %dma_start3A_11 = arith.constant 0 : i32
      %dma_start3A_12 = arith.constant 0 : i32
      %dma_start3A_13 = tpu.memref_slice %arg4[%add3A, %dma_start3A_11, %dma_start3A_12] : memref<32x80x128xi32, #tpu.memory_space<hbm>> -> memref<1x80x128xi32, #tpu.memory_space<hbm>>
      %dma_start3A_14 = tpu.memref_squeeze %dma_start3A_13 : memref<1x80x128xi32, #tpu.memory_space<hbm>> -> memref<80x128xi32, #tpu.memory_space<hbm>>
      tpu.enqueue_dma source(%dma_start3A_14 : memref<80x128xi32, #tpu.memory_space<hbm>>) target(%arg8 : memref<80x128xi32, #tpu.memory_space<vmem>>) target_semaphore(%run_scoped3A : memref<!tpu.dma_semaphore, #tpu.memory_space<semaphore_mem>>)
      %dma_wait3A = arith.constant 0 : i32
      %dma_wait3A_15 = arith.constant 0 : i32
      %dma_wait3A_16 = tpu.memref_slice %arg4[%add3A, %dma_wait3A, %dma_wait3A_15] : memref<32x80x128xi32, #tpu.memory_space<hbm>> -> memref<1x80x128xi32, #tpu.memory_space<hbm>>
      %dma_wait3A_17 = tpu.memref_squeeze %dma_wait3A_16 : memref<1x80x128xi32, #tpu.memory_space<hbm>> -> memref<80x128xi32, #tpu.memory_space<hbm>>
      %dma_wait3A_18 = arith.constant 0 : i32
      %dma_wait3A_19 = arith.constant 0 : i32
      %dma_wait3A_20 = tpu.memref_slice %arg4[%add3A, %dma_wait3A_18, %dma_wait3A_19] : memref<32x80x128xi32, #tpu.memory_space<hbm>> -> memref<1x80x128xi32, #tpu.memory_space<hbm>>
      %dma_wait3A_21 = tpu.memref_squeeze %dma_wait3A_20 : memref<1x80x128xi32, #tpu.memory_space<hbm>> -> memref<80x128xi32, #tpu.memory_space<hbm>>
      tpu.wait_dma2 semaphore(%run_scoped3A : memref<!tpu.dma_semaphore, #tpu.memory_space<semaphore_mem>>) src(%dma_wait3A_21 : memref<80x128xi32, #tpu.memory_space<hbm>>) dst(%arg8 : memref<80x128xi32, #tpu.memory_space<vmem>>)
      tpu.yield
    }) : () -> ()
    "tpu.region"() ({
      %run_scoped3A = tpu.sem_alloc : memref<!tpu.dma_semaphore, #tpu.memory_space<semaphore_mem>>
      %dma_start3A = arith.constant 0 : i32
      %dma_start3A_8 = arith.constant 0 : i32
      %dma_start3A_9 = tpu.memref_slice %arg5[%add3A, %dma_start3A, %dma_start3A_8] : memref<32x80x128xi32, #tpu.memory_space<hbm>> -> memref<1x80x128xi32, #tpu.memory_space<hbm>>
      %dma_start3A_10 = tpu.memref_squeeze %dma_start3A_9 : memref<1x80x128xi32, #tpu.memory_space<hbm>> -> memref<80x128xi32, #tpu.memory_space<hbm>>
      %dma_start3A_11 = arith.constant 0 : i32
      %dma_start3A_12 = arith.constant 0 : i32
      %dma_start3A_13 = tpu.memref_slice %arg5[%add3A, %dma_start3A_11, %dma_start3A_12] : memref<32x80x128xi32, #tpu.memory_space<hbm>> -> memref<1x80x128xi32, #tpu.memory_space<hbm>>
      %dma_start3A_14 = tpu.memref_squeeze %dma_start3A_13 : memref<1x80x128xi32, #tpu.memory_space<hbm>> -> memref<80x128xi32, #tpu.memory_space<hbm>>
      tpu.enqueue_dma source(%dma_start3A_14 : memref<80x128xi32, #tpu.memory_space<hbm>>) target(%arg9 : memref<80x128xi32, #tpu.memory_space<vmem>>) target_semaphore(%run_scoped3A : memref<!tpu.dma_semaphore, #tpu.memory_space<semaphore_mem>>)
      %dma_wait3A = arith.constant 0 : i32
      %dma_wait3A_15 = arith.constant 0 : i32
      %dma_wait3A_16 = tpu.memref_slice %arg5[%add3A, %dma_wait3A, %dma_wait3A_15] : memref<32x80x128xi32, #tpu.memory_space<hbm>> -> memref<1x80x128xi32, #tpu.memory_space<hbm>>
      %dma_wait3A_17 = tpu.memref_squeeze %dma_wait3A_16 : memref<1x80x128xi32, #tpu.memory_space<hbm>> -> memref<80x128xi32, #tpu.memory_space<hbm>>
      %dma_wait3A_18 = arith.constant 0 : i32
      %dma_wait3A_19 = arith.constant 0 : i32
      %dma_wait3A_20 = tpu.memref_slice %arg5[%add3A, %dma_wait3A_18, %dma_wait3A_19] : memref<32x80x128xi32, #tpu.memory_space<hbm>> -> memref<1x80x128xi32, #tpu.memory_space<hbm>>
      %dma_wait3A_21 = tpu.memref_squeeze %dma_wait3A_20 : memref<1x80x128xi32, #tpu.memory_space<hbm>> -> memref<80x128xi32, #tpu.memory_space<hbm>>
      tpu.wait_dma2 semaphore(%run_scoped3A : memref<!tpu.dma_semaphore, #tpu.memory_space<semaphore_mem>>) src(%dma_wait3A_21 : memref<80x128xi32, #tpu.memory_space<hbm>>) dst(%arg9 : memref<80x128xi32, #tpu.memory_space<vmem>>)
      tpu.yield
    }) : () -> ()
    %mul3A_1 = arith.constant 10240 : i32
    %mul3A_2 = arith.muli %add3A, %mul3A_1 : i32
    %scan3A = arith.constant 0 : i32
    %scan3A_3 = arith.constant 0 : i32
    %scan3A_4 = arith.constant 40 : i32
    %scan3A_5 = arith.addi %scan3A_3, %scan3A_4 : i32
    %scan3A_6 = arith.constant 1 : i32
    scf.for %scan3A_8 = %scan3A_3 to %scan3A_5 step %scan3A_6  : i32 {
      %mul3A_9 = arith.constant 2 : i32
      %mul3A_10 = arith.muli %scan3A_8, %mul3A_9 : i32
      %dma_start3A = arith.constant 0 : i32
      %dma_start3A_11 = tpu.memref_slice %arg8[%mul3A_10, %dma_start3A] : memref<80x128xi32, #tpu.memory_space<vmem>> -> memref<1x128xi32, #tpu.memory_space<vmem>>
      %dma_start3A_12 = tpu.memref_squeeze %dma_start3A_11 : memref<1x128xi32, #tpu.memory_space<vmem>> -> memref<128xi32, #tpu.memory_space<vmem>>
      %dma_start3A_13 = arith.constant 0 : i32
      %dma_start3A_14 = arith.constant 0 : i32
      %dma_start3A_15 = tpu.memref_slice %arg2[%dma_start3A_13, %dma_start3A_14] : memref<10240x128xf32, #tpu.memory_space<hbm>> -> memref<10240x128xf32, #tpu.memory_space<hbm>>
      tpu.enqueue_indirect_dma source(%dma_start3A_15 : memref<10240x128xf32, #tpu.memory_space<hbm>>) target(%arg10 : memref<128x128xf32, #tpu.memory_space<vmem>>) offsets(%dma_start3A_12 : memref<128xi32, #tpu.memory_space<vmem>>) semaphore(%arg14 : memref<!tpu.dma_semaphore, #tpu.memory_space<semaphore_mem>>)
      %dma_start3A_16 = arith.constant 0 : i32
      %dma_start3A_17 = tpu.memref_slice %arg9[%mul3A_10, %dma_start3A_16] : memref<80x128xi32, #tpu.memory_space<vmem>> -> memref<1x128xi32, #tpu.memory_space<vmem>>
      %dma_start3A_18 = tpu.memref_squeeze %dma_start3A_17 : memref<1x128xi32, #tpu.memory_space<vmem>> -> memref<128xi32, #tpu.memory_space<vmem>>
      %dma_start3A_19 = arith.constant 0 : i32
      %dma_start3A_20 = arith.constant 0 : i32
      %dma_start3A_21 = tpu.memref_slice %arg3[%dma_start3A_19, %dma_start3A_20] : memref<10240x128xf32, #tpu.memory_space<hbm>> -> memref<10240x128xf32, #tpu.memory_space<hbm>>
      tpu.enqueue_indirect_dma source(%dma_start3A_21 : memref<10240x128xf32, #tpu.memory_space<hbm>>) target(%arg11 : memref<128x128xf32, #tpu.memory_space<vmem>>) offsets(%dma_start3A_18 : memref<128xi32, #tpu.memory_space<vmem>>) semaphore(%arg15 : memref<!tpu.dma_semaphore, #tpu.memory_space<semaphore_mem>>)
      %add3A_22 = arith.constant 1 : i32
      %add3A_23 = arith.addi %mul3A_10, %add3A_22 : i32
      %dma_start3A_24 = arith.constant 0 : i32
      %dma_start3A_25 = tpu.memref_slice %arg8[%add3A_23, %dma_start3A_24] : memref<80x128xi32, #tpu.memory_space<vmem>> -> memref<1x128xi32, #tpu.memory_space<vmem>>
      %dma_start3A_26 = tpu.memref_squeeze %dma_start3A_25 : memref<1x128xi32, #tpu.memory_space<vmem>> -> memref<128xi32, #tpu.memory_space<vmem>>
      %dma_start3A_27 = arith.constant 0 : i32
      %dma_start3A_28 = arith.constant 0 : i32
      %dma_start3A_29 = tpu.memref_slice %arg2[%dma_start3A_27, %dma_start3A_28] : memref<10240x128xf32, #tpu.memory_space<hbm>> -> memref<10240x128xf32, #tpu.memory_space<hbm>>
      tpu.enqueue_indirect_dma source(%dma_start3A_29 : memref<10240x128xf32, #tpu.memory_space<hbm>>) target(%arg12 : memref<128x128xf32, #tpu.memory_space<vmem>>) offsets(%dma_start3A_26 : memref<128xi32, #tpu.memory_space<vmem>>) semaphore(%arg16 : memref<!tpu.dma_semaphore, #tpu.memory_space<semaphore_mem>>)
      %add3A_30 = arith.constant 1 : i32
      %add3A_31 = arith.addi %mul3A_10, %add3A_30 : i32
      %dma_start3A_32 = arith.constant 0 : i32
      %dma_start3A_33 = tpu.memref_slice %arg9[%add3A_31, %dma_start3A_32] : memref<80x128xi32, #tpu.memory_space<vmem>> -> memref<1x128xi32, #tpu.memory_space<vmem>>
      %dma_start3A_34 = tpu.memref_squeeze %dma_start3A_33 : memref<1x128xi32, #tpu.memory_space<vmem>> -> memref<128xi32, #tpu.memory_space<vmem>>
      %dma_start3A_35 = arith.constant 0 : i32
      %dma_start3A_36 = arith.constant 0 : i32
      %dma_start3A_37 = tpu.memref_slice %arg3[%dma_start3A_35, %dma_start3A_36] : memref<10240x128xf32, #tpu.memory_space<hbm>> -> memref<10240x128xf32, #tpu.memory_space<hbm>>
      tpu.enqueue_indirect_dma source(%dma_start3A_37 : memref<10240x128xf32, #tpu.memory_space<hbm>>) target(%arg13 : memref<128x128xf32, #tpu.memory_space<vmem>>) offsets(%dma_start3A_34 : memref<128xi32, #tpu.memory_space<vmem>>) semaphore(%arg17 : memref<!tpu.dma_semaphore, #tpu.memory_space<semaphore_mem>>)
      %dma_wait3A = arith.constant 0 : i32
      %dma_wait3A_38 = tpu.memref_slice %arg8[%mul3A_10, %dma_wait3A] : memref<80x128xi32, #tpu.memory_space<vmem>> -> memref<1x128xi32, #tpu.memory_space<vmem>>
      %dma_wait3A_39 = tpu.memref_squeeze %dma_wait3A_38 : memref<1x128xi32, #tpu.memory_space<vmem>> -> memref<128xi32, #tpu.memory_space<vmem>>
      %dma_wait3A_40 = arith.constant 0 : i32
      %dma_wait3A_41 = arith.constant 0 : i32
      %dma_wait3A_42 = tpu.memref_slice %arg2[%dma_wait3A_40, %dma_wait3A_41] : memref<10240x128xf32, #tpu.memory_space<hbm>> -> memref<10240x128xf32, #tpu.memory_space<hbm>>
      tpu.wait_indirect_dma semaphore(%arg14 : memref<!tpu.dma_semaphore, #tpu.memory_space<semaphore_mem>>) src(%dma_wait3A_42 : memref<10240x128xf32, #tpu.memory_space<hbm>>) dst(%arg10 : memref<128x128xf32, #tpu.memory_space<vmem>>)
      %mul3A_43 = arith.constant 128 : i32
      %mul3A_44 = arith.muli %mul3A_10, %mul3A_43 : i32
      %add3A_45 = arith.addi %mul3A_2, %mul3A_44 : i32
      %dma_start3A_46 = arith.constant 0 : i32
      %dma_start3A_47 = tpu.memref_slice %arg6[%add3A_45, %dma_start3A_46] : memref<327680x128xf32, #tpu.memory_space<hbm>> -> memref<128x128xf32, #tpu.memory_space<hbm>>
      %dma_start3A_48 = arith.constant 0 : i32
      %dma_start3A_49 = tpu.memref_slice %arg6[%add3A_45, %dma_start3A_48] : memref<327680x128xf32, #tpu.memory_space<hbm>> -> memref<128x128xf32, #tpu.memory_space<hbm>>
      tpu.enqueue_dma source(%arg10 : memref<128x128xf32, #tpu.memory_space<vmem>>) target(%dma_start3A_49 : memref<128x128xf32, #tpu.memory_space<hbm>>) target_semaphore(%arg18 : memref<!tpu.dma_semaphore, #tpu.memory_space<semaphore_mem>>)
      %dma_wait3A_50 = arith.constant 0 : i32
      %dma_wait3A_51 = tpu.memref_slice %arg9[%mul3A_10, %dma_wait3A_50] : memref<80x128xi32, #tpu.memory_space<vmem>> -> memref<1x128xi32, #tpu.memory_space<vmem>>
      %dma_wait3A_52 = tpu.memref_squeeze %dma_wait3A_51 : memref<1x128xi32, #tpu.memory_space<vmem>> -> memref<128xi32, #tpu.memory_space<vmem>>
      %dma_wait3A_53 = arith.constant 0 : i32
      %dma_wait3A_54 = arith.constant 0 : i32
      %dma_wait3A_55 = tpu.memref_slice %arg3[%dma_wait3A_53, %dma_wait3A_54] : memref<10240x128xf32, #tpu.memory_space<hbm>> -> memref<10240x128xf32, #tpu.memory_space<hbm>>
      tpu.wait_indirect_dma semaphore(%arg15 : memref<!tpu.dma_semaphore, #tpu.memory_space<semaphore_mem>>) src(%dma_wait3A_55 : memref<10240x128xf32, #tpu.memory_space<hbm>>) dst(%arg11 : memref<128x128xf32, #tpu.memory_space<vmem>>)
      %mul3A_56 = arith.constant 128 : i32
      %mul3A_57 = arith.muli %mul3A_10, %mul3A_56 : i32
      %add3A_58 = arith.addi %mul3A_2, %mul3A_57 : i32
      %dma_start3A_59 = arith.constant 0 : i32
      %dma_start3A_60 = tpu.memref_slice %arg7[%add3A_58, %dma_start3A_59] : memref<327680x128xf32, #tpu.memory_space<hbm>> -> memref<128x128xf32, #tpu.memory_space<hbm>>
      %dma_start3A_61 = arith.constant 0 : i32
      %dma_start3A_62 = tpu.memref_slice %arg7[%add3A_58, %dma_start3A_61] : memref<327680x128xf32, #tpu.memory_space<hbm>> -> memref<128x128xf32, #tpu.memory_space<hbm>>
      tpu.enqueue_dma source(%arg11 : memref<128x128xf32, #tpu.memory_space<vmem>>) target(%dma_start3A_62 : memref<128x128xf32, #tpu.memory_space<hbm>>) target_semaphore(%arg19 : memref<!tpu.dma_semaphore, #tpu.memory_space<semaphore_mem>>)
      %dma_wait3A_63 = arith.constant 0 : i32
      %dma_wait3A_64 = tpu.memref_slice %arg8[%add3A_23, %dma_wait3A_63] : memref<80x128xi32, #tpu.memory_space<vmem>> -> memref<1x128xi32, #tpu.memory_space<vmem>>
      %dma_wait3A_65 = tpu.memref_squeeze %dma_wait3A_64 : memref<1x128xi32, #tpu.memory_space<vmem>> -> memref<128xi32, #tpu.memory_space<vmem>>
      %dma_wait3A_66 = arith.constant 0 : i32
      %dma_wait3A_67 = arith.constant 0 : i32
      %dma_wait3A_68 = tpu.memref_slice %arg2[%dma_wait3A_66, %dma_wait3A_67] : memref<10240x128xf32, #tpu.memory_space<hbm>> -> memref<10240x128xf32, #tpu.memory_space<hbm>>
      tpu.wait_indirect_dma semaphore(%arg16 : memref<!tpu.dma_semaphore, #tpu.memory_space<semaphore_mem>>) src(%dma_wait3A_68 : memref<10240x128xf32, #tpu.memory_space<hbm>>) dst(%arg12 : memref<128x128xf32, #tpu.memory_space<vmem>>)
      %add3A_69 = arith.constant 1 : i32
      %add3A_70 = arith.addi %mul3A_10, %add3A_69 : i32
      %mul3A_71 = arith.constant 128 : i32
      %mul3A_72 = arith.muli %add3A_70, %mul3A_71 : i32
      %add3A_73 = arith.addi %mul3A_2, %mul3A_72 : i32
      %dma_start3A_74 = arith.constant 0 : i32
      %dma_start3A_75 = tpu.memref_slice %arg6[%add3A_73, %dma_start3A_74] : memref<327680x128xf32, #tpu.memory_space<hbm>> -> memref<128x128xf32, #tpu.memory_space<hbm>>
      %dma_start3A_76 = arith.constant 0 : i32
      %dma_start3A_77 = tpu.memref_slice %arg6[%add3A_73, %dma_start3A_76] : memref<327680x128xf32, #tpu.memory_space<hbm>> -> memref<128x128xf32, #tpu.memory_space<hbm>>
      tpu.enqueue_dma source(%arg12 : memref<128x128xf32, #tpu.memory_space<vmem>>) target(%dma_start3A_77 : memref<128x128xf32, #tpu.memory_space<hbm>>) target_semaphore(%arg20 : memref<!tpu.dma_semaphore, #tpu.memory_space<semaphore_mem>>)
      %dma_wait3A_78 = arith.constant 0 : i32
      %dma_wait3A_79 = tpu.memref_slice %arg9[%add3A_31, %dma_wait3A_78] : memref<80x128xi32, #tpu.memory_space<vmem>> -> memref<1x128xi32, #tpu.memory_space<vmem>>
      %dma_wait3A_80 = tpu.memref_squeeze %dma_wait3A_79 : memref<1x128xi32, #tpu.memory_space<vmem>> -> memref<128xi32, #tpu.memory_space<vmem>>
      %dma_wait3A_81 = arith.constant 0 : i32
      %dma_wait3A_82 = arith.constant 0 : i32
      %dma_wait3A_83 = tpu.memref_slice %arg3[%dma_wait3A_81, %dma_wait3A_82] : memref<10240x128xf32, #tpu.memory_space<hbm>> -> memref<10240x128xf32, #tpu.memory_space<hbm>>
      tpu.wait_indirect_dma semaphore(%arg17 : memref<!tpu.dma_semaphore, #tpu.memory_space<semaphore_mem>>) src(%dma_wait3A_83 : memref<10240x128xf32, #tpu.memory_space<hbm>>) dst(%arg13 : memref<128x128xf32, #tpu.memory_space<vmem>>)
      %add3A_84 = arith.constant 1 : i32
      %add3A_85 = arith.addi %mul3A_10, %add3A_84 : i32
      %mul3A_86 = arith.constant 128 : i32
      %mul3A_87 = arith.muli %add3A_85, %mul3A_86 : i32
      %add3A_88 = arith.addi %mul3A_2, %mul3A_87 : i32
      %dma_start3A_89 = arith.constant 0 : i32
      %dma_start3A_90 = tpu.memref_slice %arg7[%add3A_88, %dma_start3A_89] : memref<327680x128xf32, #tpu.memory_space<hbm>> -> memref<128x128xf32, #tpu.memory_space<hbm>>
      %dma_start3A_91 = arith.constant 0 : i32
      %dma_start3A_92 = tpu.memref_slice %arg7[%add3A_88, %dma_start3A_91] : memref<327680x128xf32, #tpu.memory_space<hbm>> -> memref<128x128xf32, #tpu.memory_space<hbm>>
      tpu.enqueue_dma source(%arg13 : memref<128x128xf32, #tpu.memory_space<vmem>>) target(%dma_start3A_92 : memref<128x128xf32, #tpu.memory_space<hbm>>) target_semaphore(%arg21 : memref<!tpu.dma_semaphore, #tpu.memory_space<semaphore_mem>>)
      %dma_wait3A_93 = arith.constant 0 : i32
      %dma_wait3A_94 = tpu.memref_slice %arg6[%add3A_45, %dma_wait3A_93] : memref<327680x128xf32, #tpu.memory_space<hbm>> -> memref<128x128xf32, #tpu.memory_space<hbm>>
      %dma_wait3A_95 = arith.constant 0 : i32
      %dma_wait3A_96 = tpu.memref_slice %arg6[%add3A_45, %dma_wait3A_95] : memref<327680x128xf32, #tpu.memory_space<hbm>> -> memref<128x128xf32, #tpu.memory_space<hbm>>
      tpu.wait_dma2 semaphore(%arg18 : memref<!tpu.dma_semaphore, #tpu.memory_space<semaphore_mem>>) src(%arg10 : memref<128x128xf32, #tpu.memory_space<vmem>>) dst(%dma_wait3A_96 : memref<128x128xf32, #tpu.memory_space<hbm>>)
      %dma_wait3A_97 = arith.constant 0 : i32
      %dma_wait3A_98 = tpu.memref_slice %arg7[%add3A_58, %dma_wait3A_97] : memref<327680x128xf32, #tpu.memory_space<hbm>> -> memref<128x128xf32, #tpu.memory_space<hbm>>
      %dma_wait3A_99 = arith.constant 0 : i32
      %dma_wait3A_100 = tpu.memref_slice %arg7[%add3A_58, %dma_wait3A_99] : memref<327680x128xf32, #tpu.memory_space<hbm>> -> memref<128x128xf32, #tpu.memory_space<hbm>>
      tpu.wait_dma2 semaphore(%arg19 : memref<!tpu.dma_semaphore, #tpu.memory_space<semaphore_mem>>) src(%arg11 : memref<128x128xf32, #tpu.memory_space<vmem>>) dst(%dma_wait3A_100 : memref<128x128xf32, #tpu.memory_space<hbm>>)
      %dma_wait3A_101 = arith.constant 0 : i32
      %dma_wait3A_102 = tpu.memref_slice %arg6[%add3A_73, %dma_wait3A_101] : memref<327680x128xf32, #tpu.memory_space<hbm>> -> memref<128x128xf32, #tpu.memory_space<hbm>>
      %dma_wait3A_103 = arith.constant 0 : i32
      %dma_wait3A_104 = tpu.memref_slice %arg6[%add3A_73, %dma_wait3A_103] : memref<327680x128xf32, #tpu.memory_space<hbm>> -> memref<128x128xf32, #tpu.memory_space<hbm>>
      tpu.wait_dma2 semaphore(%arg20 : memref<!tpu.dma_semaphore, #tpu.memory_space<semaphore_mem>>) src(%arg12 : memref<128x128xf32, #tpu.memory_space<vmem>>) dst(%dma_wait3A_104 : memref<128x128xf32, #tpu.memory_space<hbm>>)
      %dma_wait3A_105 = arith.constant 0 : i32
      %dma_wait3A_106 = tpu.memref_slice %arg7[%add3A_88, %dma_wait3A_105] : memref<327680x128xf32, #tpu.memory_space<hbm>> -> memref<128x128xf32, #tpu.memory_space<hbm>>
      %dma_wait3A_107 = arith.constant 0 : i32
      %dma_wait3A_108 = tpu.memref_slice %arg7[%add3A_88, %dma_wait3A_107] : memref<327680x128xf32, #tpu.memory_space<hbm>> -> memref<128x128xf32, #tpu.memory_space<hbm>>
      tpu.wait_dma2 semaphore(%arg21 : memref<!tpu.dma_semaphore, #tpu.memory_space<semaphore_mem>>) src(%arg13 : memref<128x128xf32, #tpu.memory_space<vmem>>) dst(%dma_wait3A_108 : memref<128x128xf32, #tpu.memory_space<hbm>>)
    }
    %scan3A_7 = arith.constant 40 : i32
    return
  }
}

#map = affine_map<(d0, d1) -> (0, 0)>
#map1 = affine_map<(d0, d1) -> (0, 0, 0)>
module attributes {stable_mosaic.version = 14 : i64} {
  func.func @sc_scatter(%arg0: i32, %arg1: i32, %arg2: memref<10240x128xf32, #tpu.memory_space<hbm>>, %arg3: memref<32x320x64xi32, #tpu.memory_space<hbm>>, %arg4: memref<32x320x64xi32, #tpu.memory_space<hbm>>, %arg5: memref<10240x128xf32, #tpu.memory_space<hbm>>, %arg6: memref<2x10240x128xf32, #tpu.memory_space<hbm>>, %arg7: memref<32x64xi32, #tpu.memory_space<vmem>>, %arg8: memref<32x64xi32, #tpu.memory_space<vmem>>, %arg9: memref<64x128xf32, #tpu.memory_space<vmem>>, %arg10: memref<64x128xf32, #tpu.memory_space<vmem>>, %arg11: memref<64x128xf32, #tpu.memory_space<vmem>>, %arg12: memref<64x128xf32, #tpu.memory_space<vmem>>, %arg13: memref<10240x128xf32, #tpu.memory_space<vmem_shared>>, %arg14: memref<!tpu.dma_semaphore, #tpu.memory_space<semaphore_mem>>, %arg15: memref<!tpu.dma_semaphore, #tpu.memory_space<semaphore_mem>>, %arg16: memref<!tpu.dma_semaphore, #tpu.memory_space<semaphore_mem>>, %arg17: memref<!tpu.dma_semaphore, #tpu.memory_space<semaphore_mem>>, %arg18: memref<!tpu.dma_semaphore, #tpu.memory_space<semaphore_mem>>, %arg19: memref<!tpu.dma_semaphore, #tpu.memory_space<semaphore_mem>>, %arg20: memref<!tpu.dma_semaphore, #tpu.memory_space<semaphore_mem>>, %arg21: memref<!tpu.dma_semaphore, #tpu.memory_space<semaphore_mem>>) attributes {dimension_semantics = [#tpu.dimension_semantics<core_parallel>, #tpu.dimension_semantics<subcore_parallel>], iteration_bounds = array<i64: 2, 16>, scalar_prefetch = 0 : i64, scratch_operands = 15 : i64, tpu.core_type = #tpu.core_type<sc_vector_subcore>, window_params = [{transform_indices = #map}, {transform_indices = #map1}, {transform_indices = #map1}, {transform_indices = #map}, {transform_indices = #map1}]} {
    %mul3A = arith.constant 2 : i32
    %mul3A_0 = arith.muli %arg1, %mul3A : i32
    %add3A = arith.addi %mul3A_0, %arg0 : i32
    %mul3A_1 = arith.constant 640 : i32
    %mul3A_2 = arith.muli %arg1, %mul3A_1 : i32
    %mul3A_3 = arith.constant 640 : i32
    %mul3A_4 = arith.muli %arg1, %mul3A_3 : i32
    "tpu.region"() ({
      %run_scoped3A = tpu.sem_alloc : memref<!tpu.dma_semaphore, #tpu.memory_space<semaphore_mem>>
      %dma_start3A = arith.constant 0 : i32
      %dma_start3A_15 = tpu.memref_slice %arg13[%mul3A_4, %dma_start3A] : memref<10240x128xf32, #tpu.memory_space<vmem_shared>> -> memref<640x128xf32, #tpu.memory_space<vmem_shared>>
      %dma_start3A_16 = arith.constant 0 : i32
      %dma_start3A_17 = tpu.memref_slice %arg5[%mul3A_2, %dma_start3A_16] : memref<10240x128xf32, #tpu.memory_space<hbm>> -> memref<640x128xf32, #tpu.memory_space<hbm>>
      tpu.enqueue_dma source(%dma_start3A_17 : memref<640x128xf32, #tpu.memory_space<hbm>>) target(%dma_start3A_15 : memref<640x128xf32, #tpu.memory_space<vmem_shared>>) target_semaphore(%run_scoped3A : memref<!tpu.dma_semaphore, #tpu.memory_space<semaphore_mem>>)
      %dma_wait3A = arith.constant 0 : i32
      %dma_wait3A_18 = tpu.memref_slice %arg13[%mul3A_4, %dma_wait3A] : memref<10240x128xf32, #tpu.memory_space<vmem_shared>> -> memref<640x128xf32, #tpu.memory_space<vmem_shared>>
      %dma_wait3A_19 = arith.constant 0 : i32
      %dma_wait3A_20 = tpu.memref_slice %arg5[%mul3A_2, %dma_wait3A_19] : memref<10240x128xf32, #tpu.memory_space<hbm>> -> memref<640x128xf32, #tpu.memory_space<hbm>>
      tpu.wait_dma2 semaphore(%run_scoped3A : memref<!tpu.dma_semaphore, #tpu.memory_space<semaphore_mem>>) src(%dma_wait3A_20 : memref<640x128xf32, #tpu.memory_space<hbm>>) dst(%dma_wait3A_18 : memref<640x128xf32, #tpu.memory_space<vmem_shared>>)
      tpu.yield
    }) : () -> ()
    %barrier3A = arith.constant 0 : index
    tpu.barrier barrier_id(%barrier3A)
    %scan3A = arith.constant 0 : i32
    %scan3A_5 = arith.constant 0 : i32
    %scan3A_6 = arith.constant 10 : i32
    %scan3A_7 = arith.addi %scan3A_5, %scan3A_6 : i32
    %scan3A_8 = arith.constant 1 : i32
    scf.for %scan3A_15 = %scan3A_5 to %scan3A_7 step %scan3A_8  : i32 {
      %mul3A_16 = arith.constant 32 : i32
      %mul3A_17 = arith.muli %scan3A_15, %mul3A_16 : i32
      "tpu.region"() ({
        %run_scoped3A = tpu.sem_alloc : memref<!tpu.dma_semaphore, #tpu.memory_space<semaphore_mem>>
        %dma_start3A = arith.constant 0 : i32
        %dma_start3A_26 = tpu.memref_slice %arg3[%add3A, %mul3A_17, %dma_start3A] : memref<32x320x64xi32, #tpu.memory_space<hbm>> -> memref<1x32x64xi32, #tpu.memory_space<hbm>>
        %dma_start3A_27 = tpu.memref_squeeze %dma_start3A_26 : memref<1x32x64xi32, #tpu.memory_space<hbm>> -> memref<32x64xi32, #tpu.memory_space<hbm>>
        %dma_start3A_28 = arith.constant 0 : i32
        %dma_start3A_29 = tpu.memref_slice %arg3[%add3A, %mul3A_17, %dma_start3A_28] : memref<32x320x64xi32, #tpu.memory_space<hbm>> -> memref<1x32x64xi32, #tpu.memory_space<hbm>>
        %dma_start3A_30 = tpu.memref_squeeze %dma_start3A_29 : memref<1x32x64xi32, #tpu.memory_space<hbm>> -> memref<32x64xi32, #tpu.memory_space<hbm>>
        tpu.enqueue_dma source(%dma_start3A_30 : memref<32x64xi32, #tpu.memory_space<hbm>>) target(%arg7 : memref<32x64xi32, #tpu.memory_space<vmem>>) target_semaphore(%run_scoped3A : memref<!tpu.dma_semaphore, #tpu.memory_space<semaphore_mem>>)
        %dma_wait3A = arith.constant 0 : i32
        %dma_wait3A_31 = tpu.memref_slice %arg3[%add3A, %mul3A_17, %dma_wait3A] : memref<32x320x64xi32, #tpu.memory_space<hbm>> -> memref<1x32x64xi32, #tpu.memory_space<hbm>>
        %dma_wait3A_32 = tpu.memref_squeeze %dma_wait3A_31 : memref<1x32x64xi32, #tpu.memory_space<hbm>> -> memref<32x64xi32, #tpu.memory_space<hbm>>
        %dma_wait3A_33 = arith.constant 0 : i32
        %dma_wait3A_34 = tpu.memref_slice %arg3[%add3A, %mul3A_17, %dma_wait3A_33] : memref<32x320x64xi32, #tpu.memory_space<hbm>> -> memref<1x32x64xi32, #tpu.memory_space<hbm>>
        %dma_wait3A_35 = tpu.memref_squeeze %dma_wait3A_34 : memref<1x32x64xi32, #tpu.memory_space<hbm>> -> memref<32x64xi32, #tpu.memory_space<hbm>>
        tpu.wait_dma2 semaphore(%run_scoped3A : memref<!tpu.dma_semaphore, #tpu.memory_space<semaphore_mem>>) src(%dma_wait3A_35 : memref<32x64xi32, #tpu.memory_space<hbm>>) dst(%arg7 : memref<32x64xi32, #tpu.memory_space<vmem>>)
        tpu.yield
      }) : () -> ()
      %mul3A_18 = arith.constant 32 : i32
      %mul3A_19 = arith.muli %scan3A_15, %mul3A_18 : i32
      "tpu.region"() ({
        %run_scoped3A = tpu.sem_alloc : memref<!tpu.dma_semaphore, #tpu.memory_space<semaphore_mem>>
        %dma_start3A = arith.constant 0 : i32
        %dma_start3A_26 = tpu.memref_slice %arg4[%add3A, %mul3A_19, %dma_start3A] : memref<32x320x64xi32, #tpu.memory_space<hbm>> -> memref<1x32x64xi32, #tpu.memory_space<hbm>>
        %dma_start3A_27 = tpu.memref_squeeze %dma_start3A_26 : memref<1x32x64xi32, #tpu.memory_space<hbm>> -> memref<32x64xi32, #tpu.memory_space<hbm>>
        %dma_start3A_28 = arith.constant 0 : i32
        %dma_start3A_29 = tpu.memref_slice %arg4[%add3A, %mul3A_19, %dma_start3A_28] : memref<32x320x64xi32, #tpu.memory_space<hbm>> -> memref<1x32x64xi32, #tpu.memory_space<hbm>>
        %dma_start3A_30 = tpu.memref_squeeze %dma_start3A_29 : memref<1x32x64xi32, #tpu.memory_space<hbm>> -> memref<32x64xi32, #tpu.memory_space<hbm>>
        tpu.enqueue_dma source(%dma_start3A_30 : memref<32x64xi32, #tpu.memory_space<hbm>>) target(%arg8 : memref<32x64xi32, #tpu.memory_space<vmem>>) target_semaphore(%run_scoped3A : memref<!tpu.dma_semaphore, #tpu.memory_space<semaphore_mem>>)
        %dma_wait3A = arith.constant 0 : i32
        %dma_wait3A_31 = tpu.memref_slice %arg4[%add3A, %mul3A_19, %dma_wait3A] : memref<32x320x64xi32, #tpu.memory_space<hbm>> -> memref<1x32x64xi32, #tpu.memory_space<hbm>>
        %dma_wait3A_32 = tpu.memref_squeeze %dma_wait3A_31 : memref<1x32x64xi32, #tpu.memory_space<hbm>> -> memref<32x64xi32, #tpu.memory_space<hbm>>
        %dma_wait3A_33 = arith.constant 0 : i32
        %dma_wait3A_34 = tpu.memref_slice %arg4[%add3A, %mul3A_19, %dma_wait3A_33] : memref<32x320x64xi32, #tpu.memory_space<hbm>> -> memref<1x32x64xi32, #tpu.memory_space<hbm>>
        %dma_wait3A_35 = tpu.memref_squeeze %dma_wait3A_34 : memref<1x32x64xi32, #tpu.memory_space<hbm>> -> memref<32x64xi32, #tpu.memory_space<hbm>>
        tpu.wait_dma2 semaphore(%run_scoped3A : memref<!tpu.dma_semaphore, #tpu.memory_space<semaphore_mem>>) src(%dma_wait3A_35 : memref<32x64xi32, #tpu.memory_space<hbm>>) dst(%arg8 : memref<32x64xi32, #tpu.memory_space<vmem>>)
        tpu.yield
      }) : () -> ()
      %scan3A_20 = arith.constant 0 : i32
      %scan3A_21 = arith.constant 0 : i32
      %scan3A_22 = arith.constant 8 : i32
      %scan3A_23 = arith.addi %scan3A_21, %scan3A_22 : i32
      %scan3A_24 = arith.constant 1 : i32
      scf.for %scan3A_26 = %scan3A_21 to %scan3A_23 step %scan3A_24  : i32 {
        %mul3A_27 = arith.constant 4 : i32
        %mul3A_28 = arith.muli %scan3A_26, %mul3A_27 : i32
        %add3A_29 = arith.constant 0 : i32
        %add3A_30 = arith.addi %mul3A_28, %add3A_29 : i32
        %dma_start3A = arith.constant 0 : i32
        %dma_start3A_31 = tpu.memref_slice %arg7[%add3A_30, %dma_start3A] : memref<32x64xi32, #tpu.memory_space<vmem>> -> memref<1x64xi32, #tpu.memory_space<vmem>>
        %dma_start3A_32 = tpu.memref_squeeze %dma_start3A_31 : memref<1x64xi32, #tpu.memory_space<vmem>> -> memref<64xi32, #tpu.memory_space<vmem>>
        %dma_start3A_33 = arith.constant 0 : i32
        %dma_start3A_34 = arith.constant 0 : i32
        %dma_start3A_35 = tpu.memref_slice %arg2[%dma_start3A_33, %dma_start3A_34] : memref<10240x128xf32, #tpu.memory_space<hbm>> -> memref<10240x128xf32, #tpu.memory_space<hbm>>
        tpu.enqueue_indirect_dma source(%dma_start3A_35 : memref<10240x128xf32, #tpu.memory_space<hbm>>) target(%arg9 : memref<64x128xf32, #tpu.memory_space<vmem>>) offsets(%dma_start3A_32 : memref<64xi32, #tpu.memory_space<vmem>>) semaphore(%arg14 : memref<!tpu.dma_semaphore, #tpu.memory_space<semaphore_mem>>)
        %add3A_36 = arith.constant 1 : i32
        %add3A_37 = arith.addi %mul3A_28, %add3A_36 : i32
        %dma_start3A_38 = arith.constant 0 : i32
        %dma_start3A_39 = tpu.memref_slice %arg7[%add3A_37, %dma_start3A_38] : memref<32x64xi32, #tpu.memory_space<vmem>> -> memref<1x64xi32, #tpu.memory_space<vmem>>
        %dma_start3A_40 = tpu.memref_squeeze %dma_start3A_39 : memref<1x64xi32, #tpu.memory_space<vmem>> -> memref<64xi32, #tpu.memory_space<vmem>>
        %dma_start3A_41 = arith.constant 0 : i32
        %dma_start3A_42 = arith.constant 0 : i32
        %dma_start3A_43 = tpu.memref_slice %arg2[%dma_start3A_41, %dma_start3A_42] : memref<10240x128xf32, #tpu.memory_space<hbm>> -> memref<10240x128xf32, #tpu.memory_space<hbm>>
        tpu.enqueue_indirect_dma source(%dma_start3A_43 : memref<10240x128xf32, #tpu.memory_space<hbm>>) target(%arg10 : memref<64x128xf32, #tpu.memory_space<vmem>>) offsets(%dma_start3A_40 : memref<64xi32, #tpu.memory_space<vmem>>) semaphore(%arg15 : memref<!tpu.dma_semaphore, #tpu.memory_space<semaphore_mem>>)
        %add3A_44 = arith.constant 2 : i32
        %add3A_45 = arith.addi %mul3A_28, %add3A_44 : i32
        %dma_start3A_46 = arith.constant 0 : i32
        %dma_start3A_47 = tpu.memref_slice %arg7[%add3A_45, %dma_start3A_46] : memref<32x64xi32, #tpu.memory_space<vmem>> -> memref<1x64xi32, #tpu.memory_space<vmem>>
        %dma_start3A_48 = tpu.memref_squeeze %dma_start3A_47 : memref<1x64xi32, #tpu.memory_space<vmem>> -> memref<64xi32, #tpu.memory_space<vmem>>
        %dma_start3A_49 = arith.constant 0 : i32
        %dma_start3A_50 = arith.constant 0 : i32
        %dma_start3A_51 = tpu.memref_slice %arg2[%dma_start3A_49, %dma_start3A_50] : memref<10240x128xf32, #tpu.memory_space<hbm>> -> memref<10240x128xf32, #tpu.memory_space<hbm>>
        tpu.enqueue_indirect_dma source(%dma_start3A_51 : memref<10240x128xf32, #tpu.memory_space<hbm>>) target(%arg11 : memref<64x128xf32, #tpu.memory_space<vmem>>) offsets(%dma_start3A_48 : memref<64xi32, #tpu.memory_space<vmem>>) semaphore(%arg16 : memref<!tpu.dma_semaphore, #tpu.memory_space<semaphore_mem>>)
        %add3A_52 = arith.constant 3 : i32
        %add3A_53 = arith.addi %mul3A_28, %add3A_52 : i32
        %dma_start3A_54 = arith.constant 0 : i32
        %dma_start3A_55 = tpu.memref_slice %arg7[%add3A_53, %dma_start3A_54] : memref<32x64xi32, #tpu.memory_space<vmem>> -> memref<1x64xi32, #tpu.memory_space<vmem>>
        %dma_start3A_56 = tpu.memref_squeeze %dma_start3A_55 : memref<1x64xi32, #tpu.memory_space<vmem>> -> memref<64xi32, #tpu.memory_space<vmem>>
        %dma_start3A_57 = arith.constant 0 : i32
        %dma_start3A_58 = arith.constant 0 : i32
        %dma_start3A_59 = tpu.memref_slice %arg2[%dma_start3A_57, %dma_start3A_58] : memref<10240x128xf32, #tpu.memory_space<hbm>> -> memref<10240x128xf32, #tpu.memory_space<hbm>>
        tpu.enqueue_indirect_dma source(%dma_start3A_59 : memref<10240x128xf32, #tpu.memory_space<hbm>>) target(%arg12 : memref<64x128xf32, #tpu.memory_space<vmem>>) offsets(%dma_start3A_56 : memref<64xi32, #tpu.memory_space<vmem>>) semaphore(%arg17 : memref<!tpu.dma_semaphore, #tpu.memory_space<semaphore_mem>>)
        %dma_wait3A = arith.constant 0 : i32
        %dma_wait3A_60 = tpu.memref_slice %arg7[%add3A_30, %dma_wait3A] : memref<32x64xi32, #tpu.memory_space<vmem>> -> memref<1x64xi32, #tpu.memory_space<vmem>>
        %dma_wait3A_61 = tpu.memref_squeeze %dma_wait3A_60 : memref<1x64xi32, #tpu.memory_space<vmem>> -> memref<64xi32, #tpu.memory_space<vmem>>
        %dma_wait3A_62 = arith.constant 0 : i32
        %dma_wait3A_63 = arith.constant 0 : i32
        %dma_wait3A_64 = tpu.memref_slice %arg2[%dma_wait3A_62, %dma_wait3A_63] : memref<10240x128xf32, #tpu.memory_space<hbm>> -> memref<10240x128xf32, #tpu.memory_space<hbm>>
        tpu.wait_indirect_dma semaphore(%arg14 : memref<!tpu.dma_semaphore, #tpu.memory_space<semaphore_mem>>) src(%dma_wait3A_64 : memref<10240x128xf32, #tpu.memory_space<hbm>>) dst(%arg9 : memref<64x128xf32, #tpu.memory_space<vmem>>)
        %add3A_65 = arith.constant 0 : i32
        %add3A_66 = arith.addi %mul3A_28, %add3A_65 : i32
        %dma_start3A_67 = arith.constant 0 : i32
        %dma_start3A_68 = tpu.memref_slice %arg8[%add3A_66, %dma_start3A_67] : memref<32x64xi32, #tpu.memory_space<vmem>> -> memref<1x64xi32, #tpu.memory_space<vmem>>
        %dma_start3A_69 = tpu.memref_squeeze %dma_start3A_68 : memref<1x64xi32, #tpu.memory_space<vmem>> -> memref<64xi32, #tpu.memory_space<vmem>>
        %dma_start3A_70 = arith.constant 0 : i32
        %dma_start3A_71 = arith.constant 0 : i32
        %dma_start3A_72 = tpu.memref_slice %arg13[%dma_start3A_70, %dma_start3A_71] : memref<10240x128xf32, #tpu.memory_space<vmem_shared>> -> memref<10240x128xf32, #tpu.memory_space<vmem_shared>>
        tpu.enqueue_indirect_dma source(%arg9 : memref<64x128xf32, #tpu.memory_space<vmem>>) target(%dma_start3A_72 : memref<10240x128xf32, #tpu.memory_space<vmem_shared>>) offsets(%dma_start3A_69 : memref<64xi32, #tpu.memory_space<vmem>>) semaphore(%arg18 : memref<!tpu.dma_semaphore, #tpu.memory_space<semaphore_mem>>) {add = true}
        %dma_wait3A_73 = arith.constant 0 : i32
        %dma_wait3A_74 = tpu.memref_slice %arg7[%add3A_37, %dma_wait3A_73] : memref<32x64xi32, #tpu.memory_space<vmem>> -> memref<1x64xi32, #tpu.memory_space<vmem>>
        %dma_wait3A_75 = tpu.memref_squeeze %dma_wait3A_74 : memref<1x64xi32, #tpu.memory_space<vmem>> -> memref<64xi32, #tpu.memory_space<vmem>>
        %dma_wait3A_76 = arith.constant 0 : i32
        %dma_wait3A_77 = arith.constant 0 : i32
        %dma_wait3A_78 = tpu.memref_slice %arg2[%dma_wait3A_76, %dma_wait3A_77] : memref<10240x128xf32, #tpu.memory_space<hbm>> -> memref<10240x128xf32, #tpu.memory_space<hbm>>
        tpu.wait_indirect_dma semaphore(%arg15 : memref<!tpu.dma_semaphore, #tpu.memory_space<semaphore_mem>>) src(%dma_wait3A_78 : memref<10240x128xf32, #tpu.memory_space<hbm>>) dst(%arg10 : memref<64x128xf32, #tpu.memory_space<vmem>>)
        %add3A_79 = arith.constant 1 : i32
        %add3A_80 = arith.addi %mul3A_28, %add3A_79 : i32
        %dma_start3A_81 = arith.constant 0 : i32
        %dma_start3A_82 = tpu.memref_slice %arg8[%add3A_80, %dma_start3A_81] : memref<32x64xi32, #tpu.memory_space<vmem>> -> memref<1x64xi32, #tpu.memory_space<vmem>>
        %dma_start3A_83 = tpu.memref_squeeze %dma_start3A_82 : memref<1x64xi32, #tpu.memory_space<vmem>> -> memref<64xi32, #tpu.memory_space<vmem>>
        %dma_start3A_84 = arith.constant 0 : i32
        %dma_start3A_85 = arith.constant 0 : i32
        %dma_start3A_86 = tpu.memref_slice %arg13[%dma_start3A_84, %dma_start3A_85] : memref<10240x128xf32, #tpu.memory_space<vmem_shared>> -> memref<10240x128xf32, #tpu.memory_space<vmem_shared>>
        tpu.enqueue_indirect_dma source(%arg10 : memref<64x128xf32, #tpu.memory_space<vmem>>) target(%dma_start3A_86 : memref<10240x128xf32, #tpu.memory_space<vmem_shared>>) offsets(%dma_start3A_83 : memref<64xi32, #tpu.memory_space<vmem>>) semaphore(%arg19 : memref<!tpu.dma_semaphore, #tpu.memory_space<semaphore_mem>>) {add = true}
        %dma_wait3A_87 = arith.constant 0 : i32
        %dma_wait3A_88 = tpu.memref_slice %arg7[%add3A_45, %dma_wait3A_87] : memref<32x64xi32, #tpu.memory_space<vmem>> -> memref<1x64xi32, #tpu.memory_space<vmem>>
        %dma_wait3A_89 = tpu.memref_squeeze %dma_wait3A_88 : memref<1x64xi32, #tpu.memory_space<vmem>> -> memref<64xi32, #tpu.memory_space<vmem>>
        %dma_wait3A_90 = arith.constant 0 : i32
        %dma_wait3A_91 = arith.constant 0 : i32
        %dma_wait3A_92 = tpu.memref_slice %arg2[%dma_wait3A_90, %dma_wait3A_91] : memref<10240x128xf32, #tpu.memory_space<hbm>> -> memref<10240x128xf32, #tpu.memory_space<hbm>>
        tpu.wait_indirect_dma semaphore(%arg16 : memref<!tpu.dma_semaphore, #tpu.memory_space<semaphore_mem>>) src(%dma_wait3A_92 : memref<10240x128xf32, #tpu.memory_space<hbm>>) dst(%arg11 : memref<64x128xf32, #tpu.memory_space<vmem>>)
        %add3A_93 = arith.constant 2 : i32
        %add3A_94 = arith.addi %mul3A_28, %add3A_93 : i32
        %dma_start3A_95 = arith.constant 0 : i32
        %dma_start3A_96 = tpu.memref_slice %arg8[%add3A_94, %dma_start3A_95] : memref<32x64xi32, #tpu.memory_space<vmem>> -> memref<1x64xi32, #tpu.memory_space<vmem>>
        %dma_start3A_97 = tpu.memref_squeeze %dma_start3A_96 : memref<1x64xi32, #tpu.memory_space<vmem>> -> memref<64xi32, #tpu.memory_space<vmem>>
        %dma_start3A_98 = arith.constant 0 : i32
        %dma_start3A_99 = arith.constant 0 : i32
        %dma_start3A_100 = tpu.memref_slice %arg13[%dma_start3A_98, %dma_start3A_99] : memref<10240x128xf32, #tpu.memory_space<vmem_shared>> -> memref<10240x128xf32, #tpu.memory_space<vmem_shared>>
        tpu.enqueue_indirect_dma source(%arg11 : memref<64x128xf32, #tpu.memory_space<vmem>>) target(%dma_start3A_100 : memref<10240x128xf32, #tpu.memory_space<vmem_shared>>) offsets(%dma_start3A_97 : memref<64xi32, #tpu.memory_space<vmem>>) semaphore(%arg20 : memref<!tpu.dma_semaphore, #tpu.memory_space<semaphore_mem>>) {add = true}
        %dma_wait3A_101 = arith.constant 0 : i32
        %dma_wait3A_102 = tpu.memref_slice %arg7[%add3A_53, %dma_wait3A_101] : memref<32x64xi32, #tpu.memory_space<vmem>> -> memref<1x64xi32, #tpu.memory_space<vmem>>
        %dma_wait3A_103 = tpu.memref_squeeze %dma_wait3A_102 : memref<1x64xi32, #tpu.memory_space<vmem>> -> memref<64xi32, #tpu.memory_space<vmem>>
        %dma_wait3A_104 = arith.constant 0 : i32
        %dma_wait3A_105 = arith.constant 0 : i32
        %dma_wait3A_106 = tpu.memref_slice %arg2[%dma_wait3A_104, %dma_wait3A_105] : memref<10240x128xf32, #tpu.memory_space<hbm>> -> memref<10240x128xf32, #tpu.memory_space<hbm>>
        tpu.wait_indirect_dma semaphore(%arg17 : memref<!tpu.dma_semaphore, #tpu.memory_space<semaphore_mem>>) src(%dma_wait3A_106 : memref<10240x128xf32, #tpu.memory_space<hbm>>) dst(%arg12 : memref<64x128xf32, #tpu.memory_space<vmem>>)
        %add3A_107 = arith.constant 3 : i32
        %add3A_108 = arith.addi %mul3A_28, %add3A_107 : i32
        %dma_start3A_109 = arith.constant 0 : i32
        %dma_start3A_110 = tpu.memref_slice %arg8[%add3A_108, %dma_start3A_109] : memref<32x64xi32, #tpu.memory_space<vmem>> -> memref<1x64xi32, #tpu.memory_space<vmem>>
        %dma_start3A_111 = tpu.memref_squeeze %dma_start3A_110 : memref<1x64xi32, #tpu.memory_space<vmem>> -> memref<64xi32, #tpu.memory_space<vmem>>
        %dma_start3A_112 = arith.constant 0 : i32
        %dma_start3A_113 = arith.constant 0 : i32
        %dma_start3A_114 = tpu.memref_slice %arg13[%dma_start3A_112, %dma_start3A_113] : memref<10240x128xf32, #tpu.memory_space<vmem_shared>> -> memref<10240x128xf32, #tpu.memory_space<vmem_shared>>
        tpu.enqueue_indirect_dma source(%arg12 : memref<64x128xf32, #tpu.memory_space<vmem>>) target(%dma_start3A_114 : memref<10240x128xf32, #tpu.memory_space<vmem_shared>>) offsets(%dma_start3A_111 : memref<64xi32, #tpu.memory_space<vmem>>) semaphore(%arg21 : memref<!tpu.dma_semaphore, #tpu.memory_space<semaphore_mem>>) {add = true}
        %dma_wait3A_115 = arith.constant 0 : i32
        %dma_wait3A_116 = tpu.memref_slice %arg8[%add3A_66, %dma_wait3A_115] : memref<32x64xi32, #tpu.memory_space<vmem>> -> memref<1x64xi32, #tpu.memory_space<vmem>>
        %dma_wait3A_117 = tpu.memref_squeeze %dma_wait3A_116 : memref<1x64xi32, #tpu.memory_space<vmem>> -> memref<64xi32, #tpu.memory_space<vmem>>
        %dma_wait3A_118 = arith.constant 0 : i32
        %dma_wait3A_119 = arith.constant 0 : i32
        %dma_wait3A_120 = tpu.memref_slice %arg13[%dma_wait3A_118, %dma_wait3A_119] : memref<10240x128xf32, #tpu.memory_space<vmem_shared>> -> memref<10240x128xf32, #tpu.memory_space<vmem_shared>>
        tpu.wait_indirect_dma semaphore(%arg18 : memref<!tpu.dma_semaphore, #tpu.memory_space<semaphore_mem>>) src(%arg9 : memref<64x128xf32, #tpu.memory_space<vmem>>) dst(%dma_wait3A_120 : memref<10240x128xf32, #tpu.memory_space<vmem_shared>>)
        %dma_wait3A_121 = arith.constant 0 : i32
        %dma_wait3A_122 = tpu.memref_slice %arg8[%add3A_80, %dma_wait3A_121] : memref<32x64xi32, #tpu.memory_space<vmem>> -> memref<1x64xi32, #tpu.memory_space<vmem>>
        %dma_wait3A_123 = tpu.memref_squeeze %dma_wait3A_122 : memref<1x64xi32, #tpu.memory_space<vmem>> -> memref<64xi32, #tpu.memory_space<vmem>>
        %dma_wait3A_124 = arith.constant 0 : i32
        %dma_wait3A_125 = arith.constant 0 : i32
        %dma_wait3A_126 = tpu.memref_slice %arg13[%dma_wait3A_124, %dma_wait3A_125] : memref<10240x128xf32, #tpu.memory_space<vmem_shared>> -> memref<10240x128xf32, #tpu.memory_space<vmem_shared>>
        tpu.wait_indirect_dma semaphore(%arg19 : memref<!tpu.dma_semaphore, #tpu.memory_space<semaphore_mem>>) src(%arg10 : memref<64x128xf32, #tpu.memory_space<vmem>>) dst(%dma_wait3A_126 : memref<10240x128xf32, #tpu.memory_space<vmem_shared>>)
        %dma_wait3A_127 = arith.constant 0 : i32
        %dma_wait3A_128 = tpu.memref_slice %arg8[%add3A_94, %dma_wait3A_127] : memref<32x64xi32, #tpu.memory_space<vmem>> -> memref<1x64xi32, #tpu.memory_space<vmem>>
        %dma_wait3A_129 = tpu.memref_squeeze %dma_wait3A_128 : memref<1x64xi32, #tpu.memory_space<vmem>> -> memref<64xi32, #tpu.memory_space<vmem>>
        %dma_wait3A_130 = arith.constant 0 : i32
        %dma_wait3A_131 = arith.constant 0 : i32
        %dma_wait3A_132 = tpu.memref_slice %arg13[%dma_wait3A_130, %dma_wait3A_131] : memref<10240x128xf32, #tpu.memory_space<vmem_shared>> -> memref<10240x128xf32, #tpu.memory_space<vmem_shared>>
        tpu.wait_indirect_dma semaphore(%arg20 : memref<!tpu.dma_semaphore, #tpu.memory_space<semaphore_mem>>) src(%arg11 : memref<64x128xf32, #tpu.memory_space<vmem>>) dst(%dma_wait3A_132 : memref<10240x128xf32, #tpu.memory_space<vmem_shared>>)
        %dma_wait3A_133 = arith.constant 0 : i32
        %dma_wait3A_134 = tpu.memref_slice %arg8[%add3A_108, %dma_wait3A_133] : memref<32x64xi32, #tpu.memory_space<vmem>> -> memref<1x64xi32, #tpu.memory_space<vmem>>
        %dma_wait3A_135 = tpu.memref_squeeze %dma_wait3A_134 : memref<1x64xi32, #tpu.memory_space<vmem>> -> memref<64xi32, #tpu.memory_space<vmem>>
        %dma_wait3A_136 = arith.constant 0 : i32
        %dma_wait3A_137 = arith.constant 0 : i32
        %dma_wait3A_138 = tpu.memref_slice %arg13[%dma_wait3A_136, %dma_wait3A_137] : memref<10240x128xf32, #tpu.memory_space<vmem_shared>> -> memref<10240x128xf32, #tpu.memory_space<vmem_shared>>
        tpu.wait_indirect_dma semaphore(%arg21 : memref<!tpu.dma_semaphore, #tpu.memory_space<semaphore_mem>>) src(%arg12 : memref<64x128xf32, #tpu.memory_space<vmem>>) dst(%dma_wait3A_138 : memref<10240x128xf32, #tpu.memory_space<vmem_shared>>)
      }
      %scan3A_25 = arith.constant 8 : i32
    }
    %scan3A_9 = arith.constant 10 : i32
    %barrier3A_10 = arith.constant 0 : index
    tpu.barrier barrier_id(%barrier3A_10)
    %mul3A_11 = arith.constant 640 : i32
    %mul3A_12 = arith.muli %arg1, %mul3A_11 : i32
    %mul3A_13 = arith.constant 640 : i32
    %mul3A_14 = arith.muli %arg1, %mul3A_13 : i32
    "tpu.region"() ({
      %run_scoped3A = tpu.sem_alloc : memref<!tpu.dma_semaphore, #tpu.memory_space<semaphore_mem>>
      %dma_start3A = arith.constant 0 : i32
      %dma_start3A_15 = tpu.memref_slice %arg6[%arg0, %mul3A_14, %dma_start3A] : memref<2x10240x128xf32, #tpu.memory_space<hbm>> -> memref<1x640x128xf32, #tpu.memory_space<hbm>>
      %dma_start3A_16 = tpu.memref_squeeze %dma_start3A_15 : memref<1x640x128xf32, #tpu.memory_space<hbm>> -> memref<640x128xf32, #tpu.memory_space<hbm>>
      %dma_start3A_17 = arith.constant 0 : i32
      %dma_start3A_18 = tpu.memref_slice %arg13[%mul3A_12, %dma_start3A_17] : memref<10240x128xf32, #tpu.memory_space<vmem_shared>> -> memref<640x128xf32, #tpu.memory_space<vmem_shared>>
      tpu.enqueue_dma source(%dma_start3A_18 : memref<640x128xf32, #tpu.memory_space<vmem_shared>>) target(%dma_start3A_16 : memref<640x128xf32, #tpu.memory_space<hbm>>) target_semaphore(%run_scoped3A : memref<!tpu.dma_semaphore, #tpu.memory_space<semaphore_mem>>)
      %dma_wait3A = arith.constant 0 : i32
      %dma_wait3A_19 = tpu.memref_slice %arg6[%arg0, %mul3A_14, %dma_wait3A] : memref<2x10240x128xf32, #tpu.memory_space<hbm>> -> memref<1x640x128xf32, #tpu.memory_space<hbm>>
      %dma_wait3A_20 = tpu.memref_squeeze %dma_wait3A_19 : memref<1x640x128xf32, #tpu.memory_space<hbm>> -> memref<640x128xf32, #tpu.memory_space<hbm>>
      %dma_wait3A_21 = arith.constant 0 : i32
      %dma_wait3A_22 = tpu.memref_slice %arg13[%mul3A_12, %dma_wait3A_21] : memref<10240x128xf32, #tpu.memory_space<vmem_shared>> -> memref<640x128xf32, #tpu.memory_space<vmem_shared>>
      tpu.wait_dma2 semaphore(%run_scoped3A : memref<!tpu.dma_semaphore, #tpu.memory_space<semaphore_mem>>) src(%dma_wait3A_22 : memref<640x128xf32, #tpu.memory_space<vmem_shared>>) dst(%dma_wait3A_20 : memref<640x128xf32, #tpu.memory_space<hbm>>)
      tpu.yield
    }) : () -> ()
    return
  }
}

#map = affine_map<(d0, d1) -> (0, 0)>
#map1 = affine_map<(d0, d1) -> (0, 0, 0)>
module attributes {stable_mosaic.version = 14 : i64} {
  func.func @sc_scatter(%arg0: i32, %arg1: i32, %arg2: memref<10240x128xf32, #tpu.memory_space<hbm>>, %arg3: memref<32x320x64xi32, #tpu.memory_space<hbm>>, %arg4: memref<32x320x64xi32, #tpu.memory_space<hbm>>, %arg5: memref<10240x128xf32, #tpu.memory_space<hbm>>, %arg6: memref<2x10240x128xf32, #tpu.memory_space<hbm>>, %arg7: memref<32x64xi32, #tpu.memory_space<vmem>>, %arg8: memref<32x64xi32, #tpu.memory_space<vmem>>, %arg9: memref<64x128xf32, #tpu.memory_space<vmem>>, %arg10: memref<64x128xf32, #tpu.memory_space<vmem>>, %arg11: memref<64x128xf32, #tpu.memory_space<vmem>>, %arg12: memref<64x128xf32, #tpu.memory_space<vmem>>, %arg13: memref<10240x128xf32, #tpu.memory_space<vmem_shared>>, %arg14: memref<!tpu.dma_semaphore, #tpu.memory_space<semaphore_mem>>, %arg15: memref<!tpu.dma_semaphore, #tpu.memory_space<semaphore_mem>>, %arg16: memref<!tpu.dma_semaphore, #tpu.memory_space<semaphore_mem>>, %arg17: memref<!tpu.dma_semaphore, #tpu.memory_space<semaphore_mem>>, %arg18: memref<!tpu.dma_semaphore, #tpu.memory_space<semaphore_mem>>, %arg19: memref<!tpu.dma_semaphore, #tpu.memory_space<semaphore_mem>>, %arg20: memref<!tpu.dma_semaphore, #tpu.memory_space<semaphore_mem>>, %arg21: memref<!tpu.dma_semaphore, #tpu.memory_space<semaphore_mem>>) attributes {dimension_semantics = [#tpu.dimension_semantics<core_parallel>, #tpu.dimension_semantics<subcore_parallel>], iteration_bounds = array<i64: 2, 16>, scalar_prefetch = 0 : i64, scratch_operands = 15 : i64, tpu.core_type = #tpu.core_type<sc_vector_subcore>, window_params = [{transform_indices = #map}, {transform_indices = #map1}, {transform_indices = #map1}, {transform_indices = #map}, {transform_indices = #map1}]} {
    %mul3A = arith.constant 2 : i32
    %mul3A_0 = arith.muli %arg1, %mul3A : i32
    %add3A = arith.addi %mul3A_0, %arg0 : i32
    %mul3A_1 = arith.constant 640 : i32
    %mul3A_2 = arith.muli %arg1, %mul3A_1 : i32
    %mul3A_3 = arith.constant 640 : i32
    %mul3A_4 = arith.muli %arg1, %mul3A_3 : i32
    "tpu.region"() ({
      %run_scoped3A = tpu.sem_alloc : memref<!tpu.dma_semaphore, #tpu.memory_space<semaphore_mem>>
      %dma_start3A = arith.constant 0 : i32
      %dma_start3A_15 = tpu.memref_slice %arg13[%mul3A_4, %dma_start3A] : memref<10240x128xf32, #tpu.memory_space<vmem_shared>> -> memref<640x128xf32, #tpu.memory_space<vmem_shared>>
      %dma_start3A_16 = arith.constant 0 : i32
      %dma_start3A_17 = tpu.memref_slice %arg5[%mul3A_2, %dma_start3A_16] : memref<10240x128xf32, #tpu.memory_space<hbm>> -> memref<640x128xf32, #tpu.memory_space<hbm>>
      tpu.enqueue_dma source(%dma_start3A_17 : memref<640x128xf32, #tpu.memory_space<hbm>>) target(%dma_start3A_15 : memref<640x128xf32, #tpu.memory_space<vmem_shared>>) target_semaphore(%run_scoped3A : memref<!tpu.dma_semaphore, #tpu.memory_space<semaphore_mem>>)
      %dma_wait3A = arith.constant 0 : i32
      %dma_wait3A_18 = tpu.memref_slice %arg13[%mul3A_4, %dma_wait3A] : memref<10240x128xf32, #tpu.memory_space<vmem_shared>> -> memref<640x128xf32, #tpu.memory_space<vmem_shared>>
      %dma_wait3A_19 = arith.constant 0 : i32
      %dma_wait3A_20 = tpu.memref_slice %arg5[%mul3A_2, %dma_wait3A_19] : memref<10240x128xf32, #tpu.memory_space<hbm>> -> memref<640x128xf32, #tpu.memory_space<hbm>>
      tpu.wait_dma2 semaphore(%run_scoped3A : memref<!tpu.dma_semaphore, #tpu.memory_space<semaphore_mem>>) src(%dma_wait3A_20 : memref<640x128xf32, #tpu.memory_space<hbm>>) dst(%dma_wait3A_18 : memref<640x128xf32, #tpu.memory_space<vmem_shared>>)
      tpu.yield
    }) : () -> ()
    %barrier3A = arith.constant 0 : index
    tpu.barrier barrier_id(%barrier3A)
    %scan3A = arith.constant 0 : i32
    %scan3A_5 = arith.constant 0 : i32
    %scan3A_6 = arith.constant 10 : i32
    %scan3A_7 = arith.addi %scan3A_5, %scan3A_6 : i32
    %scan3A_8 = arith.constant 1 : i32
    scf.for %scan3A_15 = %scan3A_5 to %scan3A_7 step %scan3A_8  : i32 {
      %mul3A_16 = arith.constant 32 : i32
      %mul3A_17 = arith.muli %scan3A_15, %mul3A_16 : i32
      "tpu.region"() ({
        %run_scoped3A = tpu.sem_alloc : memref<!tpu.dma_semaphore, #tpu.memory_space<semaphore_mem>>
        %dma_start3A = arith.constant 0 : i32
        %dma_start3A_26 = tpu.memref_slice %arg3[%add3A, %mul3A_17, %dma_start3A] : memref<32x320x64xi32, #tpu.memory_space<hbm>> -> memref<1x32x64xi32, #tpu.memory_space<hbm>>
        %dma_start3A_27 = tpu.memref_squeeze %dma_start3A_26 : memref<1x32x64xi32, #tpu.memory_space<hbm>> -> memref<32x64xi32, #tpu.memory_space<hbm>>
        %dma_start3A_28 = arith.constant 0 : i32
        %dma_start3A_29 = tpu.memref_slice %arg3[%add3A, %mul3A_17, %dma_start3A_28] : memref<32x320x64xi32, #tpu.memory_space<hbm>> -> memref<1x32x64xi32, #tpu.memory_space<hbm>>
        %dma_start3A_30 = tpu.memref_squeeze %dma_start3A_29 : memref<1x32x64xi32, #tpu.memory_space<hbm>> -> memref<32x64xi32, #tpu.memory_space<hbm>>
        tpu.enqueue_dma source(%dma_start3A_30 : memref<32x64xi32, #tpu.memory_space<hbm>>) target(%arg7 : memref<32x64xi32, #tpu.memory_space<vmem>>) target_semaphore(%run_scoped3A : memref<!tpu.dma_semaphore, #tpu.memory_space<semaphore_mem>>)
        %dma_wait3A = arith.constant 0 : i32
        %dma_wait3A_31 = tpu.memref_slice %arg3[%add3A, %mul3A_17, %dma_wait3A] : memref<32x320x64xi32, #tpu.memory_space<hbm>> -> memref<1x32x64xi32, #tpu.memory_space<hbm>>
        %dma_wait3A_32 = tpu.memref_squeeze %dma_wait3A_31 : memref<1x32x64xi32, #tpu.memory_space<hbm>> -> memref<32x64xi32, #tpu.memory_space<hbm>>
        %dma_wait3A_33 = arith.constant 0 : i32
        %dma_wait3A_34 = tpu.memref_slice %arg3[%add3A, %mul3A_17, %dma_wait3A_33] : memref<32x320x64xi32, #tpu.memory_space<hbm>> -> memref<1x32x64xi32, #tpu.memory_space<hbm>>
        %dma_wait3A_35 = tpu.memref_squeeze %dma_wait3A_34 : memref<1x32x64xi32, #tpu.memory_space<hbm>> -> memref<32x64xi32, #tpu.memory_space<hbm>>
        tpu.wait_dma2 semaphore(%run_scoped3A : memref<!tpu.dma_semaphore, #tpu.memory_space<semaphore_mem>>) src(%dma_wait3A_35 : memref<32x64xi32, #tpu.memory_space<hbm>>) dst(%arg7 : memref<32x64xi32, #tpu.memory_space<vmem>>)
        tpu.yield
      }) : () -> ()
      %mul3A_18 = arith.constant 32 : i32
      %mul3A_19 = arith.muli %scan3A_15, %mul3A_18 : i32
      "tpu.region"() ({
        %run_scoped3A = tpu.sem_alloc : memref<!tpu.dma_semaphore, #tpu.memory_space<semaphore_mem>>
        %dma_start3A = arith.constant 0 : i32
        %dma_start3A_26 = tpu.memref_slice %arg4[%add3A, %mul3A_19, %dma_start3A] : memref<32x320x64xi32, #tpu.memory_space<hbm>> -> memref<1x32x64xi32, #tpu.memory_space<hbm>>
        %dma_start3A_27 = tpu.memref_squeeze %dma_start3A_26 : memref<1x32x64xi32, #tpu.memory_space<hbm>> -> memref<32x64xi32, #tpu.memory_space<hbm>>
        %dma_start3A_28 = arith.constant 0 : i32
        %dma_start3A_29 = tpu.memref_slice %arg4[%add3A, %mul3A_19, %dma_start3A_28] : memref<32x320x64xi32, #tpu.memory_space<hbm>> -> memref<1x32x64xi32, #tpu.memory_space<hbm>>
        %dma_start3A_30 = tpu.memref_squeeze %dma_start3A_29 : memref<1x32x64xi32, #tpu.memory_space<hbm>> -> memref<32x64xi32, #tpu.memory_space<hbm>>
        tpu.enqueue_dma source(%dma_start3A_30 : memref<32x64xi32, #tpu.memory_space<hbm>>) target(%arg8 : memref<32x64xi32, #tpu.memory_space<vmem>>) target_semaphore(%run_scoped3A : memref<!tpu.dma_semaphore, #tpu.memory_space<semaphore_mem>>)
        %dma_wait3A = arith.constant 0 : i32
        %dma_wait3A_31 = tpu.memref_slice %arg4[%add3A, %mul3A_19, %dma_wait3A] : memref<32x320x64xi32, #tpu.memory_space<hbm>> -> memref<1x32x64xi32, #tpu.memory_space<hbm>>
        %dma_wait3A_32 = tpu.memref_squeeze %dma_wait3A_31 : memref<1x32x64xi32, #tpu.memory_space<hbm>> -> memref<32x64xi32, #tpu.memory_space<hbm>>
        %dma_wait3A_33 = arith.constant 0 : i32
        %dma_wait3A_34 = tpu.memref_slice %arg4[%add3A, %mul3A_19, %dma_wait3A_33] : memref<32x320x64xi32, #tpu.memory_space<hbm>> -> memref<1x32x64xi32, #tpu.memory_space<hbm>>
        %dma_wait3A_35 = tpu.memref_squeeze %dma_wait3A_34 : memref<1x32x64xi32, #tpu.memory_space<hbm>> -> memref<32x64xi32, #tpu.memory_space<hbm>>
        tpu.wait_dma2 semaphore(%run_scoped3A : memref<!tpu.dma_semaphore, #tpu.memory_space<semaphore_mem>>) src(%dma_wait3A_35 : memref<32x64xi32, #tpu.memory_space<hbm>>) dst(%arg8 : memref<32x64xi32, #tpu.memory_space<vmem>>)
        tpu.yield
      }) : () -> ()
      %scan3A_20 = arith.constant 0 : i32
      %scan3A_21 = arith.constant 0 : i32
      %scan3A_22 = arith.constant 8 : i32
      %scan3A_23 = arith.addi %scan3A_21, %scan3A_22 : i32
      %scan3A_24 = arith.constant 1 : i32
      scf.for %scan3A_26 = %scan3A_21 to %scan3A_23 step %scan3A_24  : i32 {
        %mul3A_27 = arith.constant 4 : i32
        %mul3A_28 = arith.muli %scan3A_26, %mul3A_27 : i32
        %add3A_29 = arith.constant 0 : i32
        %add3A_30 = arith.addi %mul3A_28, %add3A_29 : i32
        %dma_start3A = arith.constant 0 : i32
        %dma_start3A_31 = tpu.memref_slice %arg7[%add3A_30, %dma_start3A] : memref<32x64xi32, #tpu.memory_space<vmem>> -> memref<1x64xi32, #tpu.memory_space<vmem>>
        %dma_start3A_32 = tpu.memref_squeeze %dma_start3A_31 : memref<1x64xi32, #tpu.memory_space<vmem>> -> memref<64xi32, #tpu.memory_space<vmem>>
        %dma_start3A_33 = arith.constant 0 : i32
        %dma_start3A_34 = arith.constant 0 : i32
        %dma_start3A_35 = tpu.memref_slice %arg2[%dma_start3A_33, %dma_start3A_34] : memref<10240x128xf32, #tpu.memory_space<hbm>> -> memref<10240x128xf32, #tpu.memory_space<hbm>>
        tpu.enqueue_indirect_dma source(%dma_start3A_35 : memref<10240x128xf32, #tpu.memory_space<hbm>>) target(%arg9 : memref<64x128xf32, #tpu.memory_space<vmem>>) offsets(%dma_start3A_32 : memref<64xi32, #tpu.memory_space<vmem>>) semaphore(%arg14 : memref<!tpu.dma_semaphore, #tpu.memory_space<semaphore_mem>>)
        %add3A_36 = arith.constant 1 : i32
        %add3A_37 = arith.addi %mul3A_28, %add3A_36 : i32
        %dma_start3A_38 = arith.constant 0 : i32
        %dma_start3A_39 = tpu.memref_slice %arg7[%add3A_37, %dma_start3A_38] : memref<32x64xi32, #tpu.memory_space<vmem>> -> memref<1x64xi32, #tpu.memory_space<vmem>>
        %dma_start3A_40 = tpu.memref_squeeze %dma_start3A_39 : memref<1x64xi32, #tpu.memory_space<vmem>> -> memref<64xi32, #tpu.memory_space<vmem>>
        %dma_start3A_41 = arith.constant 0 : i32
        %dma_start3A_42 = arith.constant 0 : i32
        %dma_start3A_43 = tpu.memref_slice %arg2[%dma_start3A_41, %dma_start3A_42] : memref<10240x128xf32, #tpu.memory_space<hbm>> -> memref<10240x128xf32, #tpu.memory_space<hbm>>
        tpu.enqueue_indirect_dma source(%dma_start3A_43 : memref<10240x128xf32, #tpu.memory_space<hbm>>) target(%arg10 : memref<64x128xf32, #tpu.memory_space<vmem>>) offsets(%dma_start3A_40 : memref<64xi32, #tpu.memory_space<vmem>>) semaphore(%arg15 : memref<!tpu.dma_semaphore, #tpu.memory_space<semaphore_mem>>)
        %add3A_44 = arith.constant 2 : i32
        %add3A_45 = arith.addi %mul3A_28, %add3A_44 : i32
        %dma_start3A_46 = arith.constant 0 : i32
        %dma_start3A_47 = tpu.memref_slice %arg7[%add3A_45, %dma_start3A_46] : memref<32x64xi32, #tpu.memory_space<vmem>> -> memref<1x64xi32, #tpu.memory_space<vmem>>
        %dma_start3A_48 = tpu.memref_squeeze %dma_start3A_47 : memref<1x64xi32, #tpu.memory_space<vmem>> -> memref<64xi32, #tpu.memory_space<vmem>>
        %dma_start3A_49 = arith.constant 0 : i32
        %dma_start3A_50 = arith.constant 0 : i32
        %dma_start3A_51 = tpu.memref_slice %arg2[%dma_start3A_49, %dma_start3A_50] : memref<10240x128xf32, #tpu.memory_space<hbm>> -> memref<10240x128xf32, #tpu.memory_space<hbm>>
        tpu.enqueue_indirect_dma source(%dma_start3A_51 : memref<10240x128xf32, #tpu.memory_space<hbm>>) target(%arg11 : memref<64x128xf32, #tpu.memory_space<vmem>>) offsets(%dma_start3A_48 : memref<64xi32, #tpu.memory_space<vmem>>) semaphore(%arg16 : memref<!tpu.dma_semaphore, #tpu.memory_space<semaphore_mem>>)
        %add3A_52 = arith.constant 3 : i32
        %add3A_53 = arith.addi %mul3A_28, %add3A_52 : i32
        %dma_start3A_54 = arith.constant 0 : i32
        %dma_start3A_55 = tpu.memref_slice %arg7[%add3A_53, %dma_start3A_54] : memref<32x64xi32, #tpu.memory_space<vmem>> -> memref<1x64xi32, #tpu.memory_space<vmem>>
        %dma_start3A_56 = tpu.memref_squeeze %dma_start3A_55 : memref<1x64xi32, #tpu.memory_space<vmem>> -> memref<64xi32, #tpu.memory_space<vmem>>
        %dma_start3A_57 = arith.constant 0 : i32
        %dma_start3A_58 = arith.constant 0 : i32
        %dma_start3A_59 = tpu.memref_slice %arg2[%dma_start3A_57, %dma_start3A_58] : memref<10240x128xf32, #tpu.memory_space<hbm>> -> memref<10240x128xf32, #tpu.memory_space<hbm>>
        tpu.enqueue_indirect_dma source(%dma_start3A_59 : memref<10240x128xf32, #tpu.memory_space<hbm>>) target(%arg12 : memref<64x128xf32, #tpu.memory_space<vmem>>) offsets(%dma_start3A_56 : memref<64xi32, #tpu.memory_space<vmem>>) semaphore(%arg17 : memref<!tpu.dma_semaphore, #tpu.memory_space<semaphore_mem>>)
        %dma_wait3A = arith.constant 0 : i32
        %dma_wait3A_60 = tpu.memref_slice %arg7[%add3A_30, %dma_wait3A] : memref<32x64xi32, #tpu.memory_space<vmem>> -> memref<1x64xi32, #tpu.memory_space<vmem>>
        %dma_wait3A_61 = tpu.memref_squeeze %dma_wait3A_60 : memref<1x64xi32, #tpu.memory_space<vmem>> -> memref<64xi32, #tpu.memory_space<vmem>>
        %dma_wait3A_62 = arith.constant 0 : i32
        %dma_wait3A_63 = arith.constant 0 : i32
        %dma_wait3A_64 = tpu.memref_slice %arg2[%dma_wait3A_62, %dma_wait3A_63] : memref<10240x128xf32, #tpu.memory_space<hbm>> -> memref<10240x128xf32, #tpu.memory_space<hbm>>
        tpu.wait_indirect_dma semaphore(%arg14 : memref<!tpu.dma_semaphore, #tpu.memory_space<semaphore_mem>>) src(%dma_wait3A_64 : memref<10240x128xf32, #tpu.memory_space<hbm>>) dst(%arg9 : memref<64x128xf32, #tpu.memory_space<vmem>>)
        %add3A_65 = arith.constant 0 : i32
        %add3A_66 = arith.addi %mul3A_28, %add3A_65 : i32
        %dma_start3A_67 = arith.constant 0 : i32
        %dma_start3A_68 = tpu.memref_slice %arg8[%add3A_66, %dma_start3A_67] : memref<32x64xi32, #tpu.memory_space<vmem>> -> memref<1x64xi32, #tpu.memory_space<vmem>>
        %dma_start3A_69 = tpu.memref_squeeze %dma_start3A_68 : memref<1x64xi32, #tpu.memory_space<vmem>> -> memref<64xi32, #tpu.memory_space<vmem>>
        %dma_start3A_70 = arith.constant 0 : i32
        %dma_start3A_71 = arith.constant 0 : i32
        %dma_start3A_72 = tpu.memref_slice %arg13[%dma_start3A_70, %dma_start3A_71] : memref<10240x128xf32, #tpu.memory_space<vmem_shared>> -> memref<10240x128xf32, #tpu.memory_space<vmem_shared>>
        tpu.enqueue_indirect_dma source(%arg9 : memref<64x128xf32, #tpu.memory_space<vmem>>) target(%dma_start3A_72 : memref<10240x128xf32, #tpu.memory_space<vmem_shared>>) offsets(%dma_start3A_69 : memref<64xi32, #tpu.memory_space<vmem>>) semaphore(%arg18 : memref<!tpu.dma_semaphore, #tpu.memory_space<semaphore_mem>>) {add = true}
        %dma_wait3A_73 = arith.constant 0 : i32
        %dma_wait3A_74 = tpu.memref_slice %arg7[%add3A_37, %dma_wait3A_73] : memref<32x64xi32, #tpu.memory_space<vmem>> -> memref<1x64xi32, #tpu.memory_space<vmem>>
        %dma_wait3A_75 = tpu.memref_squeeze %dma_wait3A_74 : memref<1x64xi32, #tpu.memory_space<vmem>> -> memref<64xi32, #tpu.memory_space<vmem>>
        %dma_wait3A_76 = arith.constant 0 : i32
        %dma_wait3A_77 = arith.constant 0 : i32
        %dma_wait3A_78 = tpu.memref_slice %arg2[%dma_wait3A_76, %dma_wait3A_77] : memref<10240x128xf32, #tpu.memory_space<hbm>> -> memref<10240x128xf32, #tpu.memory_space<hbm>>
        tpu.wait_indirect_dma semaphore(%arg15 : memref<!tpu.dma_semaphore, #tpu.memory_space<semaphore_mem>>) src(%dma_wait3A_78 : memref<10240x128xf32, #tpu.memory_space<hbm>>) dst(%arg10 : memref<64x128xf32, #tpu.memory_space<vmem>>)
        %add3A_79 = arith.constant 1 : i32
        %add3A_80 = arith.addi %mul3A_28, %add3A_79 : i32
        %dma_start3A_81 = arith.constant 0 : i32
        %dma_start3A_82 = tpu.memref_slice %arg8[%add3A_80, %dma_start3A_81] : memref<32x64xi32, #tpu.memory_space<vmem>> -> memref<1x64xi32, #tpu.memory_space<vmem>>
        %dma_start3A_83 = tpu.memref_squeeze %dma_start3A_82 : memref<1x64xi32, #tpu.memory_space<vmem>> -> memref<64xi32, #tpu.memory_space<vmem>>
        %dma_start3A_84 = arith.constant 0 : i32
        %dma_start3A_85 = arith.constant 0 : i32
        %dma_start3A_86 = tpu.memref_slice %arg13[%dma_start3A_84, %dma_start3A_85] : memref<10240x128xf32, #tpu.memory_space<vmem_shared>> -> memref<10240x128xf32, #tpu.memory_space<vmem_shared>>
        tpu.enqueue_indirect_dma source(%arg10 : memref<64x128xf32, #tpu.memory_space<vmem>>) target(%dma_start3A_86 : memref<10240x128xf32, #tpu.memory_space<vmem_shared>>) offsets(%dma_start3A_83 : memref<64xi32, #tpu.memory_space<vmem>>) semaphore(%arg19 : memref<!tpu.dma_semaphore, #tpu.memory_space<semaphore_mem>>) {add = true}
        %dma_wait3A_87 = arith.constant 0 : i32
        %dma_wait3A_88 = tpu.memref_slice %arg7[%add3A_45, %dma_wait3A_87] : memref<32x64xi32, #tpu.memory_space<vmem>> -> memref<1x64xi32, #tpu.memory_space<vmem>>
        %dma_wait3A_89 = tpu.memref_squeeze %dma_wait3A_88 : memref<1x64xi32, #tpu.memory_space<vmem>> -> memref<64xi32, #tpu.memory_space<vmem>>
        %dma_wait3A_90 = arith.constant 0 : i32
        %dma_wait3A_91 = arith.constant 0 : i32
        %dma_wait3A_92 = tpu.memref_slice %arg2[%dma_wait3A_90, %dma_wait3A_91] : memref<10240x128xf32, #tpu.memory_space<hbm>> -> memref<10240x128xf32, #tpu.memory_space<hbm>>
        tpu.wait_indirect_dma semaphore(%arg16 : memref<!tpu.dma_semaphore, #tpu.memory_space<semaphore_mem>>) src(%dma_wait3A_92 : memref<10240x128xf32, #tpu.memory_space<hbm>>) dst(%arg11 : memref<64x128xf32, #tpu.memory_space<vmem>>)
        %add3A_93 = arith.constant 2 : i32
        %add3A_94 = arith.addi %mul3A_28, %add3A_93 : i32
        %dma_start3A_95 = arith.constant 0 : i32
        %dma_start3A_96 = tpu.memref_slice %arg8[%add3A_94, %dma_start3A_95] : memref<32x64xi32, #tpu.memory_space<vmem>> -> memref<1x64xi32, #tpu.memory_space<vmem>>
        %dma_start3A_97 = tpu.memref_squeeze %dma_start3A_96 : memref<1x64xi32, #tpu.memory_space<vmem>> -> memref<64xi32, #tpu.memory_space<vmem>>
        %dma_start3A_98 = arith.constant 0 : i32
        %dma_start3A_99 = arith.constant 0 : i32
        %dma_start3A_100 = tpu.memref_slice %arg13[%dma_start3A_98, %dma_start3A_99] : memref<10240x128xf32, #tpu.memory_space<vmem_shared>> -> memref<10240x128xf32, #tpu.memory_space<vmem_shared>>
        tpu.enqueue_indirect_dma source(%arg11 : memref<64x128xf32, #tpu.memory_space<vmem>>) target(%dma_start3A_100 : memref<10240x128xf32, #tpu.memory_space<vmem_shared>>) offsets(%dma_start3A_97 : memref<64xi32, #tpu.memory_space<vmem>>) semaphore(%arg20 : memref<!tpu.dma_semaphore, #tpu.memory_space<semaphore_mem>>) {add = true}
        %dma_wait3A_101 = arith.constant 0 : i32
        %dma_wait3A_102 = tpu.memref_slice %arg7[%add3A_53, %dma_wait3A_101] : memref<32x64xi32, #tpu.memory_space<vmem>> -> memref<1x64xi32, #tpu.memory_space<vmem>>
        %dma_wait3A_103 = tpu.memref_squeeze %dma_wait3A_102 : memref<1x64xi32, #tpu.memory_space<vmem>> -> memref<64xi32, #tpu.memory_space<vmem>>
        %dma_wait3A_104 = arith.constant 0 : i32
        %dma_wait3A_105 = arith.constant 0 : i32
        %dma_wait3A_106 = tpu.memref_slice %arg2[%dma_wait3A_104, %dma_wait3A_105] : memref<10240x128xf32, #tpu.memory_space<hbm>> -> memref<10240x128xf32, #tpu.memory_space<hbm>>
        tpu.wait_indirect_dma semaphore(%arg17 : memref<!tpu.dma_semaphore, #tpu.memory_space<semaphore_mem>>) src(%dma_wait3A_106 : memref<10240x128xf32, #tpu.memory_space<hbm>>) dst(%arg12 : memref<64x128xf32, #tpu.memory_space<vmem>>)
        %add3A_107 = arith.constant 3 : i32
        %add3A_108 = arith.addi %mul3A_28, %add3A_107 : i32
        %dma_start3A_109 = arith.constant 0 : i32
        %dma_start3A_110 = tpu.memref_slice %arg8[%add3A_108, %dma_start3A_109] : memref<32x64xi32, #tpu.memory_space<vmem>> -> memref<1x64xi32, #tpu.memory_space<vmem>>
        %dma_start3A_111 = tpu.memref_squeeze %dma_start3A_110 : memref<1x64xi32, #tpu.memory_space<vmem>> -> memref<64xi32, #tpu.memory_space<vmem>>
        %dma_start3A_112 = arith.constant 0 : i32
        %dma_start3A_113 = arith.constant 0 : i32
        %dma_start3A_114 = tpu.memref_slice %arg13[%dma_start3A_112, %dma_start3A_113] : memref<10240x128xf32, #tpu.memory_space<vmem_shared>> -> memref<10240x128xf32, #tpu.memory_space<vmem_shared>>
        tpu.enqueue_indirect_dma source(%arg12 : memref<64x128xf32, #tpu.memory_space<vmem>>) target(%dma_start3A_114 : memref<10240x128xf32, #tpu.memory_space<vmem_shared>>) offsets(%dma_start3A_111 : memref<64xi32, #tpu.memory_space<vmem>>) semaphore(%arg21 : memref<!tpu.dma_semaphore, #tpu.memory_space<semaphore_mem>>) {add = true}
        %dma_wait3A_115 = arith.constant 0 : i32
        %dma_wait3A_116 = tpu.memref_slice %arg8[%add3A_66, %dma_wait3A_115] : memref<32x64xi32, #tpu.memory_space<vmem>> -> memref<1x64xi32, #tpu.memory_space<vmem>>
        %dma_wait3A_117 = tpu.memref_squeeze %dma_wait3A_116 : memref<1x64xi32, #tpu.memory_space<vmem>> -> memref<64xi32, #tpu.memory_space<vmem>>
        %dma_wait3A_118 = arith.constant 0 : i32
        %dma_wait3A_119 = arith.constant 0 : i32
        %dma_wait3A_120 = tpu.memref_slice %arg13[%dma_wait3A_118, %dma_wait3A_119] : memref<10240x128xf32, #tpu.memory_space<vmem_shared>> -> memref<10240x128xf32, #tpu.memory_space<vmem_shared>>
        tpu.wait_indirect_dma semaphore(%arg18 : memref<!tpu.dma_semaphore, #tpu.memory_space<semaphore_mem>>) src(%arg9 : memref<64x128xf32, #tpu.memory_space<vmem>>) dst(%dma_wait3A_120 : memref<10240x128xf32, #tpu.memory_space<vmem_shared>>)
        %dma_wait3A_121 = arith.constant 0 : i32
        %dma_wait3A_122 = tpu.memref_slice %arg8[%add3A_80, %dma_wait3A_121] : memref<32x64xi32, #tpu.memory_space<vmem>> -> memref<1x64xi32, #tpu.memory_space<vmem>>
        %dma_wait3A_123 = tpu.memref_squeeze %dma_wait3A_122 : memref<1x64xi32, #tpu.memory_space<vmem>> -> memref<64xi32, #tpu.memory_space<vmem>>
        %dma_wait3A_124 = arith.constant 0 : i32
        %dma_wait3A_125 = arith.constant 0 : i32
        %dma_wait3A_126 = tpu.memref_slice %arg13[%dma_wait3A_124, %dma_wait3A_125] : memref<10240x128xf32, #tpu.memory_space<vmem_shared>> -> memref<10240x128xf32, #tpu.memory_space<vmem_shared>>
        tpu.wait_indirect_dma semaphore(%arg19 : memref<!tpu.dma_semaphore, #tpu.memory_space<semaphore_mem>>) src(%arg10 : memref<64x128xf32, #tpu.memory_space<vmem>>) dst(%dma_wait3A_126 : memref<10240x128xf32, #tpu.memory_space<vmem_shared>>)
        %dma_wait3A_127 = arith.constant 0 : i32
        %dma_wait3A_128 = tpu.memref_slice %arg8[%add3A_94, %dma_wait3A_127] : memref<32x64xi32, #tpu.memory_space<vmem>> -> memref<1x64xi32, #tpu.memory_space<vmem>>
        %dma_wait3A_129 = tpu.memref_squeeze %dma_wait3A_128 : memref<1x64xi32, #tpu.memory_space<vmem>> -> memref<64xi32, #tpu.memory_space<vmem>>
        %dma_wait3A_130 = arith.constant 0 : i32
        %dma_wait3A_131 = arith.constant 0 : i32
        %dma_wait3A_132 = tpu.memref_slice %arg13[%dma_wait3A_130, %dma_wait3A_131] : memref<10240x128xf32, #tpu.memory_space<vmem_shared>> -> memref<10240x128xf32, #tpu.memory_space<vmem_shared>>
        tpu.wait_indirect_dma semaphore(%arg20 : memref<!tpu.dma_semaphore, #tpu.memory_space<semaphore_mem>>) src(%arg11 : memref<64x128xf32, #tpu.memory_space<vmem>>) dst(%dma_wait3A_132 : memref<10240x128xf32, #tpu.memory_space<vmem_shared>>)
        %dma_wait3A_133 = arith.constant 0 : i32
        %dma_wait3A_134 = tpu.memref_slice %arg8[%add3A_108, %dma_wait3A_133] : memref<32x64xi32, #tpu.memory_space<vmem>> -> memref<1x64xi32, #tpu.memory_space<vmem>>
        %dma_wait3A_135 = tpu.memref_squeeze %dma_wait3A_134 : memref<1x64xi32, #tpu.memory_space<vmem>> -> memref<64xi32, #tpu.memory_space<vmem>>
        %dma_wait3A_136 = arith.constant 0 : i32
        %dma_wait3A_137 = arith.constant 0 : i32
        %dma_wait3A_138 = tpu.memref_slice %arg13[%dma_wait3A_136, %dma_wait3A_137] : memref<10240x128xf32, #tpu.memory_space<vmem_shared>> -> memref<10240x128xf32, #tpu.memory_space<vmem_shared>>
        tpu.wait_indirect_dma semaphore(%arg21 : memref<!tpu.dma_semaphore, #tpu.memory_space<semaphore_mem>>) src(%arg12 : memref<64x128xf32, #tpu.memory_space<vmem>>) dst(%dma_wait3A_138 : memref<10240x128xf32, #tpu.memory_space<vmem_shared>>)
      }
      %scan3A_25 = arith.constant 8 : i32
    }
    %scan3A_9 = arith.constant 10 : i32
    %barrier3A_10 = arith.constant 0 : index
    tpu.barrier barrier_id(%barrier3A_10)
    %mul3A_11 = arith.constant 640 : i32
    %mul3A_12 = arith.muli %arg1, %mul3A_11 : i32
    %mul3A_13 = arith.constant 640 : i32
    %mul3A_14 = arith.muli %arg1, %mul3A_13 : i32
    "tpu.region"() ({
      %run_scoped3A = tpu.sem_alloc : memref<!tpu.dma_semaphore, #tpu.memory_space<semaphore_mem>>
      %dma_start3A = arith.constant 0 : i32
      %dma_start3A_15 = tpu.memref_slice %arg6[%arg0, %mul3A_14, %dma_start3A] : memref<2x10240x128xf32, #tpu.memory_space<hbm>> -> memref<1x640x128xf32, #tpu.memory_space<hbm>>
      %dma_start3A_16 = tpu.memref_squeeze %dma_start3A_15 : memref<1x640x128xf32, #tpu.memory_space<hbm>> -> memref<640x128xf32, #tpu.memory_space<hbm>>
      %dma_start3A_17 = arith.constant 0 : i32
      %dma_start3A_18 = tpu.memref_slice %arg13[%mul3A_12, %dma_start3A_17] : memref<10240x128xf32, #tpu.memory_space<vmem_shared>> -> memref<640x128xf32, #tpu.memory_space<vmem_shared>>
      tpu.enqueue_dma source(%dma_start3A_18 : memref<640x128xf32, #tpu.memory_space<vmem_shared>>) target(%dma_start3A_16 : memref<640x128xf32, #tpu.memory_space<hbm>>) target_semaphore(%run_scoped3A : memref<!tpu.dma_semaphore, #tpu.memory_space<semaphore_mem>>)
      %dma_wait3A = arith.constant 0 : i32
      %dma_wait3A_19 = tpu.memref_slice %arg6[%arg0, %mul3A_14, %dma_wait3A] : memref<2x10240x128xf32, #tpu.memory_space<hbm>> -> memref<1x640x128xf32, #tpu.memory_space<hbm>>
      %dma_wait3A_20 = tpu.memref_squeeze %dma_wait3A_19 : memref<1x640x128xf32, #tpu.memory_space<hbm>> -> memref<640x128xf32, #tpu.memory_space<hbm>>
      %dma_wait3A_21 = arith.constant 0 : i32
      %dma_wait3A_22 = tpu.memref_slice %arg13[%mul3A_12, %dma_wait3A_21] : memref<10240x128xf32, #tpu.memory_space<vmem_shared>> -> memref<640x128xf32, #tpu.memory_space<vmem_shared>>
      tpu.wait_dma2 semaphore(%run_scoped3A : memref<!tpu.dma_semaphore, #tpu.memory_space<semaphore_mem>>) src(%dma_wait3A_22 : memref<640x128xf32, #tpu.memory_space<vmem_shared>>) dst(%dma_wait3A_20 : memref<640x128xf32, #tpu.memory_space<hbm>>)
      tpu.yield
    }) : () -> ()
    return
  }
}

module attributes {stable_mosaic.version = 14 : i64} {
  func.func @_tca_body(%arg0: i32, %arg1: memref<256x144xf32, #tpu.memory_space<vmem>>, %arg2: memref<144x128xf32, #tpu.memory_space<vmem>>, %arg3: memref<1x128xf32, #tpu.memory_space<vmem>>, %arg4: memref<128x128xf32, #tpu.memory_space<vmem>>, %arg5: memref<256x128xf32, #tpu.memory_space<vmem>>, %arg6: memref<256x128xf32, #tpu.memory_space<vmem>>) attributes {dimension_semantics = [#tpu.dimension_semantics<arbitrary>], iteration_bounds = array<i64: 40>, scalar_prefetch = 0 : i64, scratch_operands = 0 : i64, tpu.core_type = #tpu.core_type<tc>, window_params = [{transform_indices = @transform_0, window_bounds = array<i64: 256, 144>}, {pipeline_mode = #tpu.pipeline_mode<synchronous>, transform_indices = @transform_1, window_bounds = array<i64: 144, 128>}, {pipeline_mode = #tpu.pipeline_mode<synchronous>, transform_indices = @transform_2, window_bounds = array<i64: 1, 128>}, {pipeline_mode = #tpu.pipeline_mode<synchronous>, transform_indices = @transform_3, window_bounds = array<i64: 128, 128>}, {transform_indices = @transform_4, window_bounds = array<i64: 256, 128>}, {transform_indices = @transform_5, window_bounds = array<i64: 256, 128>}]} {
    %get3A = arith.constant 0 : index
    %get3A_0 = arith.constant 0 : index
    %get3A_1 = vector.load %arg1[%get3A, %get3A_0] : memref<256x144xf32, #tpu.memory_space<vmem>>, vector<256x144xf32>
    %get3A_2 = arith.constant 0 : index
    %get3A_3 = arith.constant 0 : index
    %get3A_4 = vector.load %arg2[%get3A_2, %get3A_3] : memref<144x128xf32, #tpu.memory_space<vmem>>, vector<144x128xf32>
    %dot_general3A = arith.constant dense<0.000000e+00> : vector<256x128xf32>
    %dot_general3A_5 = tpu.matmul %get3A_1, %get3A_4, %dot_general3A {dimension_numbers = #tpu.dot_dimension_numbers<[1], [0], [0], [1], [0, 0, 1, 1], [], []>, transpose_lhs_hint = false} : vector<256x144xf32>, vector<144x128xf32>, vector<256x128xf32> -> vector<256x128xf32>
    %get3A_6 = arith.constant 0 : index
    %get3A_7 = arith.constant 0 : index
    %get3A_8 = vector.load %arg3[%get3A_6, %get3A_7] : memref<1x128xf32, #tpu.memory_space<vmem>>, vector<1x128xf32>
    %add3A = vector.broadcast %get3A_8 : vector<1x128xf32> to vector<256x128xf32>
    %add3A_9 = arith.addf %dot_general3A_5, %add3A : vector<256x128xf32>
    %swap3A = arith.constant 0 : index
    %swap3A_10 = arith.constant 0 : index
    %swap3A_11 = vector.load %arg5[%swap3A, %swap3A_10] : memref<256x128xf32, #tpu.memory_space<vmem>>, vector<256x128xf32>
    tpu.vector_store %arg5[%swap3A, %swap3A_10], %add3A_9 {strides = array<i32>} : memref<256x128xf32, #tpu.memory_space<vmem>>, vector<256x128xf32>,
    %get3A_12 = arith.constant 0 : index
    %get3A_13 = arith.constant 0 : index
    %get3A_14 = vector.load %arg4[%get3A_12, %get3A_13] : memref<128x128xf32, #tpu.memory_space<vmem>>, vector<128x128xf32>
    %dot_general3A_15 = arith.constant dense<0.000000e+00> : vector<256x128xf32>
    %dot_general3A_16 = tpu.matmul %add3A_9, %get3A_14, %dot_general3A_15 {dimension_numbers = #tpu.dot_dimension_numbers<[1], [0], [0], [1], [0, 0, 1, 1], [], []>, transpose_lhs_hint = false} : vector<256x128xf32>, vector<128x128xf32>, vector<256x128xf32> -> vector<256x128xf32>
    %swap3A_17 = arith.constant 0 : index
    %swap3A_18 = arith.constant 0 : index
    %swap3A_19 = vector.load %arg6[%swap3A_17, %swap3A_18] : memref<256x128xf32, #tpu.memory_space<vmem>>, vector<256x128xf32>
    tpu.vector_store %arg6[%swap3A_17, %swap3A_18], %dot_general3A_16 {strides = array<i32>} : memref<256x128xf32, #tpu.memory_space<vmem>>, vector<256x128xf32>,
    return
  }
  func.func @transform_0(%arg0: i32) -> (i32, i32) {
    %c0_i32 = arith.constant 0 : i32
    %c0_i32_0 = arith.constant 0 : i32
    return %arg0, %c0_i32 : i32, i32
  }
  func.func @transform_1(%arg0: i32) -> (i32, i32) {
    %c0_i32 = arith.constant 0 : i32
    %c0_i32_0 = arith.constant 0 : i32
    %c0_i32_1 = arith.constant 0 : i32
    return %c0_i32, %c0_i32_0 : i32, i32
  }
  func.func @transform_2(%arg0: i32) -> (i32, i32) {
    %c0_i32 = arith.constant 0 : i32
    %c0_i32_0 = arith.constant 0 : i32
    %c0_i32_1 = arith.constant 0 : i32
    return %c0_i32, %c0_i32_0 : i32, i32
  }
  func.func @transform_3(%arg0: i32) -> (i32, i32) {
    %c0_i32 = arith.constant 0 : i32
    %c0_i32_0 = arith.constant 0 : i32
    %c0_i32_1 = arith.constant 0 : i32
    return %c0_i32, %c0_i32_0 : i32, i32
  }
  func.func @transform_4(%arg0: i32) -> (i32, i32) {
    %c0_i32 = arith.constant 0 : i32
    %c0_i32_0 = arith.constant 0 : i32
    return %arg0, %c0_i32 : i32, i32
  }
  func.func @transform_5(%arg0: i32) -> (i32, i32) {
    %c0_i32 = arith.constant 0 : i32
    %c0_i32_0 = arith.constant 0 : i32
    return %arg0, %c0_i32 : i32, i32
  }
}

module attributes {stable_mosaic.version = 14 : i64} {
  func.func @_tcb_body(%arg0: i32, %arg1: memref<2x256x128xf32, #tpu.memory_space<vmem>>, %arg2: memref<2x1x2x128xf32, #tpu.memory_space<vmem>>, %arg3: memref<256x128xf32, #tpu.memory_space<vmem>>, %arg4: memref<128x128xf32, #tpu.memory_space<vmem>>, %arg5: memref<1x128xf32, #tpu.memory_space<vmem>>, %arg6: memref<128x128xf32, #tpu.memory_space<vmem>>, %arg7: memref<256x128xf32, #tpu.memory_space<vmem>>, %arg8: memref<256x128xf32, #tpu.memory_space<vmem>>, %arg9: memref<256x128xf32, #tpu.memory_space<vmem>>) attributes {dimension_semantics = [#tpu.dimension_semantics<arbitrary>], iteration_bounds = array<i64: 40>, scalar_prefetch = 0 : i64, scratch_operands = 0 : i64, tpu.core_type = #tpu.core_type<tc>, window_params = [{transform_indices = @transform_0, window_bounds = array<i64: 2, 256, 128>}, {transform_indices = @transform_1, window_bounds = array<i64: 2, 1, 2, 128>}, {transform_indices = @transform_2, window_bounds = array<i64: 256, 128>}, {pipeline_mode = #tpu.pipeline_mode<synchronous>, transform_indices = @transform_3, window_bounds = array<i64: 128, 128>}, {pipeline_mode = #tpu.pipeline_mode<synchronous>, transform_indices = @transform_4, window_bounds = array<i64: 1, 128>}, {pipeline_mode = #tpu.pipeline_mode<synchronous>, transform_indices = @transform_5, window_bounds = array<i64: 128, 128>}, {transform_indices = @transform_6, window_bounds = array<i64: 256, 128>}, {transform_indices = @transform_7, window_bounds = array<i64: 256, 128>}, {transform_indices = @transform_8, window_bounds = array<i64: 256, 128>}]} {
    %get3A = arith.constant 0 : index
    %get3A_0 = arith.constant 0 : index
    %get3A_1 = arith.constant 0 : index
    %get3A_2 = vector.load %arg1[%get3A, %get3A_0, %get3A_1] : memref<2x256x128xf32, #tpu.memory_space<vmem>>, vector<1x256x128xf32>
    %get3A_3 = vector.shape_cast %get3A_2 : vector<1x256x128xf32> to vector<256x128xf32>
    %get3A_4 = arith.constant 1 : index
    %get3A_5 = arith.constant 0 : index
    %get3A_6 = arith.constant 0 : index
    %get3A_7 = vector.load %arg1[%get3A_4, %get3A_5, %get3A_6] : memref<2x256x128xf32, #tpu.memory_space<vmem>>, vector<1x256x128xf32>
    %get3A_8 = vector.shape_cast %get3A_7 : vector<1x256x128xf32> to vector<256x128xf32>
    %add3A = arith.addf %get3A_3, %get3A_8 : vector<256x128xf32>
    %get3A_9 = arith.constant 0 : index
    %get3A_10 = arith.constant 0 : index
    %get3A_11 = arith.constant 0 : index
    %get3A_12 = arith.constant 0 : index
    %get3A_13 = vector.load %arg2[%get3A_9, %get3A_10, %get3A_11, %get3A_12] : memref<2x1x2x128xf32, #tpu.memory_space<vmem>>, vector<1x1x2x128xf32>
    %get3A_14 = vector.shape_cast %get3A_13 : vector<1x1x2x128xf32> to vector<2x128xf32>
    %get3A_15 = arith.constant 1 : index
    %get3A_16 = arith.constant 0 : index
    %get3A_17 = arith.constant 0 : index
    %get3A_18 = arith.constant 0 : index
    %get3A_19 = vector.load %arg2[%get3A_15, %get3A_16, %get3A_17, %get3A_18] : memref<2x1x2x128xf32, #tpu.memory_space<vmem>>, vector<1x1x2x128xf32>
    %get3A_20 = vector.shape_cast %get3A_19 : vector<1x1x2x128xf32> to vector<2x128xf32>
    %add3A_21 = arith.addf %get3A_14, %get3A_20 : vector<2x128xf32>
    %iota3A = tpu.iota {dimensions = array<i32: 0>} : vector<256x2xi32>
    %jit3A = arith.constant 128 : i32
    %div3A = vector.broadcast %jit3A : i32 to vector<256x2xi32>
    %div3A_22 = arith.divsi %iota3A, %div3A : vector<256x2xi32>
    %sign3A = arith.constant 0 : i32
    %sign3A_23 = vector.broadcast %sign3A : i32 to vector<256x2xi32>
    %sign3A_24 = arith.cmpi sgt, %iota3A, %sign3A_23 : vector<256x2xi32>
    %sign3A_25 = arith.extui %sign3A_24 : vector<256x2xi1> to vector<256x2xi32>
    %sign3A_26 = arith.constant 0 : i32
    %sign3A_27 = vector.broadcast %sign3A_26 : i32 to vector<256x2xi32>
    %sign3A_28 = arith.cmpi slt, %iota3A, %sign3A_27 : vector<256x2xi32>
    %sign3A_29 = arith.extui %sign3A_28 : vector<256x2xi1> to vector<256x2xi32>
    %sign3A_30 = arith.subi %sign3A_25, %sign3A_29 : vector<256x2xi32>
    %sign3A_31 = arith.constant 0 : i32
    %sign3A_32 = arith.cmpi sgt, %jit3A, %sign3A_31 : i32
    %sign3A_33 = arith.extui %sign3A_32 : i1 to i32
    %sign3A_34 = arith.constant 0 : i32
    %sign3A_35 = arith.cmpi slt, %jit3A, %sign3A_34 : i32
    %sign3A_36 = arith.extui %sign3A_35 : i1 to i32
    %sign3A_37 = arith.subi %sign3A_33, %sign3A_36 : i32
    %ne3A = vector.broadcast %sign3A_37 : i32 to vector<256x2xi32>
    %ne3A_38 = arith.cmpi ne, %sign3A_30, %ne3A : vector<256x2xi32>
    %rem3A = vector.broadcast %jit3A : i32 to vector<256x2xi32>
    %rem3A_39 = arith.remsi %iota3A, %rem3A : vector<256x2xi32>
    %ne3A_40 = arith.constant 0 : i32
    %ne3A_41 = vector.broadcast %ne3A_40 : i32 to vector<256x2xi32>
    %ne3A_42 = arith.cmpi ne, %rem3A_39, %ne3A_41 : vector<256x2xi32>
    %and3A = arith.andi %ne3A_38, %ne3A_42 : vector<256x2xi1>
    %sub3A = arith.constant 1 : i32
    %sub3A_43 = vector.broadcast %sub3A : i32 to vector<256x2xi32>
    %sub3A_44 = arith.subi %div3A_22, %sub3A_43 : vector<256x2xi32>
    %select_n3A = arith.select %and3A, %sub3A_44, %div3A_22 : vector<256x2xi1>, vector<256x2xi32>
    %iota3A_45 = tpu.iota {dimensions = array<i32: 1>} : vector<256x2xi32>
    %eq3A = arith.cmpi eq, %select_n3A, %iota3A_45 : vector<256x2xi32>
    %convert_element_type3A = arith.extui %eq3A : vector<256x2xi1> to vector<256x2xi32>
    %convert_element_type3A_46 = arith.sitofp %convert_element_type3A : vector<256x2xi32> to vector<256x2xf32>
    %iota3A_47 = tpu.iota {dimensions = array<i32: 0>} : vector<256x128xi32>
    %jit3A_48 = arith.constant 128 : i32
    %eq3A_49 = arith.constant 0 : i32
    %eq3A_50 = arith.cmpi eq, %jit3A_48, %eq3A_49 : i32
    %jit3A_51 = arith.constant 1 : i32
    %select_n3A_52 = arith.select %eq3A_50, %jit3A_51, %jit3A_48 : i32
    %rem3A_53 = vector.broadcast %select_n3A_52 : i32 to vector<256x128xi32>
    %rem3A_54 = arith.remsi %iota3A_47, %rem3A_53 : vector<256x128xi32>
    %ne3A_55 = arith.constant 0 : i32
    %ne3A_56 = vector.broadcast %ne3A_55 : i32 to vector<256x128xi32>
    %ne3A_57 = arith.cmpi ne, %rem3A_54, %ne3A_56 : vector<256x128xi32>
    %lt3A = arith.constant 0 : i32
    %lt3A_58 = vector.broadcast %lt3A : i32 to vector<256x128xi32>
    %lt3A_59 = arith.cmpi slt, %rem3A_54, %lt3A_58 : vector<256x128xi32>
    %lt3A_60 = arith.constant 0 : i32
    %lt3A_61 = arith.cmpi slt, %select_n3A_52, %lt3A_60 : i32
    %ne3A_62 = vector.broadcast %lt3A_61 : i1 to vector<256x128xi1>
    %ne3A_63 = vector.broadcast %ne3A_62 : vector<256x128xi1> to vector<256x128xi1>
    %ne3A_64 = arith.xori %lt3A_59, %ne3A_63 : vector<256x128xi1>
    %and3A_65 = arith.andi %ne3A_64, %ne3A_57 : vector<256x128xi1>
    %add3A_66 = vector.broadcast %select_n3A_52 : i32 to vector<256x128xi32>
    %add3A_67 = arith.addi %rem3A_54, %add3A_66 : vector<256x128xi32>
    %select_n3A_68 = arith.select %and3A_65, %add3A_67, %rem3A_54 : vector<256x128xi1>, vector<256x128xi32>
    %iota3A_69 = tpu.iota {dimensions = array<i32: 1>} : vector<256x128xi32>
    %eq3A_70 = arith.cmpi eq, %select_n3A_68, %iota3A_69 : vector<256x128xi32>
    %convert_element_type3A_71 = arith.extui %eq3A_70 : vector<256x128xi1> to vector<256x128xi32>
    %convert_element_type3A_72 = arith.sitofp %convert_element_type3A_71 : vector<256x128xi32> to vector<256x128xf32>
    %dot_general3A = arith.constant dense<0.000000e+00> : vector<256x128xf32>
    %dot_general3A_73 = tpu.matmul %convert_element_type3A_46, %add3A_21, %dot_general3A {dimension_numbers = #tpu.dot_dimension_numbers<[1], [0], [0], [1], [0, 0, 1, 1], [], []>, transpose_lhs_hint = false} : vector<256x2xf32>, vector<2x128xf32>, vector<256x128xf32> -> vector<256x128xf32>
    %mul3A = arith.mulf %dot_general3A_73, %convert_element_type3A_72 : vector<256x128xf32>
    %reduce_sum3A = arith.constant dense<0.000000e+00> : vector<256xf32>
    %reduce_sum3A_74 = vector.multi_reduction <add>, %mul3A, %reduce_sum3A [1] : vector<256x128xf32> to vector<256xf32>
    %broadcast_in_dim3A = vector.shape_cast %reduce_sum3A_74 : vector<256xf32> to vector<256x1xf32>
    %max3A = arith.constant 1.000000e+00 : f32
    %max3A_75 = vector.broadcast %max3A : f32 to vector<256x1xf32>
    %max3A_76 = arith.maximumf %broadcast_in_dim3A, %max3A_75 : vector<256x1xf32>
    %div3A_77 = vector.broadcast %max3A_76 : vector<256x1xf32> to vector<256x128xf32>
    %div3A_78 = arith.divf %add3A, %div3A_77 : vector<256x128xf32>
    %get3A_79 = arith.constant 0 : index
    %get3A_80 = arith.constant 0 : index
    %get3A_81 = vector.load %arg3[%get3A_79, %get3A_80] : memref<256x128xf32, #tpu.memory_space<vmem>>, vector<256x128xf32>
    %get3A_82 = arith.constant 0 : index
    %get3A_83 = arith.constant 0 : index
    %get3A_84 = vector.load %arg4[%get3A_82, %get3A_83] : memref<128x128xf32, #tpu.memory_space<vmem>>, vector<128x128xf32>
    %dot_general3A_85 = arith.constant dense<0.000000e+00> : vector<256x128xf32>
    %dot_general3A_86 = tpu.matmul %get3A_81, %get3A_84, %dot_general3A_85 {dimension_numbers = #tpu.dot_dimension_numbers<[1], [0], [0], [1], [0, 0, 1, 1], [], []>, transpose_lhs_hint = false} : vector<256x128xf32>, vector<128x128xf32>, vector<256x128xf32> -> vector<256x128xf32>
    %add3A_87 = arith.addf %div3A_78, %dot_general3A_86 : vector<256x128xf32>
    %get3A_88 = arith.constant 0 : index
    %get3A_89 = arith.constant 0 : index
    %get3A_90 = vector.load %arg5[%get3A_88, %get3A_89] : memref<1x128xf32, #tpu.memory_space<vmem>>, vector<1x128xf32>
    %add3A_91 = vector.broadcast %get3A_90 : vector<1x128xf32> to vector<256x128xf32>
    %add3A_92 = arith.addf %add3A_87, %add3A_91 : vector<256x128xf32>
    %max3A_93 = arith.constant 0.000000e+00 : f32
    %max3A_94 = vector.broadcast %max3A_93 : f32 to vector<256x128xf32>
    %max3A_95 = arith.maximumf %add3A_92, %max3A_94 : vector<256x128xf32>
    %swap3A = arith.constant 0 : index
    %swap3A_96 = arith.constant 0 : index
    %swap3A_97 = vector.load %arg7[%swap3A, %swap3A_96] : memref<256x128xf32, #tpu.memory_space<vmem>>, vector<256x128xf32>
    tpu.vector_store %arg7[%swap3A, %swap3A_96], %max3A_95 {strides = array<i32>} : memref<256x128xf32, #tpu.memory_space<vmem>>, vector<256x128xf32>,
    %get3A_98 = arith.constant 0 : index
    %get3A_99 = arith.constant 0 : index
    %get3A_100 = vector.load %arg6[%get3A_98, %get3A_99] : memref<128x128xf32, #tpu.memory_space<vmem>>, vector<128x128xf32>
    %dot_general3A_101 = arith.constant dense<0.000000e+00> : vector<256x128xf32>
    %dot_general3A_102 = tpu.matmul %max3A_95, %get3A_100, %dot_general3A_101 {dimension_numbers = #tpu.dot_dimension_numbers<[1], [0], [0], [1], [0, 0, 1, 1], [], []>, transpose_lhs_hint = false} : vector<256x128xf32>, vector<128x128xf32>, vector<256x128xf32> -> vector<256x128xf32>
    %swap3A_103 = arith.constant 0 : index
    %swap3A_104 = arith.constant 0 : index
    %swap3A_105 = vector.load %arg8[%swap3A_103, %swap3A_104] : memref<256x128xf32, #tpu.memory_space<vmem>>, vector<256x128xf32>
    tpu.vector_store %arg8[%swap3A_103, %swap3A_104], %dot_general3A_102 {strides = array<i32>} : memref<256x128xf32, #tpu.memory_space<vmem>>, vector<256x128xf32>,
    %broadcast_in_dim3A_106 = vector.shape_cast %max3A_76 : vector<256x1xf32> to vector<256x1xf32>
    %broadcast_in_dim3A_107 = vector.broadcast %broadcast_in_dim3A_106 : vector<256x1xf32> to vector<256x128xf32>
    %swap3A_108 = arith.constant 0 : index
    %swap3A_109 = arith.constant 0 : index
    %swap3A_110 = vector.load %arg9[%swap3A_108, %swap3A_109] : memref<256x128xf32, #tpu.memory_space<vmem>>, vector<256x128xf32>
    tpu.vector_store %arg9[%swap3A_108, %swap3A_109], %broadcast_in_dim3A_107 {strides = array<i32>} : memref<256x128xf32, #tpu.memory_space<vmem>>, vector<256x128xf32>,
    return
  }
  func.func @transform_0(%arg0: i32) -> (i32, i32, i32) {
    %c0_i32 = arith.constant 0 : i32
    %c0_i32_0 = arith.constant 0 : i32
    %c0_i32_1 = arith.constant 0 : i32
    return %c0_i32, %arg0, %c0_i32_0 : i32, i32, i32
  }
  func.func @transform_1(%arg0: i32) -> (i32, i32, i32, i32) {
    %c0_i32 = arith.constant 0 : i32
    %c0_i32_0 = arith.constant 0 : i32
    %c0_i32_1 = arith.constant 0 : i32
    %c0_i32_2 = arith.constant 0 : i32
    return %c0_i32, %arg0, %c0_i32_0, %c0_i32_1 : i32, i32, i32, i32
  }
  func.func @transform_2(%arg0: i32) -> (i32, i32) {
    %c0_i32 = arith.constant 0 : i32
    %c0_i32_0 = arith.constant 0 : i32
    return %arg0, %c0_i32 : i32, i32
  }
  func.func @transform_3(%arg0: i32) -> (i32, i32) {
    %c0_i32 = arith.constant 0 : i32
    %c0_i32_0 = arith.constant 0 : i32
    %c0_i32_1 = arith.constant 0 : i32
    return %c0_i32, %c0_i32_0 : i32, i32
  }
  func.func @transform_4(%arg0: i32) -> (i32, i32) {
    %c0_i32 = arith.constant 0 : i32
    %c0_i32_0 = arith.constant 0 : i32
    %c0_i32_1 = arith.constant 0 : i32
    return %c0_i32, %c0_i32_0 : i32, i32
  }
  func.func @transform_5(%arg0: i32) -> (i32, i32) {
    %c0_i32 = arith.constant 0 : i32
    %c0_i32_0 = arith.constant 0 : i32
    %c0_i32_1 = arith.constant 0 : i32
    return %c0_i32, %c0_i32_0 : i32, i32
  }
  func.func @transform_6(%arg0: i32) -> (i32, i32) {
    %c0_i32 = arith.constant 0 : i32
    %c0_i32_0 = arith.constant 0 : i32
    return %arg0, %c0_i32 : i32, i32
  }
  func.func @transform_7(%arg0: i32) -> (i32, i32) {
    %c0_i32 = arith.constant 0 : i32
    %c0_i32_0 = arith.constant 0 : i32
    return %arg0, %c0_i32 : i32, i32
  }
  func.func @transform_8(%arg0: i32) -> (i32, i32) {
    %c0_i32 = arith.constant 0 : i32
    %c0_i32_0 = arith.constant 0 : i32
    return %arg0, %c0_i32 : i32, i32
  }
}

module attributes {stable_mosaic.version = 14 : i64} {
  func.func @_tcc_body(%arg0: i32, %arg1: memref<2x256x128xf32, #tpu.memory_space<vmem>>, %arg2: memref<256x128xf32, #tpu.memory_space<vmem>>, %arg3: memref<256x128xf32, #tpu.memory_space<vmem>>, %arg4: memref<128x128xf32, #tpu.memory_space<vmem>>, %arg5: memref<1x128xf32, #tpu.memory_space<vmem>>, %arg6: memref<128x128xf32, #tpu.memory_space<vmem>>, %arg7: memref<1x128xf32, #tpu.memory_space<vmem>>, %arg8: memref<128x128xf32, #tpu.memory_space<vmem>>, %arg9: memref<1x128xf32, #tpu.memory_space<vmem>>, %arg10: memref<128x128xf32, #tpu.memory_space<vmem>>, %arg11: memref<128x128xf32, #tpu.memory_space<vmem>>, %arg12: memref<1x128xf32, #tpu.memory_space<vmem>>, %arg13: memref<256x128xf32, #tpu.memory_space<vmem>>, %arg14: memref<256x128xf32, #tpu.memory_space<vmem>>, %arg15: memref<256x8xf32, #tpu.memory_space<vmem>>) attributes {dimension_semantics = [#tpu.dimension_semantics<arbitrary>], iteration_bounds = array<i64: 40>, scalar_prefetch = 0 : i64, scratch_operands = 0 : i64, tpu.core_type = #tpu.core_type<tc>, window_params = [{transform_indices = @transform_0, window_bounds = array<i64: 2, 256, 128>}, {transform_indices = @transform_1, window_bounds = array<i64: 256, 128>}, {transform_indices = @transform_2, window_bounds = array<i64: 256, 128>}, {pipeline_mode = #tpu.pipeline_mode<synchronous>, transform_indices = @transform_3, window_bounds = array<i64: 128, 128>}, {pipeline_mode = #tpu.pipeline_mode<synchronous>, transform_indices = @transform_4, window_bounds = array<i64: 1, 128>}, {pipeline_mode = #tpu.pipeline_mode<synchronous>, transform_indices = @transform_5, window_bounds = array<i64: 128, 128>}, {pipeline_mode = #tpu.pipeline_mode<synchronous>, transform_indices = @transform_6, window_bounds = array<i64: 1, 128>}, {pipeline_mode = #tpu.pipeline_mode<synchronous>, transform_indices = @transform_7, window_bounds = array<i64: 128, 128>}, {pipeline_mode = #tpu.pipeline_mode<synchronous>, transform_indices = @transform_8, window_bounds = array<i64: 1, 128>}, {pipeline_mode = #tpu.pipeline_mode<synchronous>, transform_indices = @transform_9, window_bounds = array<i64: 128, 128>}, {pipeline_mode = #tpu.pipeline_mode<synchronous>, transform_indices = @transform_10, window_bounds = array<i64: 128, 128>}, {pipeline_mode = #tpu.pipeline_mode<synchronous>, transform_indices = @transform_11, window_bounds = array<i64: 1, 128>}, {transform_indices = @transform_12, window_bounds = array<i64: 256, 128>}, {transform_indices = @transform_13, window_bounds = array<i64: 256, 128>}, {transform_indices = @transform_14, window_bounds = array<i64: 256, 8>}]} {
    %get3A = arith.constant 0 : index
    %get3A_0 = arith.constant 0 : index
    %get3A_1 = arith.constant 0 : index
    %get3A_2 = vector.load %arg1[%get3A, %get3A_0, %get3A_1] : memref<2x256x128xf32, #tpu.memory_space<vmem>>, vector<1x256x128xf32>
    %get3A_3 = vector.shape_cast %get3A_2 : vector<1x256x128xf32> to vector<256x128xf32>
    %get3A_4 = arith.constant 1 : index
    %get3A_5 = arith.constant 0 : index
    %get3A_6 = arith.constant 0 : index
    %get3A_7 = vector.load %arg1[%get3A_4, %get3A_5, %get3A_6] : memref<2x256x128xf32, #tpu.memory_space<vmem>>, vector<1x256x128xf32>
    %get3A_8 = vector.shape_cast %get3A_7 : vector<1x256x128xf32> to vector<256x128xf32>
    %add3A = arith.addf %get3A_3, %get3A_8 : vector<256x128xf32>
    %get3A_9 = arith.constant 0 : index
    %get3A_10 = arith.constant 0 : index
    %get3A_11 = vector.load %arg3[%get3A_9, %get3A_10] : memref<256x128xf32, #tpu.memory_space<vmem>>, vector<256x128xf32>
    %div3A = arith.divf %add3A, %get3A_11 : vector<256x128xf32>
    %get3A_12 = arith.constant 0 : index
    %get3A_13 = arith.constant 0 : index
    %get3A_14 = vector.load %arg2[%get3A_12, %get3A_13] : memref<256x128xf32, #tpu.memory_space<vmem>>, vector<256x128xf32>
    %get3A_15 = arith.constant 0 : index
    %get3A_16 = arith.constant 0 : index
    %get3A_17 = vector.load %arg4[%get3A_15, %get3A_16] : memref<128x128xf32, #tpu.memory_space<vmem>>, vector<128x128xf32>
    %dot_general3A = arith.constant dense<0.000000e+00> : vector<256x128xf32>
    %dot_general3A_18 = tpu.matmul %get3A_14, %get3A_17, %dot_general3A {dimension_numbers = #tpu.dot_dimension_numbers<[1], [0], [0], [1], [0, 0, 1, 1], [], []>, transpose_lhs_hint = false} : vector<256x128xf32>, vector<128x128xf32>, vector<256x128xf32> -> vector<256x128xf32>
    %add3A_19 = arith.addf %div3A, %dot_general3A_18 : vector<256x128xf32>
    %get3A_20 = arith.constant 0 : index
    %get3A_21 = arith.constant 0 : index
    %get3A_22 = vector.load %arg5[%get3A_20, %get3A_21] : memref<1x128xf32, #tpu.memory_space<vmem>>, vector<1x128xf32>
    %add3A_23 = vector.broadcast %get3A_22 : vector<1x128xf32> to vector<256x128xf32>
    %add3A_24 = arith.addf %add3A_19, %add3A_23 : vector<256x128xf32>
    %get3A_25 = arith.constant 0 : index
    %get3A_26 = arith.constant 0 : index
    %get3A_27 = vector.load %arg10[%get3A_25, %get3A_26] : memref<128x128xf32, #tpu.memory_space<vmem>>, vector<128x128xf32>
    %dot_general3A_28 = arith.constant dense<0.000000e+00> : vector<256x128xf32>
    %dot_general3A_29 = tpu.matmul %add3A_24, %get3A_27, %dot_general3A_28 {dimension_numbers = #tpu.dot_dimension_numbers<[1], [0], [0], [1], [0, 0, 1, 1], [], []>, transpose_lhs_hint = false} : vector<256x128xf32>, vector<128x128xf32>, vector<256x128xf32> -> vector<256x128xf32>
    %get3A_30 = arith.constant 0 : index
    %get3A_31 = arith.constant 0 : index
    %get3A_32 = vector.load %arg12[%get3A_30, %get3A_31] : memref<1x128xf32, #tpu.memory_space<vmem>>, vector<1x128xf32>
    %add3A_33 = vector.broadcast %get3A_32 : vector<1x128xf32> to vector<256x128xf32>
    %add3A_34 = arith.addf %dot_general3A_29, %add3A_33 : vector<256x128xf32>
    %swap3A = arith.constant 0 : index
    %swap3A_35 = arith.constant 0 : index
    %swap3A_36 = vector.load %arg13[%swap3A, %swap3A_35] : memref<256x128xf32, #tpu.memory_space<vmem>>, vector<256x128xf32>
    tpu.vector_store %arg13[%swap3A, %swap3A_35], %add3A_34 {strides = array<i32>} : memref<256x128xf32, #tpu.memory_space<vmem>>, vector<256x128xf32>,
    %get3A_37 = arith.constant 0 : index
    %get3A_38 = arith.constant 0 : index
    %get3A_39 = vector.load %arg11[%get3A_37, %get3A_38] : memref<128x128xf32, #tpu.memory_space<vmem>>, vector<128x128xf32>
    %dot_general3A_40 = arith.constant dense<0.000000e+00> : vector<256x128xf32>
    %dot_general3A_41 = tpu.matmul %add3A_24, %get3A_39, %dot_general3A_40 {dimension_numbers = #tpu.dot_dimension_numbers<[1], [0], [0], [1], [0, 0, 1, 1], [], []>, transpose_lhs_hint = false} : vector<256x128xf32>, vector<128x128xf32>, vector<256x128xf32> -> vector<256x128xf32>
    %swap3A_42 = arith.constant 0 : index
    %swap3A_43 = arith.constant 0 : index
    %swap3A_44 = vector.load %arg14[%swap3A_42, %swap3A_43] : memref<256x128xf32, #tpu.memory_space<vmem>>, vector<256x128xf32>
    tpu.vector_store %arg14[%swap3A_42, %swap3A_43], %dot_general3A_41 {strides = array<i32>} : memref<256x128xf32, #tpu.memory_space<vmem>>, vector<256x128xf32>,
    %get3A_45 = arith.constant 0 : index
    %get3A_46 = arith.constant 0 : index
    %get3A_47 = vector.load %arg6[%get3A_45, %get3A_46] : memref<128x128xf32, #tpu.memory_space<vmem>>, vector<128x128xf32>
    %dot_general3A_48 = arith.constant dense<0.000000e+00> : vector<256x128xf32>
    %dot_general3A_49 = tpu.matmul %add3A_24, %get3A_47, %dot_general3A_48 {dimension_numbers = #tpu.dot_dimension_numbers<[1], [0], [0], [1], [0, 0, 1, 1], [], []>, transpose_lhs_hint = false} : vector<256x128xf32>, vector<128x128xf32>, vector<256x128xf32> -> vector<256x128xf32>
    %get3A_50 = arith.constant 0 : index
    %get3A_51 = arith.constant 0 : index
    %get3A_52 = vector.load %arg7[%get3A_50, %get3A_51] : memref<1x128xf32, #tpu.memory_space<vmem>>, vector<1x128xf32>
    %add3A_53 = vector.broadcast %get3A_52 : vector<1x128xf32> to vector<256x128xf32>
    %add3A_54 = arith.addf %dot_general3A_49, %add3A_53 : vector<256x128xf32>
    %max3A = arith.constant 0.000000e+00 : f32
    %max3A_55 = vector.broadcast %max3A : f32 to vector<256x128xf32>
    %max3A_56 = arith.maximumf %add3A_54, %max3A_55 : vector<256x128xf32>
    %get3A_57 = arith.constant 0 : index
    %get3A_58 = arith.constant 0 : index
    %get3A_59 = vector.load %arg8[%get3A_57, %get3A_58] : memref<128x128xf32, #tpu.memory_space<vmem>>, vector<128x128xf32>
    %dot_general3A_60 = arith.constant dense<0.000000e+00> : vector<256x128xf32>
    %dot_general3A_61 = tpu.matmul %max3A_56, %get3A_59, %dot_general3A_60 {dimension_numbers = #tpu.dot_dimension_numbers<[1], [0], [0], [1], [0, 0, 1, 1], [], []>, transpose_lhs_hint = false} : vector<256x128xf32>, vector<128x128xf32>, vector<256x128xf32> -> vector<256x128xf32>
    %get3A_62 = arith.constant 0 : index
    %get3A_63 = arith.constant 0 : index
    %get3A_64 = vector.load %arg9[%get3A_62, %get3A_63] : memref<1x128xf32, #tpu.memory_space<vmem>>, vector<1x128xf32>
    %add3A_65 = vector.broadcast %get3A_64 : vector<1x128xf32> to vector<256x128xf32>
    %add3A_66 = arith.addf %dot_general3A_61, %add3A_65 : vector<256x128xf32>
    %slice3A = vector.extract_strided_slice %add3A_66 {offsets = [0, 0], sizes = [256, 8], strides = [1, 1]} : vector<256x128xf32> to vector<256x8xf32>
    %swap3A_67 = arith.constant 0 : index
    %swap3A_68 = arith.constant 0 : index
    %swap3A_69 = vector.load %arg15[%swap3A_67, %swap3A_68] : memref<256x8xf32, #tpu.memory_space<vmem>>, vector<256x8xf32>
    tpu.vector_store %arg15[%swap3A_67, %swap3A_68], %slice3A {strides = array<i32>} : memref<256x8xf32, #tpu.memory_space<vmem>>, vector<256x8xf32>,
    return
  }
  func.func @transform_0(%arg0: i32) -> (i32, i32, i32) {
    %c0_i32 = arith.constant 0 : i32
    %c0_i32_0 = arith.constant 0 : i32
    %c0_i32_1 = arith.constant 0 : i32
    return %c0_i32, %arg0, %c0_i32_0 : i32, i32, i32
  }
  func.func @transform_1(%arg0: i32) -> (i32, i32) {
    %c0_i32 = arith.constant 0 : i32
    %c0_i32_0 = arith.constant 0 : i32
    return %arg0, %c0_i32 : i32, i32
  }
  func.func @transform_2(%arg0: i32) -> (i32, i32) {
    %c0_i32 = arith.constant 0 : i32
    %c0_i32_0 = arith.constant 0 : i32
    return %arg0, %c0_i32 : i32, i32
  }
  func.func @transform_3(%arg0: i32) -> (i32, i32) {
    %c0_i32 = arith.constant 0 : i32
    %c0_i32_0 = arith.constant 0 : i32
    %c0_i32_1 = arith.constant 0 : i32
    return %c0_i32, %c0_i32_0 : i32, i32
  }
  func.func @transform_4(%arg0: i32) -> (i32, i32) {
    %c0_i32 = arith.constant 0 : i32
    %c0_i32_0 = arith.constant 0 : i32
    %c0_i32_1 = arith.constant 0 : i32
    return %c0_i32, %c0_i32_0 : i32, i32
  }
  func.func @transform_5(%arg0: i32) -> (i32, i32) {
    %c0_i32 = arith.constant 0 : i32
    %c0_i32_0 = arith.constant 0 : i32
    %c0_i32_1 = arith.constant 0 : i32
    return %c0_i32, %c0_i32_0 : i32, i32
  }
  func.func @transform_6(%arg0: i32) -> (i32, i32) {
    %c0_i32 = arith.constant 0 : i32
    %c0_i32_0 = arith.constant 0 : i32
    %c0_i32_1 = arith.constant 0 : i32
    return %c0_i32, %c0_i32_0 : i32, i32
  }
  func.func @transform_7(%arg0: i32) -> (i32, i32) {
    %c0_i32 = arith.constant 0 : i32
    %c0_i32_0 = arith.constant 0 : i32
    %c0_i32_1 = arith.constant 0 : i32
    return %c0_i32, %c0_i32_0 : i32, i32
  }
  func.func @transform_8(%arg0: i32) -> (i32, i32) {
    %c0_i32 = arith.constant 0 : i32
    %c0_i32_0 = arith.constant 0 : i32
    %c0_i32_1 = arith.constant 0 : i32
    return %c0_i32, %c0_i32_0 : i32, i32
  }
  func.func @transform_9(%arg0: i32) -> (i32, i32) {
    %c0_i32 = arith.constant 0 : i32
    %c0_i32_0 = arith.constant 0 : i32
    %c0_i32_1 = arith.constant 0 : i32
    return %c0_i32, %c0_i32_0 : i32, i32
  }
  func.func @transform_10(%arg0: i32) -> (i32, i32) {
    %c0_i32 = arith.constant 0 : i32
    %c0_i32_0 = arith.constant 0 : i32
    %c0_i32_1 = arith.constant 0 : i32
    return %c0_i32, %c0_i32_0 : i32, i32
  }
  func.func @transform_11(%arg0: i32) -> (i32, i32) {
    %c0_i32 = arith.constant 0 : i32
    %c0_i32_0 = arith.constant 0 : i32
    %c0_i32_1 = arith.constant 0 : i32
    return %c0_i32, %c0_i32_0 : i32, i32
  }
  func.func @transform_12(%arg0: i32) -> (i32, i32) {
    %c0_i32 = arith.constant 0 : i32
    %c0_i32_0 = arith.constant 0 : i32
    return %arg0, %c0_i32 : i32, i32
  }
  func.func @transform_13(%arg0: i32) -> (i32, i32) {
    %c0_i32 = arith.constant 0 : i32
    %c0_i32_0 = arith.constant 0 : i32
    return %arg0, %c0_i32 : i32, i32
  }
  func.func @transform_14(%arg0: i32) -> (i32, i32) {
    %c0_i32 = arith.constant 0 : i32
    %c0_i32_0 = arith.constant 0 : i32
    return %arg0, %c0_i32 : i32, i32
  }
}

module attributes {stable_mosaic.version = 14 : i64} {
  func.func @_tcd_body(%arg0: i32, %arg1: memref<512x128xf32, #tpu.memory_space<vmem>>, %arg2: memref<512x128xf32, #tpu.memory_space<vmem>>, %arg3: memref<512x32xf32, #tpu.memory_space<vmem>>, %arg4: memref<32x128xf32, #tpu.memory_space<vmem>>, %arg5: memref<128x128xf32, #tpu.memory_space<vmem>>, %arg6: memref<1x128xf32, #tpu.memory_space<vmem>>, %arg7: memref<512x8xf32, #tpu.memory_space<vmem>>) attributes {dimension_semantics = [#tpu.dimension_semantics<arbitrary>], iteration_bounds = array<i64: 640>, scalar_prefetch = 0 : i64, scratch_operands = 0 : i64, tpu.core_type = #tpu.core_type<tc>, window_params = [{transform_indices = @transform_0, window_bounds = array<i64: 512, 128>}, {transform_indices = @transform_1, window_bounds = array<i64: 512, 128>}, {transform_indices = @transform_2, window_bounds = array<i64: 512, 32>}, {pipeline_mode = #tpu.pipeline_mode<synchronous>, transform_indices = @transform_3, window_bounds = array<i64: 32, 128>}, {pipeline_mode = #tpu.pipeline_mode<synchronous>, transform_indices = @transform_4, window_bounds = array<i64: 128, 128>}, {pipeline_mode = #tpu.pipeline_mode<synchronous>, transform_indices = @transform_5, window_bounds = array<i64: 1, 128>}, {transform_indices = @transform_6, window_bounds = array<i64: 512, 8>}]} {
    %get3A = arith.constant 0 : index
    %get3A_0 = arith.constant 0 : index
    %get3A_1 = vector.load %arg1[%get3A, %get3A_0] : memref<512x128xf32, #tpu.memory_space<vmem>>, vector<512x128xf32>
    %get3A_2 = arith.constant 0 : index
    %get3A_3 = arith.constant 0 : index
    %get3A_4 = vector.load %arg2[%get3A_2, %get3A_3] : memref<512x128xf32, #tpu.memory_space<vmem>>, vector<512x128xf32>
    %add3A = arith.addf %get3A_1, %get3A_4 : vector<512x128xf32>
    %get3A_5 = arith.constant 0 : index
    %get3A_6 = arith.constant 0 : index
    %get3A_7 = vector.load %arg3[%get3A_5, %get3A_6] : memref<512x32xf32, #tpu.memory_space<vmem>>, vector<512x32xf32>
    %get3A_8 = arith.constant 0 : index
    %get3A_9 = arith.constant 0 : index
    %get3A_10 = vector.load %arg4[%get3A_8, %get3A_9] : memref<32x128xf32, #tpu.memory_space<vmem>>, vector<32x128xf32>
    %dot_general3A = arith.constant dense<0.000000e+00> : vector<512x128xf32>
    %dot_general3A_11 = tpu.matmul %get3A_7, %get3A_10, %dot_general3A {dimension_numbers = #tpu.dot_dimension_numbers<[1], [0], [0], [1], [0, 0, 1, 1], [], []>, transpose_lhs_hint = false} : vector<512x32xf32>, vector<32x128xf32>, vector<512x128xf32> -> vector<512x128xf32>
    %add3A_12 = arith.addf %add3A, %dot_general3A_11 : vector<512x128xf32>
    %max3A = arith.constant 0.000000e+00 : f32
    %max3A_13 = vector.broadcast %max3A : f32 to vector<512x128xf32>
    %max3A_14 = arith.maximumf %add3A_12, %max3A_13 : vector<512x128xf32>
    %get3A_15 = arith.constant 0 : index
    %get3A_16 = arith.constant 0 : index
    %get3A_17 = vector.load %arg5[%get3A_15, %get3A_16] : memref<128x128xf32, #tpu.memory_space<vmem>>, vector<128x128xf32>
    %dot_general3A_18 = arith.constant dense<0.000000e+00> : vector<512x128xf32>
    %dot_general3A_19 = tpu.matmul %max3A_14, %get3A_17, %dot_general3A_18 {dimension_numbers = #tpu.dot_dimension_numbers<[1], [0], [0], [1], [0, 0, 1, 1], [], []>, transpose_lhs_hint = false} : vector<512x128xf32>, vector<128x128xf32>, vector<512x128xf32> -> vector<512x128xf32>
    %get3A_20 = arith.constant 0 : index
    %get3A_21 = arith.constant 0 : index
    %get3A_22 = vector.load %arg6[%get3A_20, %get3A_21] : memref<1x128xf32, #tpu.memory_space<vmem>>, vector<1x128xf32>
    %add3A_23 = vector.broadcast %get3A_22 : vector<1x128xf32> to vector<512x128xf32>
    %add3A_24 = arith.addf %dot_general3A_19, %add3A_23 : vector<512x128xf32>
    %slice3A = vector.extract_strided_slice %add3A_24 {offsets = [0, 0], sizes = [512, 8], strides = [1, 1]} : vector<512x128xf32> to vector<512x8xf32>
    %swap3A = arith.constant 0 : index
    %swap3A_25 = arith.constant 0 : index
    %swap3A_26 = vector.load %arg7[%swap3A, %swap3A_25] : memref<512x8xf32, #tpu.memory_space<vmem>>, vector<512x8xf32>
    tpu.vector_store %arg7[%swap3A, %swap3A_25], %slice3A {strides = array<i32>} : memref<512x8xf32, #tpu.memory_space<vmem>>, vector<512x8xf32>,
    return
  }
  func.func @transform_0(%arg0: i32) -> (i32, i32) {
    %c0_i32 = arith.constant 0 : i32
    %c0_i32_0 = arith.constant 0 : i32
    return %arg0, %c0_i32 : i32, i32
  }
  func.func @transform_1(%arg0: i32) -> (i32, i32) {
    %c0_i32 = arith.constant 0 : i32
    %c0_i32_0 = arith.constant 0 : i32
    return %arg0, %c0_i32 : i32, i32
  }
  func.func @transform_2(%arg0: i32) -> (i32, i32) {
    %c0_i32 = arith.constant 0 : i32
    %c0_i32_0 = arith.constant 0 : i32
    return %arg0, %c0_i32 : i32, i32
  }
  func.func @transform_3(%arg0: i32) -> (i32, i32) {
    %c0_i32 = arith.constant 0 : i32
    %c0_i32_0 = arith.constant 0 : i32
    %c0_i32_1 = arith.constant 0 : i32
    return %c0_i32, %c0_i32_0 : i32, i32
  }
  func.func @transform_4(%arg0: i32) -> (i32, i32) {
    %c0_i32 = arith.constant 0 : i32
    %c0_i32_0 = arith.constant 0 : i32
    %c0_i32_1 = arith.constant 0 : i32
    return %c0_i32, %c0_i32_0 : i32, i32
  }
  func.func @transform_5(%arg0: i32) -> (i32, i32) {
    %c0_i32 = arith.constant 0 : i32
    %c0_i32_0 = arith.constant 0 : i32
    %c0_i32_1 = arith.constant 0 : i32
    return %c0_i32, %c0_i32_0 : i32, i32
  }
  func.func @transform_6(%arg0: i32) -> (i32, i32) {
    %c0_i32 = arith.constant 0 : i32
    %c0_i32_0 = arith.constant 0 : i32
    return %arg0, %c0_i32 : i32, i32
  }
}

</mosaic_0001>

<sc_bundles>
// kernel: kernel.10.cloned.1.call-start
scs
__scs_entry_jumppad:
0x0: {  	(pc) =	sbr.rel $0x88, $3  }
0x1: {  	(tag) =	ssettag $0x0;
	lr =	simm.s32 $0x1  }
0x2: {  	[smem:$0x3F8A] =	sst lr;
	_ =	strace $0xD0000000  }
0x3: {  	_ = 	snop  }
0x4: {  	_ = 	snop  }
0x5: {  	_ = 	snop  }
0x6: {  	_ = 	snop  }
0x7: {  	_ = 	snop  }
__scs_overlays_trampoline_lowered:
0x8: {  	[smem:$0x3F99] =	sst s0  }
0x9: {  	[smem:$0x3F9A] =	sst s1  }
0xa: {  	[smem:$0x3F9B] =	sst s2  }
0xb: {  	[smem:$0x3F9C] =	sst s3  }
0xc: {  	[smem:$0x3F9D] =	sst s4  }
0xd: {  	[smem:$0x3F9E] =	sst s5  }
0xe: {  	[smem:$0x3F9F] =	sst s6  }
0xf: {  	[smem:$0x3FA0] =	sst s7  }
0x10: {  	[smem:$0x3FA1] =	sst s8  }
0x11: {  	[smem:$0x3FA2] =	sst s9;
	s0 =	simm.s32 @!p0 $0x0  }
0x12: {  	s1 =	sld [smem:$0x3F88];
	s0 =	simm.s32 @p0 $0x1  }
0x13: {  	[smem:$0x3FA3] =	sst s0;
	s0 =	simm.s32 @!p1 $0x0  }
0x14: {  	s2 =	sld [smem:$0x3F87];
	s0 =	simm.s32 @p1 $0x1  }
0x15: {  	[smem:$0x3FA4] =	sst s0;
	s0 =	simm.s32 @!p2 $0x0  }
0x16: {  	s3 =	sld [smem:$0x3FDB];
	s0 =	simm.s32 @p2 $0x1  }
0x17: {  	s4 =	simm.s32 $0x1BF5;
	[smem:$0x3FA6] =	sst s0  }
0x18: {  	s0 =	sld [smem:$0x3F89];
	_ =	swait.ge [sflag:s4], $0x0  }
0x19: {  	s7 =	sld [smem:$0x3F8A]  }
0x1a: {  	s8 =	sadd.s32 $0xFFFFE003, lr  }
0x1b: {  	s9 =	sadd.s32 $0xFFFFFEF7, lr;
	s5 =	simm.s32 $0xFFFFFFFF;
	p2 =	slt.u32 s8, $0xFFFFF086  }
0x1c: {  	p1 =	slt.u32 s9, $0xF7A;
	s5 =	simm.s32 @!p2 $0x0  }
0x1d: {  	s5 =	simm.s32 @p1 $0x1;
	p0 =	seq.s32 s7, s2  }
0x1e: {  	s7 =	smul.u32 @!p0 $0xF7A, s2;
	p2 =	seq.s32 @!p0 s5, $0x0  }
0x1f: {  	s9 =	smul.u32 $0xF7A, s1;
	s8 =	simm.s32 @!p0 $0x1BF5;
	p2 =	por !p2, p0  }
0x20: {  	[sflag:s8] =	ssyncset.s32 @!p0 $0xFFFFF086;
	s6 =	sadd.s32 @!p0 s3, s7;
	s7 =	simm.s32 @!p0 $0x108  }
0x21: {  	s3 =	sadd.s32 s3, s9;
	s6 =	sadd.s32 @!p0 $0x88, s6;
	s7 =	simm.s32 @p2 $0x1082  }
0x22: {  	[simem:s7], [sflag:s8] =	dma.local @!p0 [hbm:s6], $0xF7A  }
0x23: {  	s9 =	sor.u32 $0xD0000000, s2;
	s6 =	simm.s32 $0x108;
	_ =	swait.ge @!p0 [sflag:s8], $0x0  }
0x24: {  	s3 =	sadd.s32 $0x88, s3;
	s6 =	simm.s32 @!p1 $0x1082;
	[sflag:s4] =	ssyncset.s32 $0xFFFFF086  }
0x25: {  	[simem:s6], [sflag:s4] =	dma.local [hbm:s3], $0xF7A  }
0x26: {  	[smem:$0x3F8A] =	sst s1;
	(tag) =	ssettag s2;
	_ =	strace s9  }
0x27: {  	s1 =	sld [smem:$0x3F9A]  }
0x28: {  	s2 =	sld [smem:$0x3F9B]  }
0x29: {  	s4 =	sld [smem:$0x3F9D]  }
0x2a: {  	p0 =	seq.s32 s5, $0x0;
	s5 =	sld [smem:$0x3F9E]  }
0x2b: {  	s6 =	sld [smem:$0x3F9F]  }
0x2c: {  	s7 =	sld [smem:$0x3FA0]  }
0x2d: {  	s3 =	simm.s32 $0x108;
	s8 =	sld [smem:$0x3FA1]  }
0x2e: {  	s3 =	simm.s32 @!p0 $0x1082;
	s9 =	sld [smem:$0x3FA2]  }
0x2f: {  	lr =	sadd.s32 s0, s3;
	s0 =	sld [smem:$0x3F99]  }
0x30: {  	s3 =	sld [smem:$0x3F9C]  }
0x31: {  	[smem:$0x3FA5] =	sst s10  }
0x32: {  	s10 =	sld [smem:$0x3FA3];
	_ =	sdelay $0x3  }
0x33: {  	p0 =	seq.s32 s10, $0x1;
	s10 =	sld [smem:$0x3FA5];
	_ =	sdelay $0x3  }
0x34: {  	[smem:$0x3FA5] =	sst s10  }
0x35: {  	s10 =	sld [smem:$0x3FA4];
	_ =	sdelay $0x3  }
0x36: {  	p1 =	seq.s32 s10, $0x1;
	s10 =	sld [smem:$0x3FA5];
	_ =	sdelay $0x3  }
0x37: {  	[smem:$0x3FA5] =	sst s10  }
0x38: {  	s10 =	sld [smem:$0x3FA6]  }
0x39: {  	_ = 	snop;
	(pc) =	sbr.ind lr, $3  }
0x3a: {  	_ = 	snop  }
0x3b: {  	_ = 	snop  }
0x3c: {  	p2 =	seq.s32 s10, $0x1;
	s10 =	sld [smem:$0x3FA5]  }
0x3d: {  	_ =	shalt  }
0x3e: {  	_ =	shalt  }
0x3f: {  	_ =	shalt  }
0x40: {  	_ =	shalt  }
0x41: {  	_ =	shalt  }
0x42: {  	_ =	shalt  }
0x43: {  	_ =	shalt  }
0x44: {  	_ =	shalt  }
0x45: {  	_ =	shalt  }
0x46: {  	_ =	shalt  }
0x47: {  	_ =	shalt  }
0x48: {  	_ =	shalt  }
0x49: {  	_ =	shalt  }
0x4a: {  	_ =	shalt  }
0x4b: {  	_ =	shalt  }
0x4c: {  	_ =	shalt  }
0x4d: {  	_ =	shalt  }
0x4e: {  	_ =	shalt  }
0x4f: {  	_ =	shalt  }
0x50: {  	_ =	shalt  }
0x51: {  	_ =	shalt  }
0x52: {  	_ =	shalt  }
0x53: {  	_ =	shalt  }
0x54: {  	_ =	shalt  }
0x55: {  	_ =	shalt  }
0x56: {  	_ =	shalt  }
0x57: {  	_ =	shalt  }
0x58: {  	_ =	shalt  }
0x59: {  	_ =	shalt  }
0x5a: {  	_ =	shalt  }
0x5b: {  	_ =	shalt  }
0x5c: {  	_ =	shalt  }
0x5d: {  	_ =	shalt  }
0x5e: {  	_ =	shalt  }
0x5f: {  	_ =	shalt  }
0x60: {  	_ =	shalt  }
0x61: {  	_ =	shalt  }
0x62: {  	_ =	shalt  }
0x63: {  	_ =	shalt  }
0x64: {  	_ =	shalt  }
0x65: {  	_ =	shalt  }
0x66: {  	_ =	shalt  }
0x67: {  	_ =	shalt  }
0x68: {  	_ =	shalt  }
0x69: {  	_ =	shalt  }
0x6a: {  	_ =	shalt  }
0x6b: {  	_ =	shalt  }
0x6c: {  	_ =	shalt  }
0x6d: {  	_ =	shalt  }
0x6e: {  	_ =	shalt  }
0x6f: {  	_ =	shalt  }
0x70: {  	_ =	shalt  }
0x71: {  	_ =	shalt  }
0x72: {  	_ =	shalt  }
0x73: {  	_ =	shalt  }
0x74: {  	_ =	shalt  }
0x75: {  	_ =	shalt  }
0x76: {  	_ =	shalt  }
0x77: {  	_ =	shalt  }
0x78: {  	_ =	shalt  }
0x79: {  	_ =	shalt  }
0x7a: {  	_ =	shalt  }
0x7b: {  	_ =	shalt  }
0x7c: {  	_ =	shalt  }
0x7d: {  	_ =	shalt  }
0x7e: {  	_ =	shalt  }
0x7f: {  	_ =	shalt  }
0x80: {  	_ =	shalt  }
0x81: {  	_ =	shalt  }
0x82: {  	_ =	shalt  }
0x83: {  	_ =	shalt  }
0x84: {  	_ =	shalt  }
0x85: {  	_ =	shalt  }
0x86: {  	_ =	shalt  }
0x87: {  	_ =	shalt  }
.Lfunc_end0:
.L_simem_size_0:
called_computation_lowered:
.L_overlay_start_0:
0x88: {  	s2 =	sld [smem:$0x3FD9]  }
0x89: {  	s3 =	sld [smem:$0x3FFE];
	_ =	sdelay $0x1  }
0x8a: {  	s1 =	srdreg.scid  }
0x8b: {  	s0 =	sand.u32 $0x1, s1  }
0x8c: {  	s14 =	sshll.u32 s0, $0xA;
	s2 =	sadd.s32 s3, s2  }
0x8d: {  	s2 =	sadd.s32 s2, s14  }
0x8e: {  	[smem:$0x3FB1] =	sst s2  }
0x8f: {  	_ = 	snop  }
0x90: {  	s2 =	sld [smem:$0x3FD0];
	_ =	sdelay $0x2  }
0x91: {  	s15 =	simm.s32 $0xB;
	s4 =	simm.s32 $0x10  }
0x92: {  	[smem:s4], [sflag:s15] =	dma.local [hbm:s2], $0x1  }
0x93: {  	_ =	swait.eq [sflag:s15], $0x1  }
0x94: {  	[sflag:s15] =	ssyncset.done $0x0  }
0x95: {  	s16 =	sld [smem:$0x10];
	[sflag:s15] =	ssyncadd.s32 $0xFFFFFFFF  }
0x96: {  	s17 =	sld [smem:$0x11];
	(tm) =	ssettm $0x1  }
0x97: {  	s18 =	sld [smem:$0x3FFB];
	_ =	sdelay $0x3  }
0x98: {  	_ =	strace s18  }
0x99: {  	s4 =	sld [smem:$0x3FFC];
	_ =	sdelay $0x3  }
0x9a: {  	_ =	strace s4  }
0x9b: {  	s4 =	sld [smem:$0x3FFD];
	_ =	sdelay $0x3  }
0x9c: {  	_ =	strace s4  }
0x9d: {  	_ =	strace $0x8FFFFFFF  }
0x9e: {  	s19 =	sld [smem:$0x3FDB];
	_ =	sdelay $0x1  }
0x9f: {  	s5 =	simm.s32 $_scs_section_size  }
0xa0: {  	s6 =	simm.s32 $_size__tile_overlayer_lowered;
	s7 =	simm.s32 $_tile_overlayer_lowered  }
0xa1: {  	s22 =	simm.s32 $0x1BFF;
	s21 =	sshll.u32 s7, $0x1;
	s4 =	sadd.s32 s5, s19  }
0xa2: {  	s8 =	simm.s32 $0x0;
	s20 =	sshll.u32 s6, $0x1;
	s6 =	sadd.s32 s21, s4  }
0xa3: {  	[timem:s8], [sflag:s22] =	dma.local [hbm:s6], s20  }
0xa4: {  	_ =	swait.ge [sflag:s22], s20  }
0xa5: {  	s5 =	ssub.s32 $0x0, s20;
	[sflag:s22] =	ssyncset.done $0x0  }
0xa6: {  	[sflag:s22] =	ssyncadd.s32 s5;
	_ =	sdelay $0x1  }
0xa7: {  	s23 =	simm.s32 $0x1B8B  }
0xa8: {  	_ =	swait.ge [sflag:s23], $0x1  }
0xa9: {  	[sflag:s23] =	ssyncset.done $0x0  }
0xaa: {  	s25 =	simm.s32 $0x1B8E;
	s24 =	sld [smem:$0x3FFE];
	[sflag:s23] =	ssyncadd.s32 $0xFFFFFFFF  }
0xab: {  	s26 =	simm.s32 $execute0_lowered;
	[smem:$0x3FD2] =	sst s25  }
0xac: {  	s6 =	sshll.u32 s26, $0x1;
	_ =	strace $0x80000046;
	[dreg:$0x1] =	wrdreg $0xFFFFFFFF  }
0xad: {  	s28 =	simm.s32 $_size_execute0_lowered;
	s4 =	sadd.s32 s4, s6;
	[dreg:$0x0] =	wrdreg $0x0  }
0xae: {  	s6 =	sshll.u32 s28, $0x1;
	[dreg:$0x2] =	wrdreg s4  }
0xaf: {  	[dreg:$0x3] =	wrdreg s6  }
0xb0: {  	[dreg:$0x4] =	wrdreg $0xC0  }
0xb1: {  	_ =	task [dreg:s8], $0x5FFFF  }
0xb2: {  	[dreg:$0x1] =	wrdreg $0xFFFFFFFF  }
0xb3: {  	[dreg:$0x0] =	wrdreg $0x60  }
0xb4: {  	[dreg:$0x2] =	wrdreg s24  }
0xb5: {  	[dreg:$0x3] =	wrdreg s16  }
0xb6: {  	[dreg:$0x4] =	wrdreg s17  }
0xb7: {  	[dreg:$0x5] =	wrdreg $0x1B8800  }
0xb8: {  	[dreg:$0x6] =	wrdreg $0x9  }
0xb9: {  	_ =	task.clear_ibuf [dreg:s8], $0x7FFFF;
	_ =	strace $0x90000046  }
0xba: {  	s29 =	simm.s32 $0x9;
	_ =	strace $0x80000048  }
0xbb: {  	_ =	swait.ge [sflag:s29], $0x1  }
0xbc: {  	[sflag:s29] =	ssyncadd.s32 $0xFFFFFFFF  }
0xbd: {  	_ =	strace $0x90000048  }
0xbe: {  	_ =	sfence  }
0xbf: {  	s30 =	sld [smem:$0x0];
	_ =	sdelay $0x2  }
0xc0: {  	s31 =	sshll.u32 s1, $0xD;
	s1 =	sshrl.u32 s1, $0x2  }
0xc1: {  	s3 =	sand.u32 $0x4000, s31;
	s1 =	sadd.s32 s1, s30  }
0xc2: {  	s0 =	sor.u32 s3, s0;
	s1 =	sshll.u32 s1, $0x11  }
0xc3: {  	s0 =	sor.u32 s1, s0  }
0xc4: {  	s0 =	sadd.s32 $0x8F2B, s0  }
0xc5: {  	[sflag:s0] =	ssyncadd.remote.s32 $0x1  }
0xc6: {  	_ =	sfence.sel $0xFFFF  }
0xc7: {  	[dreg:$0x0] =	wrdreg $0xFFFFFFFF;
	(pc) =	sbr.abs _section_cstart, $3  }
0xc8: {  	[dreg:$0x1] =	wrdreg $0xFFFFFFFF  }
0xc9: {  	_ =	task.clear_ibuf [dreg:s8], $0x2FFFF;
	_ =	strace $0x9FFFFFFF  }
0xca: {  	(tm) =	ssettm $0x7FFFFFFF  }
0xcb: {  	_ =	shalt  }
tec
execute0_lowered:
.L_overlay_start_1:
0x0: {  	(tag) =	ssettag $0x1  }
0x1: {  	s4 =	rddreg [dreg:$0x0]  }
0x2: {  	s6 =	rddreg [dreg:$0x1]  }
0x3: {  	s7 =	rddreg [dreg:$0x2];
	s1 =	srdreg.scid  }
0x4: {  	s0 =	stileid.u32;
	s2 =	rddreg [dreg:$0x3]  }
0x5: {  	s3 =	simm.s32 $0x0;
	s13 =	simm.s32 $0x5000;
	s14 =	simm.s32 $0x50  }
0x6: {  	s15 =	simm.s32 $0x19000;
	s5 =	sand.u32 $0x1, s1;
	s1 =	rddreg [dreg:$0x4]  }
0x7: {  	s16 =	simm.s32 $0x0;
	s8 =	sshll.u32 s0, $0x1;
	[smem:$0x7FF] =	sst s3  }
0x8: {  	s29 =	sshll.u32 s0, $0xA;
	s30 =	sshll.u32 s0, $0x7;
	p0 =	sgt.u32 s0, $0x9  }
0x9: {  	s8 =	sor.u32 s5, s8;
	_ =	strace $0x80000047;
	s9 =	ssub.s32 $0x2, s5  }
0xa: {  	s11 =	smul.u32 $0x2800, s5;
	s12 =	sadd.s32 s29, s2;
	s6 =	sadd.s32 s6, s30  }
0xb: {  	s8 =	smul.u32 $0xA00, s8;
	s10 =	sshrl.u32 s9, $0x1;
	s12 =	sshrl.u32 @!p0 s12, $0x3  }
0xc: {  	v0 =	vlaneseq.u32;
	s9 =	ssub.s32 s9, s10;
	s11 =	sadd.s32 s29, s11;
	s10 =	simm.s32 $0x1B800  }
0xd: {  	v0 =	vmul.u32 $0x1400, v0;
	s8 =	sadd.s32 s8, s4;
	s4 =	sadd.s32 $0x19600, s4;
	s31 =	sshrl.u32 s11, $0x3  }
0xe: {  	s11 =	sshll.u32 @!p0 s0, $0x6;
	s5 =	sadd.s32 $0x5600, s8;
	s7 =	sadd.s32 s7, s31  }
0xf: {  	v1 =	vimm.f32 $0.0e+00;
	v2 =	vimm.f32 $1.000000000e+00;
	v3 =	vadd.s32 $0xFFFFEC00, v0;
	s8 =	smax.u32 s9, $0x1;
	s9 =	simm.s32 $0x1;
	s11 =	sor.u32 @!p0 $0x1C01, s11  }
.LBB2_1:
0x10: {  	[tilespmem:s3], [sflag:$0x1] =	stream.linear.gather [hbm4b:s5+s3], $0x5000, $0x38;
	[tilespmem:$0x1BB00] =	vst v63  }
0x11: {  	_ =	swait.ge [sflag:s9], $0x5000  }
0x12: {  	[sflag:s9] =	ssyncset.done $0x0  }
0x13: {  	[sflag:s9] =	ssyncadd.s32 $0xFFFFB000  }
0x14: {  	[tilespmem:s10], [sflag:$0x1] =	stream.linear.gather [hbm4b:s4+s3], $0x80, $0x38;
	[tilespmem:$0x1BB00] =	vst v63  }
0x15: {  	_ =	swait.ge [sflag:s9], $0x80  }
0x16: {  	[sflag:s9] =	ssyncset.done $0x0  }
0x17: {  	s17 =	simm.s32 @!p0 $0x1;
	[sflag:s9] =	ssyncadd.s32 $0xFFFFFF80  }
0x18: {  	[spmem:s12], [sflag:s11] =	dma.local @!p0 [hbm:s6], $0x80  }
0x19: {  	_ =	swait.ge @!p0 [sflag:s17], $0x80  }
0x1a: {  	[sflag:s17] =	ssyncset.done @!p0 $0x0  }
0x1b: {  	s18 =	simm.s32 $0x0;
	[sflag:s17] =	ssyncadd.s32 @!p0 $0xFFFFFF80;
	s17 =	simm.s32 $0x40  }
.LBB2_2:
0x1c: {  	p1 =	sne.s32 s17, $0x4FFC0;
	[tilespmem:s18+$0x5000] =	vst v1;
	s18 =	smov.u32 s17;
	s17 =	sadd.s32 $0x40, s17  }
.Ltmp0:
0x1d: {  	(pc) =	sbr.rel @p1 .LBB2_2-.Ltmp0, $2  }
0x1e: {  	_ =	sdelay $0x2  }
0x1f: {  	s18 =	sshra.s32 s18, $0x2  }
0x20: {  	[tilespmem:s18+$0x5000] =	vst v1;
	s17 =	simm.s32 $0x0;
	s18 =	simm.s32 $0x0  }
.LBB2_4:
0x21: {  	s19 =	sshra.s32 s18, $0x2  }
0x22: {  	v4 =	vld [tilespmem:s19+$0x0];
	_ =	sdelay $0x4  }
0x23: {  	vm0 =	vlt.u32 v4, $0x1400;
	v4 =	vadd.s32 v0, v4  }
0x24: {  	v4 =	vsel vm0, v4, v0;
	_ =	sdelay $0x4  }
0x25: {  	[tilespmem:v4+s13+$0x0] =	vst.idx.add.f32.msk vm0, v2  }
0x26: {  	v4 =	vld [tilespmem:s19+$0x10];
	_ =	sdelay $0x4  }
0x27: {  	vm9 =	vlt.u32 v4, $0x1400;
	v4 =	vadd.s32 v0, v4  }
0x28: {  	v4 =	vsel vm9, v4, v0;
	_ =	sdelay $0x4  }
0x29: {  	[tilespmem:v4+s13+$0x0] =	vst.idx.add.f32.msk vm9, v2  }
0x2a: {  	v4 =	vld [tilespmem:s19+$0x20];
	_ =	sdelay $0x4  }
0x2b: {  	vm10 =	vlt.u32 v4, $0x1400;
	v4 =	vadd.s32 v0, v4  }
0x2c: {  	v4 =	vsel vm10, v4, v0;
	_ =	sdelay $0x4  }
0x2d: {  	[tilespmem:v4+s13+$0x0] =	vst.idx.add.f32.msk vm10, v2  }
0x2e: {  	v4 =	vld [tilespmem:s19+$0x30];
	_ =	sdelay $0x4  }
0x2f: {  	vm11 =	vlt.u32 v4, $0x1400;
	v4 =	vadd.s32 v0, v4  }
0x30: {  	v4 =	vsel vm11, v4, v0;
	_ =	sdelay $0x4  }
0x31: {  	[tilespmem:v4+s13+$0x0] =	vst.idx.add.f32.msk vm11, v2  }
0x32: {  	v4 =	vld [tilespmem:s19+$0x40];
	_ =	sdelay $0x4  }
0x33: {  	vm12 =	vlt.u32 v4, $0x1400;
	v4 =	vadd.s32 v0, v4  }
0x34: {  	v4 =	vsel vm12, v4, v0;
	_ =	sdelay $0x4  }
0x35: {  	[tilespmem:v4+s13+$0x0] =	vst.idx.add.f32.msk vm12, v2  }
0x36: {  	v4 =	vld [tilespmem:s19+$0x50];
	_ =	sdelay $0x4  }
0x37: {  	vm13 =	vlt.u32 v4, $0x1400;
	v4 =	vadd.s32 v0, v4  }
0x38: {  	v4 =	vsel vm13, v4, v0;
	_ =	sdelay $0x4  }
0x39: {  	[tilespmem:v4+s13+$0x0] =	vst.idx.add.f32.msk vm13, v2  }
0x3a: {  	v4 =	vld [tilespmem:s19+$0x60];
	_ =	sdelay $0x4  }
0x3b: {  	vm14 =	vlt.u32 v4, $0x1400;
	v4 =	vadd.s32 v0, v4  }
0x3c: {  	v4 =	vsel vm14, v4, v0;
	_ =	sdelay $0x4  }
0x3d: {  	[tilespmem:v4+s13+$0x0] =	vst.idx.add.f32.msk vm14, v2  }
0x3e: {  	v4 =	vld [tilespmem:s19+$0x70];
	_ =	sdelay $0x4  }
0x3f: {  	vm15 =	vlt.u32 v4, $0x1400;
	v4 =	vadd.s32 v0, v4  }
0x40: {  	p1 =	sne.s32 s18, $0x13E00;
	v4 =	vsel vm15, v4, v0  }
.Ltmp1:
0x41: {  	_ = 	snop;
	(pc) =	sbr.rel @p1 .LBB2_4-.Ltmp1, $2  }
0x42: {  	_ =	sdelay $0x2  }
0x43: {  	s18 =	sadd.s32 $0x200, s18;
	[tilespmem:v4+s13+$0x0] =	vst.idx.add.f32.msk vm15, v2  }
0x44: {  	s19 =	sand.u32 $0x1FF0, s17  }
0x45: {  	s21 =	simm.s32 $0x0;
	s20 =	simm.s32 $0x40;
	s18 =	simm.s32 $0x0;
	v4 =	vld [tilespmem:s19+$0x6400]  }
.LBB2_6:
0x46: {  	p1 =	sne.s32 s20, $0x4FC0;
	v5 =	vld [tilespmem:s21+$0x5000];
	_ =	sdelay $0x1  }
0x47: {  	v6 =	vld [tilespmem:s19+$0x7800];
	_ =	sdelay $0x1  }
0x48: {  	v7 =	vld [tilespmem:s19+$0x8C00]  }
0x49: {  	v4 =	vadd.f32 v4, v5  }
0x4a: {  	v5 =	vld [tilespmem:s19+$0xA000]  }
0x4b: {  	v4 =	vadd.f32 v6, v4  }
0x4c: {  	v6 =	vld [tilespmem:s19+$0xB400]  }
0x4d: {  	v4 =	vadd.f32 v7, v4  }
0x4e: {  	v7 =	vld [tilespmem:s19+$0xC800]  }
0x4f: {  	v4 =	vadd.f32 v5, v4  }
0x50: {  	v5 =	vld [tilespmem:s19+$0xDC00]  }
0x51: {  	v4 =	vadd.f32 v6, v4  }
0x52: {  	v6 =	vld [tilespmem:s19+$0xF000]  }
0x53: {  	v4 =	vadd.f32 v7, v4  }
0x54: {  	v7 =	vld [tilespmem:s19+$0x10400]  }
0x55: {  	v4 =	vadd.f32 v5, v4  }
0x56: {  	v5 =	vld [tilespmem:s19+$0x11800]  }
0x57: {  	v4 =	vadd.f32 v6, v4  }
0x58: {  	v6 =	vld [tilespmem:s19+$0x12C00]  }
0x59: {  	v4 =	vadd.f32 v7, v4  }
0x5a: {  	v7 =	vld [tilespmem:s19+$0x14000]  }
0x5b: {  	v4 =	vadd.f32 v5, v4  }
0x5c: {  	v5 =	vld [tilespmem:s19+$0x15400]  }
0x5d: {  	v4 =	vadd.f32 v6, v4  }
0x5e: {  	v6 =	vld [tilespmem:s19+$0x16800]  }
0x5f: {  	v4 =	vadd.f32 v7, v4  }
0x60: {  	v7 =	vld [tilespmem:s19+$0x17C00]  }
0x61: {  	v4 =	vadd.f32 v5, v4;
	_ =	sdelay $0x1  }
0x62: {  	v4 =	vadd.f32 v6, v4  }
.Ltmp2:
0x63: {  	s19 =	sand.u32 $0x7E00, s17;
	s17 =	smov.u32 s20;
	(pc) =	sbr.rel @p1 .LBB2_6-.Ltmp2, $4  }
0x64: {  	s21 =	sand.u32 $0x70, s18;
	s19 =	sshrl.u32 s19, $0x2;
	v4 =	vadd.f32 v7, v4  }
0x65: {  	s18 =	sadd.s32 $0x10, s18;
	s21 =	sor.u32 s21, s19  }
0x66: {  	s19 =	sand.u32 $0x1FF0, s18;
	[tilespmem:s21+$0x19000] =	vst v4  }
0x67: {  	s20 =	sadd.s32 $0x40, s20;
	s21 =	sshra.s32 s17, $0x2;
	v4 =	vld [tilespmem:s19+$0x6400]  }
0x68: {  	v5 =	vld [tilespmem:s21+$0x5000];
	_ =	sdelay $0x1  }
0x69: {  	v6 =	vld [tilespmem:s19+$0x7800];
	_ =	sdelay $0x1  }
0x6a: {  	v7 =	vld [tilespmem:s19+$0x8C00]  }
0x6b: {  	v4 =	vadd.f32 v4, v5  }
0x6c: {  	v5 =	vld [tilespmem:s19+$0xA000]  }
0x6d: {  	v4 =	vadd.f32 v6, v4  }
0x6e: {  	v56 =	vld [tilespmem:s19+$0xB400]  }
0x6f: {  	v4 =	vadd.f32 v7, v4  }
0x70: {  	v57 =	vld [tilespmem:s19+$0xC800]  }
0x71: {  	v4 =	vadd.f32 v5, v4  }
0x72: {  	v5 =	vld [tilespmem:s19+$0xDC00]  }
0x73: {  	v4 =	vadd.f32 v56, v4  }
0x74: {  	v58 =	vld [tilespmem:s19+$0xF000]  }
0x75: {  	v4 =	vadd.f32 v57, v4  }
0x76: {  	v59 =	vld [tilespmem:s19+$0x10400]  }
0x77: {  	v4 =	vadd.f32 v5, v4  }
0x78: {  	v5 =	vld [tilespmem:s19+$0x11800]  }
0x79: {  	v4 =	vadd.f32 v58, v4  }
0x7a: {  	v60 =	vld [tilespmem:s19+$0x12C00]  }
0x7b: {  	v4 =	vadd.f32 v59, v4  }
0x7c: {  	v61 =	vld [tilespmem:s19+$0x14000]  }
0x7d: {  	v4 =	vadd.f32 v5, v4  }
0x7e: {  	v5 =	vld [tilespmem:s19+$0x15400]  }
0x7f: {  	v4 =	vadd.f32 v60, v4  }
0x80: {  	v62 =	vld [tilespmem:s19+$0x16800]  }
0x81: {  	v4 =	vadd.f32 v61, v4  }
0x82: {  	v63 =	vld [tilespmem:s19+$0x17C00]  }
0x83: {  	v4 =	vadd.f32 v5, v4;
	_ =	sdelay $0x1  }
0x84: {  	v4 =	vadd.f32 v62, v4  }
0x85: {  	s17 =	sand.u32 $0x7E00, s17  }
0x86: {  	s18 =	sand.u32 $0x70, s18;
	s17 =	sshrl.u32 s17, $0x2;
	v4 =	vadd.f32 v63, v4  }
0x87: {  	s17 =	sor.u32 s18, s17  }
0x88: {  	s18 =	simm.s32 $0x40;
	s19 =	simm.s32 $0x0;
	[tilespmem:s17+$0x19000] =	vst v4;
	s17 =	simm.s32 $0x0  }
.LBB2_8:
0x89: {  	p1 =	sne.s32 s18, $0x4FFC0;
	[tilespmem:s19+$0x5000] =	vst v1;
	s19 =	smov.u32 s18;
	s18 =	sadd.s32 $0x40, s18  }
.Ltmp3:
0x8a: {  	(pc) =	sbr.rel @p1 .LBB2_8-.Ltmp3, $2  }
0x8b: {  	_ =	sdelay $0x2  }
0x8c: {  	s19 =	sshra.s32 s19, $0x2  }
0x8d: {  	[tilespmem:s19+$0x5000] =	vst v1  }
.LBB2_10:
0x8e: {  	s18 =	sshra.s32 s17, $0x2  }
0x8f: {  	v4 =	vld [tilespmem:s18+$0x0];
	_ =	sdelay $0x4  }
0x90: {  	v5 =	vadd.s32 $0xFFFFEC00, v4  }
0x91: {  	v4 =	vadd.s32 v3, v4;
	vm0 =	vlt.u32 v5, $0x1400  }
0x92: {  	v4 =	vsel vm0, v4, v0;
	_ =	sdelay $0x4  }
0x93: {  	[tilespmem:v4+s13+$0x0] =	vst.idx.add.f32.msk vm0, v2  }
0x94: {  	v4 =	vld [tilespmem:s18+$0x10];
	_ =	sdelay $0x4  }
0x95: {  	v5 =	vadd.s32 $0xFFFFEC00, v4  }
0x96: {  	v4 =	vadd.s32 v3, v4;
	vm9 =	vlt.u32 v5, $0x1400  }
0x97: {  	v4 =	vsel vm9, v4, v0;
	_ =	sdelay $0x4  }
0x98: {  	[tilespmem:v4+s13+$0x0] =	vst.idx.add.f32.msk vm9, v2  }
0x99: {  	v4 =	vld [tilespmem:s18+$0x20];
	_ =	sdelay $0x4  }
0x9a: {  	v5 =	vadd.s32 $0xFFFFEC00, v4  }
0x9b: {  	v4 =	vadd.s32 v3, v4;
	vm10 =	vlt.u32 v5, $0x1400  }
0x9c: {  	v4 =	vsel vm10, v4, v0;
	_ =	sdelay $0x4  }
0x9d: {  	[tilespmem:v4+s13+$0x0] =	vst.idx.add.f32.msk vm10, v2  }
0x9e: {  	v4 =	vld [tilespmem:s18+$0x30];
	_ =	sdelay $0x4  }
0x9f: {  	v5 =	vadd.s32 $0xFFFFEC00, v4  }
0xa0: {  	v4 =	vadd.s32 v3, v4;
	vm11 =	vlt.u32 v5, $0x1400  }
0xa1: {  	v4 =	vsel vm11, v4, v0;
	_ =	sdelay $0x4  }
0xa2: {  	[tilespmem:v4+s13+$0x0] =	vst.idx.add.f32.msk vm11, v2  }
0xa3: {  	v4 =	vld [tilespmem:s18+$0x40];
	_ =	sdelay $0x4  }
0xa4: {  	v5 =	vadd.s32 $0xFFFFEC00, v4  }
0xa5: {  	v4 =	vadd.s32 v3, v4;
	vm12 =	vlt.u32 v5, $0x1400  }
0xa6: {  	v4 =	vsel vm12, v4, v0;
	_ =	sdelay $0x4  }
0xa7: {  	[tilespmem:v4+s13+$0x0] =	vst.idx.add.f32.msk vm12, v2  }
0xa8: {  	v4 =	vld [tilespmem:s18+$0x50];
	_ =	sdelay $0x4  }
0xa9: {  	v5 =	vadd.s32 $0xFFFFEC00, v4  }
0xaa: {  	v4 =	vadd.s32 v3, v4;
	vm13 =	vlt.u32 v5, $0x1400  }
0xab: {  	v4 =	vsel vm13, v4, v0;
	_ =	sdelay $0x4  }
0xac: {  	[tilespmem:v4+s13+$0x0] =	vst.idx.add.f32.msk vm13, v2  }
0xad: {  	v4 =	vld [tilespmem:s18+$0x60];
	_ =	sdelay $0x4  }
0xae: {  	v5 =	vadd.s32 $0xFFFFEC00, v4  }
0xaf: {  	v4 =	vadd.s32 v3, v4;
	vm14 =	vlt.u32 v5, $0x1400  }
0xb0: {  	v4 =	vsel vm14, v4, v0;
	_ =	sdelay $0x4  }
0xb1: {  	[tilespmem:v4+s13+$0x0] =	vst.idx.add.f32.msk vm14, v2  }
0xb2: {  	v4 =	vld [tilespmem:s18+$0x70];
	_ =	sdelay $0x4  }
0xb3: {  	v5 =	vadd.s32 $0xFFFFEC00, v4  }
0xb4: {  	v4 =	vadd.s32 v3, v4;
	vm15 =	vlt.u32 v5, $0x1400  }
0xb5: {  	p1 =	sne.s32 s17, $0x13E00;
	v4 =	vsel vm15, v4, v0  }
.Ltmp4:
0xb6: {  	_ = 	snop;
	(pc) =	sbr.rel @p1 .LBB2_10-.Ltmp4, $2  }
0xb7: {  	_ =	sdelay $0x2  }
0xb8: {  	s17 =	sadd.s32 $0x200, s17;
	[tilespmem:v4+s13+$0x0] =	vst.idx.add.f32.msk vm15, v2  }
0xb9: {  	s17 =	simm.s32 $0x1400;
	s18 =	simm.s32 $0x0  }
0xba: {  	s19 =	simm.s32 $0x0;
	s17 =	sand.u32 $0x3F80, s17;
	s22 =	sand.u32 $0x70, s18  }
0xbb: {  	v5 =	vld [tilespmem:s19+$0x5000];
	s17 =	sor.u32 s22, s17  }
0xbc: {  	v4 =	vld [tilespmem:s17+$0x5000]  }
0xbd: {  	s29 =	sand.u32 $0x1FF0, s18  }
0xbe: {  	v6 =	vld [tilespmem:s29+$0x7800];
	_ =	sdelay $0x1  }
0xbf: {  	v7 =	vld [tilespmem:s29+$0x8C00]  }
0xc0: {  	v4 =	vadd.f32 v4, v5  }
0xc1: {  	v5 =	vld [tilespmem:s29+$0xA000]  }
0xc2: {  	v4 =	vadd.f32 v6, v4  }
0xc3: {  	v6 =	vld [tilespmem:s29+$0xB400]  }
0xc4: {  	v4 =	vadd.f32 v7, v4  }
0xc5: {  	v7 =	vld [tilespmem:s29+$0xC800]  }
0xc6: {  	v4 =	vadd.f32 v5, v4  }
0xc7: {  	v5 =	vld [tilespmem:s29+$0xDC00]  }
0xc8: {  	v4 =	vadd.f32 v6, v4  }
0xc9: {  	v6 =	vld [tilespmem:s29+$0xF000]  }
0xca: {  	v4 =	vadd.f32 v7, v4  }
0xcb: {  	v7 =	vld [tilespmem:s29+$0x10400]  }
0xcc: {  	v4 =	vadd.f32 v5, v4  }
0xcd: {  	v5 =	vld [tilespmem:s29+$0x11800]  }
0xce: {  	v4 =	vadd.f32 v6, v4  }
0xcf: {  	v6 =	vld [tilespmem:s29+$0x12C00]  }
0xd0: {  	v4 =	vadd.f32 v7, v4  }
0xd1: {  	v7 =	vld [tilespmem:s29+$0x14000]  }
0xd2: {  	v4 =	vadd.f32 v5, v4  }
0xd3: {  	v5 =	vld [tilespmem:s29+$0x15400]  }
0xd4: {  	v4 =	vadd.f32 v6, v4  }
0xd5: {  	v6 =	vld [tilespmem:s29+$0x16800]  }
0xd6: {  	v4 =	vadd.f32 v7, v4  }
0xd7: {  	v7 =	vld [tilespmem:s29+$0x17C00]  }
0xd8: {  	v4 =	vadd.f32 v5, v4;
	_ =	sdelay $0x1  }
0xd9: {  	s30 =	simm.s32 $0x5000;
	v4 =	vadd.f32 v6, v4  }
0xda: {  	s31 =	simm.s32 $0x1410;
	s20 =	simm.s32 $0x10;
	s17 =	sand.u32 $0xFE00, s30  }
0xdb: {  	s18 =	simm.s32 $0x0;
	s21 =	sand.u32 $0x3F80, s31;
	s23 =	sshrl.u32 s17, $0x2;
	v4 =	vadd.f32 v7, v4  }
0xdc: {  	s19 =	simm.s32 $0x1420;
	s17 =	sand.u32 $0x70, s20;
	s22 =	sor.u32 s22, s23  }
.LBB2_12:
0xdd: {  	p1 =	sne.s32 s19, $0x27F0;
	s21 =	sor.u32 s17, s21;
	[tilespmem:s22+$0x19000] =	vst v4;
	s18 =	sadd.s32 $0x40, s18  }
0xde: {  	s22 =	sshra.s32 s18, $0x2;
	v4 =	vld [tilespmem:s21+$0x5000]  }
0xdf: {  	v5 =	vld [tilespmem:s22+$0x5000]  }
0xe0: {  	s20 =	sand.u32 $0x1FF0, s20  }
0xe1: {  	v6 =	vld [tilespmem:s20+$0x7800];
	_ =	sdelay $0x1  }
0xe2: {  	v7 =	vld [tilespmem:s20+$0x8C00]  }
0xe3: {  	v4 =	vadd.f32 v4, v5  }
0xe4: {  	v5 =	vld [tilespmem:s20+$0xA000]  }
0xe5: {  	v4 =	vadd.f32 v6, v4  }
0xe6: {  	v6 =	vld [tilespmem:s20+$0xB400]  }
0xe7: {  	v4 =	vadd.f32 v7, v4  }
0xe8: {  	v7 =	vld [tilespmem:s20+$0xC800]  }
0xe9: {  	v4 =	vadd.f32 v5, v4  }
0xea: {  	v5 =	vld [tilespmem:s20+$0xDC00]  }
0xeb: {  	v4 =	vadd.f32 v6, v4  }
0xec: {  	v6 =	vld [tilespmem:s20+$0xF000]  }
0xed: {  	v4 =	vadd.f32 v7, v4  }
0xee: {  	v7 =	vld [tilespmem:s20+$0x10400]  }
0xef: {  	v4 =	vadd.f32 v5, v4  }
0xf0: {  	v5 =	vld [tilespmem:s20+$0x11800]  }
0xf1: {  	v4 =	vadd.f32 v6, v4  }
0xf2: {  	v6 =	vld [tilespmem:s20+$0x12C00]  }
0xf3: {  	v4 =	vadd.f32 v7, v4  }
0xf4: {  	v7 =	vld [tilespmem:s20+$0x14000]  }
0xf5: {  	v4 =	vadd.f32 v5, v4  }
0xf6: {  	v5 =	vld [tilespmem:s20+$0x15400]  }
0xf7: {  	v4 =	vadd.f32 v6, v4  }
0xf8: {  	v6 =	vld [tilespmem:s20+$0x16800]  }
0xf9: {  	v4 =	vadd.f32 v7, v4  }
0xfa: {  	v7 =	vld [tilespmem:s20+$0x17C00]  }
0xfb: {  	v4 =	vadd.f32 v5, v4  }
.Ltmp5:
0xfc: {  	(pc) =	sbr.rel @p1 .LBB2_12-.Ltmp5, $4  }
0xfd: {  	s20 =	sadd.s32 $0x5000, s18;
	v4 =	vadd.f32 v6, v4  }
0xfe: {  	s22 =	sand.u32 $0xFE00, s20  }
0xff: {  	s21 =	sand.u32 $0x3F80, s19;
	s20 =	sadd.s32 $0xFFFFEC00, s19;
	s22 =	sshrl.u32 s22, $0x2;
	v4 =	vadd.f32 v7, v4  }
0x100: {  	s19 =	sadd.s32 $0x10, s19;
	s22 =	sor.u32 s17, s22;
	s17 =	sand.u32 $0x70, s20  }
0x101: {  	s19 =	sor.u32 s17, s21;
	[tilespmem:s22+$0x19000] =	vst v4;
	s18 =	sadd.s32 $0x40, s18  }
0x102: {  	s29 =	sshra.s32 s18, $0x2;
	v4 =	vld [tilespmem:s19+$0x5000]  }
0x103: {  	v5 =	vld [tilespmem:s29+$0x5000]  }
0x104: {  	s30 =	sand.u32 $0x1FF0, s20  }
0x105: {  	v6 =	vld [tilespmem:s30+$0x7800];
	_ =	sdelay $0x1  }
0x106: {  	v7 =	vld [tilespmem:s30+$0x8C00]  }
0x107: {  	v4 =	vadd.f32 v4, v5  }
0x108: {  	v5 =	vld [tilespmem:s30+$0xA000]  }
0x109: {  	v4 =	vadd.f32 v6, v4  }
0x10a: {  	v56 =	vld [tilespmem:s30+$0xB400]  }
0x10b: {  	v4 =	vadd.f32 v7, v4  }
0x10c: {  	v57 =	vld [tilespmem:s30+$0xC800]  }
0x10d: {  	v4 =	vadd.f32 v5, v4  }
0x10e: {  	v5 =	vld [tilespmem:s30+$0xDC00]  }
0x10f: {  	v4 =	vadd.f32 v56, v4  }
0x110: {  	v58 =	vld [tilespmem:s30+$0xF000]  }
0x111: {  	v4 =	vadd.f32 v57, v4  }
0x112: {  	v59 =	vld [tilespmem:s30+$0x10400]  }
0x113: {  	v4 =	vadd.f32 v5, v4  }
0x114: {  	v5 =	vld [tilespmem:s30+$0x11800]  }
0x115: {  	v4 =	vadd.f32 v58, v4  }
0x116: {  	v60 =	vld [tilespmem:s30+$0x12C00]  }
0x117: {  	v4 =	vadd.f32 v59, v4  }
0x118: {  	v61 =	vld [tilespmem:s30+$0x14000]  }
0x119: {  	v4 =	vadd.f32 v5, v4  }
0x11a: {  	v5 =	vld [tilespmem:s30+$0x15400]  }
0x11b: {  	v4 =	vadd.f32 v60, v4  }
0x11c: {  	v62 =	vld [tilespmem:s30+$0x16800]  }
0x11d: {  	v4 =	vadd.f32 v61, v4  }
0x11e: {  	v63 =	vld [tilespmem:s30+$0x17C00]  }
0x11f: {  	v4 =	vadd.f32 v5, v4;
	_ =	sdelay $0x1  }
0x120: {  	s18 =	sadd.s32 $0x5000, s18;
	v4 =	vadd.f32 v62, v4  }
0x121: {  	s18 =	sand.u32 $0xFE00, s18  }
0x122: {  	s18 =	sshrl.u32 s18, $0x2;
	v4 =	vadd.f32 v63, v4  }
0x123: {  	s31 =	sor.u32 s17, s18  }
0x124: {  	[tilespmem:s31+$0x19000] =	vst v4  }
0x125: {  	[bflag:$0x0] =	sbarrier.arrive $0xFFFF  }
0x126: {  	[spmem:s2] =	stream.indirect.scatter.add.f32 [tilespmem:s15], [sflag:$0x1], $0x80, s10, s14, $0xb8;
	[tilespmem:$0x1BB00] =	vst v63  }
0x127: {  	_ =	swait.ge [sflag:s9], $0x2800  }
0x128: {  	s16 =	sadd.s32 $0x1, s16;
	[sflag:s9] =	ssyncset.done $0x0  }
0x129: {  	p1 =	sne.s32 s16, s8;
	[sflag:s9] =	ssyncadd.s32 $0xFFFFD800  }
.Ltmp6:
0x12a: {  	s17 =	simm.s32 @!p0 $0x1;
	[bflag:$0x0] =	sbarrier.arrive $0xFFFF;
	(pc) =	sbr.rel @p1 .LBB2_1-.Ltmp6, $4  }
0x12b: {  	[hbm:s7], [sflag:s11] =	dma.local @!p0 [spmem:s12], $0x80  }
0x12c: {  	_ =	swait.ge @!p0 [sflag:s17], $0x80  }
0x12d: {  	[sflag:s17] =	ssyncset.done @!p0 $0x0  }
0x12e: {  	[sflag:s17] =	ssyncadd.s32 @!p0 $0xFFFFFF80  }
0x12f: {  	_ =	sfence.sel $0x180000  }
0x130: {  	[bflag:$0x0] =	sbarrier.arrive $0xFFFF  }
0x131: {  	p0 =	sne.s32 s0, $0x0;
	_ =	strace $0x90000047  }
0x132: {  	s0 =	sadd.s32 @!p0 $0x100000, s1;
	[bflag:$0x2] =	sbarrier.arrive $0xFFFF  }
0x133: {  	[sflag:s0] =	ssyncadd.tile.s32 @!p0 $0x1;
	_ =	shalt  }
.Lfunc_end2:
_tile_overlayer_lowered:
.L_overlay_start_2:
0x134: {  	(tag) =	ssettag $0x2  }
0x135: {  	s0 =	rddreg [dreg:$0x0];
	s2 =	stileid.u32  }
0x136: {  	s1 =	rddreg [dreg:$0x1];
	p0 =	sne.s32 s2, $0x0  }
0x137: {  	s3 =	rddreg [dreg:$0x2];
	[bflag:$0x3] =	sbarrier.arrive $0xFFFF;
	s2 =	simm.s32 @!p0 $0x1C01  }
0x138: {  	[timem:s3], [sflag:s2] =	dma.local @!p0 [hbm:s0], s1  }
0x139: {  	s0 =	simm.s32 @!p0 $0x1  }
0x13a: {  	_ =	swait.ge @!p0 [sflag:s0], s1  }
0x13b: {  	s1 =	ssub.s32 @!p0 $0x0, s1;
	[sflag:s0] =	ssyncset.done @!p0 $0x0  }
0x13c: {  	[sflag:s0] =	ssyncadd.s32 @!p0 s1  }
0x13d: {  	[bflag:$0x3] =	sbarrier.arrive $0xFFFF  }
0x13e: {  	_ =	shalt  }

// kernel: kernel.13.cloned.1.call-start
scs
__scs_entry_jumppad:
0x0: {  	(pc) =	sbr.rel $0x88, $3  }
0x1: {  	(tag) =	ssettag $0x0;
	lr =	simm.s32 $0x1  }
0x2: {  	[smem:$0x3F8A] =	sst lr;
	_ =	strace $0xD0000000  }
0x3: {  	_ = 	snop  }
0x4: {  	_ = 	snop  }
0x5: {  	_ = 	snop  }
0x6: {  	_ = 	snop  }
0x7: {  	_ = 	snop  }
__scs_overlays_trampoline_lowered:
0x8: {  	[smem:$0x3F99] =	sst s0  }
0x9: {  	[smem:$0x3F9A] =	sst s1  }
0xa: {  	[smem:$0x3F9B] =	sst s2  }
0xb: {  	[smem:$0x3F9C] =	sst s3  }
0xc: {  	[smem:$0x3F9D] =	sst s4  }
0xd: {  	[smem:$0x3F9E] =	sst s5  }
0xe: {  	[smem:$0x3F9F] =	sst s6  }
0xf: {  	[smem:$0x3FA0] =	sst s7  }
0x10: {  	[smem:$0x3FA1] =	sst s8  }
0x11: {  	[smem:$0x3FA2] =	sst s9;
	s0 =	simm.s32 @!p0 $0x0  }
0x12: {  	s1 =	sld [smem:$0x3F88];
	s0 =	simm.s32 @p0 $0x1  }
0x13: {  	[smem:$0x3FA3] =	sst s0;
	s0 =	simm.s32 @!p1 $0x0  }
0x14: {  	s2 =	sld [smem:$0x3F87];
	s0 =	simm.s32 @p1 $0x1  }
0x15: {  	[smem:$0x3FA4] =	sst s0;
	s0 =	simm.s32 @!p2 $0x0  }
0x16: {  	s3 =	sld [smem:$0x3FDB];
	s0 =	simm.s32 @p2 $0x1  }
0x17: {  	s4 =	simm.s32 $0x1BF5;
	[smem:$0x3FA6] =	sst s0  }
0x18: {  	s0 =	sld [smem:$0x3F89];
	_ =	swait.ge [sflag:s4], $0x0  }
0x19: {  	s7 =	sld [smem:$0x3F8A]  }
0x1a: {  	s8 =	sadd.s32 $0xFFFFE003, lr  }
0x1b: {  	s9 =	sadd.s32 $0xFFFFFEF7, lr;
	s5 =	simm.s32 $0xFFFFFFFF;
	p2 =	slt.u32 s8, $0xFFFFF086  }
0x1c: {  	p1 =	slt.u32 s9, $0xF7A;
	s5 =	simm.s32 @!p2 $0x0  }
0x1d: {  	s5 =	simm.s32 @p1 $0x1;
	p0 =	seq.s32 s7, s2  }
0x1e: {  	s7 =	smul.u32 @!p0 $0xF7A, s2;
	p2 =	seq.s32 @!p0 s5, $0x0  }
0x1f: {  	s9 =	smul.u32 $0xF7A, s1;
	s8 =	simm.s32 @!p0 $0x1BF5;
	p2 =	por !p2, p0  }
0x20: {  	[sflag:s8] =	ssyncset.s32 @!p0 $0xFFFFF086;
	s6 =	sadd.s32 @!p0 s3, s7;
	s7 =	simm.s32 @!p0 $0x108  }
0x21: {  	s3 =	sadd.s32 s3, s9;
	s6 =	sadd.s32 @!p0 $0x88, s6;
	s7 =	simm.s32 @p2 $0x1082  }
0x22: {  	[simem:s7], [sflag:s8] =	dma.local @!p0 [hbm:s6], $0xF7A  }
0x23: {  	s9 =	sor.u32 $0xD0000000, s2;
	s6 =	simm.s32 $0x108;
	_ =	swait.ge @!p0 [sflag:s8], $0x0  }
0x24: {  	s3 =	sadd.s32 $0x88, s3;
	s6 =	simm.s32 @!p1 $0x1082;
	[sflag:s4] =	ssyncset.s32 $0xFFFFF086  }
0x25: {  	[simem:s6], [sflag:s4] =	dma.local [hbm:s3], $0xF7A  }
0x26: {  	[smem:$0x3F8A] =	sst s1;
	(tag) =	ssettag s2;
	_ =	strace s9  }
0x27: {  	s1 =	sld [smem:$0x3F9A]  }
0x28: {  	s2 =	sld [smem:$0x3F9B]  }
0x29: {  	s4 =	sld [smem:$0x3F9D]  }
0x2a: {  	p0 =	seq.s32 s5, $0x0;
	s5 =	sld [smem:$0x3F9E]  }
0x2b: {  	s6 =	sld [smem:$0x3F9F]  }
0x2c: {  	s7 =	sld [smem:$0x3FA0]  }
0x2d: {  	s3 =	simm.s32 $0x108;
	s8 =	sld [smem:$0x3FA1]  }
0x2e: {  	s3 =	simm.s32 @!p0 $0x1082;
	s9 =	sld [smem:$0x3FA2]  }
0x2f: {  	lr =	sadd.s32 s0, s3;
	s0 =	sld [smem:$0x3F99]  }
0x30: {  	s3 =	sld [smem:$0x3F9C]  }
0x31: {  	[smem:$0x3FA5] =	sst s10  }
0x32: {  	s10 =	sld [smem:$0x3FA3];
	_ =	sdelay $0x3  }
0x33: {  	p0 =	seq.s32 s10, $0x1;
	s10 =	sld [smem:$0x3FA5];
	_ =	sdelay $0x3  }
0x34: {  	[smem:$0x3FA5] =	sst s10  }
0x35: {  	s10 =	sld [smem:$0x3FA4];
	_ =	sdelay $0x3  }
0x36: {  	p1 =	seq.s32 s10, $0x1;
	s10 =	sld [smem:$0x3FA5];
	_ =	sdelay $0x3  }
0x37: {  	[smem:$0x3FA5] =	sst s10  }
0x38: {  	s10 =	sld [smem:$0x3FA6]  }
0x39: {  	_ = 	snop;
	(pc) =	sbr.ind lr, $3  }
0x3a: {  	_ = 	snop  }
0x3b: {  	_ = 	snop  }
0x3c: {  	p2 =	seq.s32 s10, $0x1;
	s10 =	sld [smem:$0x3FA5]  }
0x3d: {  	_ =	shalt  }
0x3e: {  	_ =	shalt  }
0x3f: {  	_ =	shalt  }
0x40: {  	_ =	shalt  }
0x41: {  	_ =	shalt  }
0x42: {  	_ =	shalt  }
0x43: {  	_ =	shalt  }
0x44: {  	_ =	shalt  }
0x45: {  	_ =	shalt  }
0x46: {  	_ =	shalt  }
0x47: {  	_ =	shalt  }
0x48: {  	_ =	shalt  }
0x49: {  	_ =	shalt  }
0x4a: {  	_ =	shalt  }
0x4b: {  	_ =	shalt  }
0x4c: {  	_ =	shalt  }
0x4d: {  	_ =	shalt  }
0x4e: {  	_ =	shalt  }
0x4f: {  	_ =	shalt  }
0x50: {  	_ =	shalt  }
0x51: {  	_ =	shalt  }
0x52: {  	_ =	shalt  }
0x53: {  	_ =	shalt  }
0x54: {  	_ =	shalt  }
0x55: {  	_ =	shalt  }
0x56: {  	_ =	shalt  }
0x57: {  	_ =	shalt  }
0x58: {  	_ =	shalt  }
0x59: {  	_ =	shalt  }
0x5a: {  	_ =	shalt  }
0x5b: {  	_ =	shalt  }
0x5c: {  	_ =	shalt  }
0x5d: {  	_ =	shalt  }
0x5e: {  	_ =	shalt  }
0x5f: {  	_ =	shalt  }
0x60: {  	_ =	shalt  }
0x61: {  	_ =	shalt  }
0x62: {  	_ =	shalt  }
0x63: {  	_ =	shalt  }
0x64: {  	_ =	shalt  }
0x65: {  	_ =	shalt  }
0x66: {  	_ =	shalt  }
0x67: {  	_ =	shalt  }
0x68: {  	_ =	shalt  }
0x69: {  	_ =	shalt  }
0x6a: {  	_ =	shalt  }
0x6b: {  	_ =	shalt  }
0x6c: {  	_ =	shalt  }
0x6d: {  	_ =	shalt  }
0x6e: {  	_ =	shalt  }
0x6f: {  	_ =	shalt  }
0x70: {  	_ =	shalt  }
0x71: {  	_ =	shalt  }
0x72: {  	_ =	shalt  }
0x73: {  	_ =	shalt  }
0x74: {  	_ =	shalt  }
0x75: {  	_ =	shalt  }
0x76: {  	_ =	shalt  }
0x77: {  	_ =	shalt  }
0x78: {  	_ =	shalt  }
0x79: {  	_ =	shalt  }
0x7a: {  	_ =	shalt  }
0x7b: {  	_ =	shalt  }
0x7c: {  	_ =	shalt  }
0x7d: {  	_ =	shalt  }
0x7e: {  	_ =	shalt  }
0x7f: {  	_ =	shalt  }
0x80: {  	_ =	shalt  }
0x81: {  	_ =	shalt  }
0x82: {  	_ =	shalt  }
0x83: {  	_ =	shalt  }
0x84: {  	_ =	shalt  }
0x85: {  	_ =	shalt  }
0x86: {  	_ =	shalt  }
0x87: {  	_ =	shalt  }
.Lfunc_end0:
.L_simem_size_0:
called_computation.1_lowered:
.L_overlay_start_0:
0x88: {  	s2 =	sld [smem:$0x3FD9]  }
0x89: {  	s3 =	sld [smem:$0x3FFE];
	_ =	sdelay $0x1  }
0x8a: {  	s1 =	srdreg.scid  }
0x8b: {  	s0 =	sand.u32 $0x1, s1  }
0x8c: {  	s17 =	sshll.u32 s0, $0xA;
	s2 =	sadd.s32 s3, s2  }
0x8d: {  	s2 =	sadd.s32 s2, s17  }
0x8e: {  	[smem:$0x3FB1] =	sst s2  }
0x8f: {  	_ = 	snop  }
0x90: {  	(tm) =	ssettm $0x1  }
0x91: {  	s18 =	sld [smem:$0x3FFB];
	_ =	sdelay $0x3  }
0x92: {  	_ =	strace s18  }
0x93: {  	s2 =	sld [smem:$0x3FFC];
	_ =	sdelay $0x3  }
0x94: {  	_ =	strace s2  }
0x95: {  	s2 =	sld [smem:$0x3FFD];
	_ =	sdelay $0x3  }
0x96: {  	_ =	strace s2  }
0x97: {  	_ =	strace $0x8FFFFFFF  }
0x98: {  	s19 =	sld [smem:$0x3FDB];
	_ =	sdelay $0x1  }
0x99: {  	s20 =	simm.s32 $_scs_section_size  }
0x9a: {  	s4 =	simm.s32 $_size__tile_overlayer_lowered;
	s5 =	simm.s32 $_tile_overlayer_lowered  }
0x9b: {  	s6 =	simm.s32 $0x1BFF;
	s21 =	sshll.u32 s5, $0x1;
	s3 =	sadd.s32 s20, s19  }
0x9c: {  	s22 =	simm.s32 $0x0;
	s4 =	sshll.u32 s4, $0x1;
	s5 =	sadd.s32 s21, s3  }
0x9d: {  	[timem:s22], [sflag:s6] =	dma.local [hbm:s5], s4  }
0x9e: {  	_ =	swait.ge [sflag:s6], s4  }
0x9f: {  	s4 =	ssub.s32 $0x0, s4;
	[sflag:s6] =	ssyncset.done $0x0  }
0xa0: {  	[sflag:s6] =	ssyncadd.s32 s4;
	_ =	sdelay $0x1  }
0xa1: {  	s23 =	simm.s32 $0x1B8B  }
0xa2: {  	_ =	swait.ge [sflag:s23], $0x1  }
0xa3: {  	[sflag:s23] =	ssyncset.done $0x0  }
0xa4: {  	[sflag:s23] =	ssyncadd.s32 $0xFFFFFFFF  }
0xa5: {  	s4 =	sld [smem:$0x0]  }
0xa6: {  	s5 =	sand.u32 $0xFFFFFFFE, s1  }
0xa7: {  	p0 =	sne.s32 s1, s5  }
0xa8: {  	s5 =	sshll.u32 @p0 s5, $0xE  }
0xa9: {  	s5 =	sadd.s32 @p0 $0x11B8D, s5;
	s6 =	sshll.u32 @p0 s4, $0x11  }
0xaa: {  	s5 =	sor.u32 @p0 s6, s5  }
0xab: {  	[sflag:s5] =	ssyncadd.remote.s32 @p0 $0x1;
	_ =	sdelay $0x1  }
0xac: {  	s5 =	simm.s32 @p0 $0x1B8D  }
0xad: {  	_ =	swait.eq @p0 [sflag:s5], $0x1  }
0xae: {  	[sflag:s5] =	ssyncadd.s32 @p0 $0xFFFFFFFF  }
0xaf: {  	s6 =	sshll.u32 @!p0 s1, $0xE  }
0xb0: {  	s6 =	sor.u32 @!p0 $0x4000, s6;
	s5 =	simm.s32 @!p0 $0x1B8D  }
0xb1: {  	s4 =	sshll.u32 @!p0 s4, $0x11;
	s6 =	sadd.s32 @!p0 $0x11B8D, s6;
	_ =	swait.eq @!p0 [sflag:s5], $0x1  }
0xb2: {  	s4 =	sor.u32 @!p0 s4, s6;
	[sflag:s5] =	ssyncadd.s32 @!p0 $0xFFFFFFFF  }
0xb3: {  	s25 =	simm.s32 $0x1B8E;
	s24 =	sld [smem:$0x3FFE];
	[sflag:s4] =	ssyncadd.remote.s32 @!p0 $0x1  }
0xb4: {  	s26 =	simm.s32 $execute0_lowered;
	[smem:$0x3FD2] =	sst s25  }
0xb5: {  	s5 =	sshll.u32 s26, $0x1;
	_ =	strace $0x80000049;
	[dreg:$0x1] =	wrdreg $0xFFFFFFFF  }
0xb6: {  	s28 =	simm.s32 $_size_execute0_lowered;
	s3 =	sadd.s32 s3, s5;
	[dreg:$0x0] =	wrdreg $0x0  }
0xb7: {  	s5 =	sshll.u32 s28, $0x1;
	[dreg:$0x2] =	wrdreg s3  }
0xb8: {  	[dreg:$0x3] =	wrdreg s5  }
0xb9: {  	[dreg:$0x4] =	wrdreg $0xC0  }
0xba: {  	_ =	task [dreg:s22], $0x5FFFF  }
0xbb: {  	[dreg:$0x1] =	wrdreg $0xFFFFFFFF  }
0xbc: {  	[dreg:$0x0] =	wrdreg $0x60  }
0xbd: {  	[dreg:$0x2] =	wrdreg s24  }
0xbe: {  	[dreg:$0x3] =	wrdreg $0xA0000  }
0xbf: {  	[dreg:$0x4] =	wrdreg $0xA  }
0xc0: {  	_ =	task.clear_ibuf [dreg:s22], $0x5FFFF;
	_ =	strace $0x90000049  }
0xc1: {  	s29 =	simm.s32 $0xA;
	_ =	strace $0x8000004B  }
0xc2: {  	_ =	swait.ge [sflag:s29], $0x1  }
0xc3: {  	[sflag:s29] =	ssyncadd.s32 $0xFFFFFFFF  }
0xc4: {  	_ =	strace $0x9000004B  }
0xc5: {  	_ =	sfence  }
0xc6: {  	s30 =	sld [smem:$0x0];
	_ =	sdelay $0x2  }
0xc7: {  	s31 =	sshll.u32 s1, $0xD;
	s1 =	sshrl.u32 s1, $0x2  }
0xc8: {  	s4 =	sand.u32 $0x4000, s31;
	s1 =	sadd.s32 s1, s30  }
0xc9: {  	s0 =	sor.u32 s4, s0;
	s1 =	sshll.u32 s1, $0x11  }
0xca: {  	s0 =	sor.u32 s1, s0  }
0xcb: {  	s0 =	sadd.s32 $0x8F2B, s0  }
0xcc: {  	[sflag:s0] =	ssyncadd.remote.s32 $0x1  }
0xcd: {  	_ =	sfence.sel $0xFFFF  }
0xce: {  	[dreg:$0x0] =	wrdreg $0xFFFFFFFF;
	(pc) =	sbr.abs _section_cstart, $3  }
0xcf: {  	[dreg:$0x1] =	wrdreg $0xFFFFFFFF  }
0xd0: {  	_ =	task.clear_ibuf [dreg:s22], $0x2FFFF;
	_ =	strace $0x9FFFFFFF  }
0xd1: {  	(tm) =	ssettm $0x7FFFFFFF  }
tec
execute0_lowered:
.L_overlay_start_1:
0x0: {  	(tag) =	ssettag $0x1  }
0x1: {  	s0 =	rddreg [dreg:$0x0]  }
0x2: {  	s2 =	rddreg [dreg:$0x1];
	s1 =	stileid.u32  }
0x3: {  	s4 =	srdreg.scid;
	s3 =	simm.s32 $0x0;
	s14 =	simm.s32 $0x1000  }
0x4: {  	s15 =	simm.s32 $0x40;
	s16 =	simm.s32 $0x2000;
	s17 =	simm.s32 $0x4000  }
0x5: {  	s18 =	simm.s32 $0x6000;
	s19 =	simm.s32 $0x8000;
	s20 =	simm.s32 $0x1  }
0x6: {  	s21 =	simm.s32 $0x2;
	s22 =	simm.s32 $0x3;
	s23 =	simm.s32 $0x4  }
0x7: {  	s28 =	simm.s32 $0x8;
	s7 =	smul.u32 $0x14000, s1;
	s8 =	sand.u32 $0x1, s4  }
0x8: {  	[smem:$0x7FF] =	sst s3;
	s4 =	sadd.s32 $0x69800, s0;
	s5 =	sadd.s32 $0x41800, s0  }
0x9: {  	s6 =	sadd.s32 $0x19800, s0;
	s11 =	smul.u32 $0x50000, s1;
	s26 =	sshll.u32 s1, $0x1  }
0xa: {  	s31 =	sshll.u32 s1, $0x6;
	s9 =	smul.u32 $0x140000, s8;
	_ =	strace $0x8000004A  }
0xb: {  	s24 =	ssub.s32 $0x2, s8;
	s30 =	sor.u32 s8, s26;
	s8 =	sor.u32 $0x1C09, s31  }
0xc: {  	s26 =	simm.s32 $0x7;
	s10 =	sshrl.u32 s7, $0x3;
	s25 =	sshrl.u32 s24, $0x1  }
0xd: {  	s29 =	sshrl.u32 s11, $0x2;
	s7 =	sadd.s32 s7, s9;
	s10 =	sadd.s32 s10, s0  }
0xe: {  	s12 =	ssub.s32 s24, s25;
	s13 =	sadd.s32 s29, s2;
	s9 =	smul.u32 $0xA000, s30  }
0xf: {  	s24 =	simm.s32 $0x5;
	s25 =	simm.s32 $0x6;
	s7 =	sshrl.u32 s7, $0x3  }
0x10: {  	s11 =	smax.u32 s12, $0x1;
	s12 =	sshrl.u32 s13, $0x3;
	s0 =	sadd.s32 s7, s0  }
0x11: {  	s13 =	simm.s32 $0x9;
	s7 =	sadd.s32 $0x91800, s10;
	s10 =	sadd.s32 $0xB9800, s0  }
.LBB2_1:
0x12: {  	[spmem:s12], [sflag:s8] =	dma.local [hbm:s7], $0x2800  }
0x13: {  	_ =	swait.ge [sflag:s13], $0x2800  }
0x14: {  	[sflag:s13] =	ssyncset.done $0x0  }
0x15: {  	[sflag:s13] =	ssyncadd.s32 $0xFFFFD800  }
0x16: {  	s29 =	simm.s32 $0x0;
	[bflag:$0x0] =	sbarrier.arrive $0xFFFF  }
.LBB2_2:
0x17: {  	s0 =	sshll.u32 s29, $0xC  }
0x18: {  	s0 =	sadd.s32 s9, s0  }
0x19: {  	s0 =	sshrl.u32 s0, $0x3  }
0x1a: {  	s31 =	simm.s32 $0x0;
	s30 =	sadd.s32 s5, s0  }
0x1b: {  	[tilespmem:s31], [sflag:$0x9] =	stream.linear.gather [hbm4b:s30+s31], $0x1000, $0x38;
	[tilespmem:$0x1E000] =	vst v63  }
0x1c: {  	_ =	swait.ge [sflag:s13], $0x1000  }
0x1d: {  	[sflag:s13] =	ssyncset.done $0x0  }
0x1e: {  	s0 =	sadd.s32 s6, s0;
	[sflag:s13] =	ssyncadd.s32 $0xFFFFF000  }
0x1f: {  	[tilespmem:s14], [sflag:$0x9] =	stream.linear.gather [hbm4b:s0+s31], $0x1000, $0x38;
	[tilespmem:$0x1E000] =	vst v63  }
0x20: {  	_ =	swait.ge [sflag:s13], $0x1000  }
0x21: {  	[sflag:s13] =	ssyncset.done $0x0  }
0x22: {  	s1 =	simm.s32 $0x0;
	[sflag:s13] =	ssyncadd.s32 $0xFFFFF000  }
0x23: {  	[tilespmem:s16], [sflag:$0x1] =	stream.indirect.gather [hbm4b:s4+s15], $0x80, s1, s15, $0xb8;
	[tilespmem:$0x1E000] =	vst v63  }
0x24: {  	s1 =	simm.s32 $0x80  }
0x25: {  	[tilespmem:s17], [sflag:$0x2] =	stream.indirect.gather [hbm4b:s4+s15], $0x80, s1, s15, $0xb8;
	[tilespmem:$0x1E000] =	vst v63  }
0x26: {  	s1 =	simm.s32 $0x100  }
0x27: {  	[tilespmem:s18], [sflag:$0x3] =	stream.indirect.gather [hbm4b:s4+s15], $0x80, s1, s15, $0xb8;
	[tilespmem:$0x1E000] =	vst v63  }
0x28: {  	s1 =	simm.s32 $0x180  }
0x29: {  	[tilespmem:s19], [sflag:$0x4] =	stream.indirect.gather [hbm4b:s4+s15], $0x80, s1, s15, $0xb8;
	[tilespmem:$0x1E000] =	vst v63  }
0x2a: {  	_ =	swait.ge [sflag:s20], $0x2000  }
0x2b: {  	[sflag:s20] =	ssyncset.done $0x0  }
0x2c: {  	s1 =	simm.s32 $0x1000;
	[sflag:s20] =	ssyncadd.s32 $0xFFFFE000  }
0x2d: {  	[spmem:s2] =	stream.indirect.scatter.add.f32 [tilespmem:s16], [sflag:$0x5], $0x80, s1, s15, $0xb8;
	[tilespmem:$0x1E000] =	vst v63  }
0x2e: {  	_ =	swait.ge [sflag:s21], $0x2000  }
0x2f: {  	[sflag:s21] =	ssyncset.done $0x0  }
0x30: {  	s1 =	simm.s32 $0x1080;
	[sflag:s21] =	ssyncadd.s32 $0xFFFFE000  }
0x31: {  	[spmem:s2] =	stream.indirect.scatter.add.f32 [tilespmem:s17], [sflag:$0x6], $0x80, s1, s15, $0xb8;
	[tilespmem:$0x1E000] =	vst v63  }
0x32: {  	_ =	swait.ge [sflag:s22], $0x2000  }
0x33: {  	[sflag:s22] =	ssyncset.done $0x0  }
0x34: {  	s1 =	simm.s32 $0x1100;
	[sflag:s22] =	ssyncadd.s32 $0xFFFFE000  }
0x35: {  	[spmem:s2] =	stream.indirect.scatter.add.f32 [tilespmem:s18], [sflag:$0x7], $0x80, s1, s15, $0xb8;
	[tilespmem:$0x1E000] =	vst v63  }
0x36: {  	_ =	swait.ge [sflag:s23], $0x2000  }
0x37: {  	[sflag:s23] =	ssyncset.done $0x0  }
0x38: {  	s1 =	simm.s32 $0x1180;
	[sflag:s23] =	ssyncadd.s32 $0xFFFFE000  }
0x39: {  	[spmem:s2] =	stream.indirect.scatter.add.f32 [tilespmem:s19], [sflag:$0x8], $0x80, s1, s15, $0xb8;
	[tilespmem:$0x1E000] =	vst v63  }
0x3a: {  	_ =	swait.ge [sflag:s24], $0x2000  }
0x3b: {  	[sflag:s24] =	ssyncset.done $0x0  }
0x3c: {  	[sflag:s24] =	ssyncadd.s32 $0xFFFFE000  }
0x3d: {  	_ =	swait.ge [sflag:s25], $0x2000  }
0x3e: {  	[sflag:s25] =	ssyncset.done $0x0  }
0x3f: {  	[sflag:s25] =	ssyncadd.s32 $0xFFFFE000  }
0x40: {  	_ =	swait.ge [sflag:s26], $0x2000  }
0x41: {  	[sflag:s26] =	ssyncset.done $0x0  }
0x42: {  	[sflag:s26] =	ssyncadd.s32 $0xFFFFE000  }
0x43: {  	_ =	swait.ge [sflag:s28], $0x2000  }
0x44: {  	s30 =	simm.s32 $0x800;
	s31 =	simm.s32 $0x1000;
	[sflag:s28] =	ssyncset.done $0x0  }
.LBB2_3:
0x45: {  	s1 =	sshra.s32 s30, $0x2  }
0x46: {  	[sflag:s28] =	ssyncadd.s32 $0xFFFFE000;
	s30 =	smov.u32 s31;
	s0 =	sadd.s32 $0x800, s31  }
0x47: {  	[tilespmem:s16], [sflag:$0x1] =	stream.indirect.gather [hbm4b:s4+s15], $0x80, s1, s15, $0xb8;
	[tilespmem:$0x1E000] =	vst v63  }
0x48: {  	p0 =	sne.s32 s31, $0x3800;
	s31 =	sadd.s32 $0x80, s1  }
0x49: {  	[tilespmem:s17], [sflag:$0x2] =	stream.indirect.gather [hbm4b:s4+s15], $0x80, s31, s15, $0xb8;
	[tilespmem:$0x1E000] =	vst v63  }
0x4a: {  	s31 =	sadd.s32 $0x100, s1  }
0x4b: {  	[tilespmem:s18], [sflag:$0x3] =	stream.indirect.gather [hbm4b:s4+s15], $0x80, s31, s15, $0xb8;
	[tilespmem:$0x1E000] =	vst v63  }
0x4c: {  	s31 =	sadd.s32 $0x180, s1  }
0x4d: {  	[tilespmem:s19], [sflag:$0x4] =	stream.indirect.gather [hbm4b:s4+s15], $0x80, s31, s15, $0xb8;
	[tilespmem:$0x1E000] =	vst v63  }
0x4e: {  	_ =	swait.ge [sflag:s20], $0x2000  }
0x4f: {  	[sflag:s20] =	ssyncset.done $0x0  }
0x50: {  	s31 =	sadd.s32 $0x1000, s1;
	[sflag:s20] =	ssyncadd.s32 $0xFFFFE000  }
0x51: {  	[spmem:s2] =	stream.indirect.scatter.add.f32 [tilespmem:s16], [sflag:$0x5], $0x80, s31, s15, $0xb8;
	[tilespmem:$0x1E000] =	vst v63  }
0x52: {  	_ =	swait.ge [sflag:s21], $0x2000  }
0x53: {  	[sflag:s21] =	ssyncset.done $0x0  }
0x54: {  	s31 =	sadd.s32 $0x1080, s1;
	[sflag:s21] =	ssyncadd.s32 $0xFFFFE000  }
0x55: {  	[spmem:s2] =	stream.indirect.scatter.add.f32 [tilespmem:s17], [sflag:$0x6], $0x80, s31, s15, $0xb8;
	[tilespmem:$0x1E000] =	vst v63  }
0x56: {  	_ =	swait.ge [sflag:s22], $0x2000  }
0x57: {  	[sflag:s22] =	ssyncset.done $0x0  }
0x58: {  	s31 =	sadd.s32 $0x1100, s1;
	[sflag:s22] =	ssyncadd.s32 $0xFFFFE000  }
0x59: {  	[spmem:s2] =	stream.indirect.scatter.add.f32 [tilespmem:s18], [sflag:$0x7], $0x80, s31, s15, $0xb8;
	[tilespmem:$0x1E000] =	vst v63  }
0x5a: {  	_ =	swait.ge [sflag:s23], $0x2000  }
0x5b: {  	[sflag:s23] =	ssyncset.done $0x0  }
0x5c: {  	s1 =	sadd.s32 $0x1180, s1;
	[sflag:s23] =	ssyncadd.s32 $0xFFFFE000  }
0x5d: {  	[spmem:s2] =	stream.indirect.scatter.add.f32 [tilespmem:s19], [sflag:$0x8], $0x80, s1, s15, $0xb8;
	[tilespmem:$0x1E000] =	vst v63  }
0x5e: {  	_ =	swait.ge [sflag:s24], $0x2000  }
0x5f: {  	[sflag:s24] =	ssyncset.done $0x0  }
0x60: {  	[sflag:s24] =	ssyncadd.s32 $0xFFFFE000  }
0x61: {  	_ =	swait.ge [sflag:s25], $0x2000  }
0x62: {  	[sflag:s25] =	ssyncset.done $0x0  }
0x63: {  	[sflag:s25] =	ssyncadd.s32 $0xFFFFE000  }
.Ltmp0:
0x64: {  	_ =	swait.ge [sflag:s26], $0x2000;
	(pc) =	sbr.rel @p0 .LBB2_3-.Ltmp0, $4  }
0x65: {  	[sflag:s26] =	ssyncset.done $0x0  }
0x66: {  	[sflag:s26] =	ssyncadd.s32 $0xFFFFE000  }
0x67: {  	_ =	swait.ge [sflag:s28], $0x2000  }
0x68: {  	s31 =	smov.u32 s0;
	[sflag:s28] =	ssyncset.done $0x0  }
0x69: {  	s0 =	sshra.s32 s30, $0x2;
	[sflag:s28] =	ssyncadd.s32 $0xFFFFE000  }
0x6a: {  	[tilespmem:s16], [sflag:$0x1] =	stream.indirect.gather [hbm4b:s4+s15], $0x80, s0, s15, $0xb8;
	[tilespmem:$0x1E000] =	vst v63  }
0x6b: {  	s1 =	sadd.s32 $0x80, s0  }
0x6c: {  	[tilespmem:s17], [sflag:$0x2] =	stream.indirect.gather [hbm4b:s4+s15], $0x80, s1, s15, $0xb8;
	[tilespmem:$0x1E000] =	vst v63  }
0x6d: {  	s31 =	sadd.s32 $0x100, s0  }
0x6e: {  	[tilespmem:s18], [sflag:$0x3] =	stream.indirect.gather [hbm4b:s4+s15], $0x80, s31, s15, $0xb8;
	[tilespmem:$0x1E000] =	vst v63  }
0x6f: {  	s30 =	sadd.s32 $0x180, s0  }
0x70: {  	[tilespmem:s19], [sflag:$0x4] =	stream.indirect.gather [hbm4b:s4+s15], $0x80, s30, s15, $0xb8;
	[tilespmem:$0x1E000] =	vst v63  }
0x71: {  	_ =	swait.ge [sflag:s20], $0x2000  }
0x72: {  	[sflag:s20] =	ssyncset.done $0x0  }
0x73: {  	s31 =	sadd.s32 $0x1000, s0;
	[sflag:s20] =	ssyncadd.s32 $0xFFFFE000  }
0x74: {  	[spmem:s2] =	stream.indirect.scatter.add.f32 [tilespmem:s16], [sflag:$0x5], $0x80, s31, s15, $0xb8;
	[tilespmem:$0x1E000] =	vst v63  }
0x75: {  	_ =	swait.ge [sflag:s21], $0x2000  }
0x76: {  	[sflag:s21] =	ssyncset.done $0x0  }
0x77: {  	s30 =	sadd.s32 $0x1080, s0;
	[sflag:s21] =	ssyncadd.s32 $0xFFFFE000  }
0x78: {  	[spmem:s2] =	stream.indirect.scatter.add.f32 [tilespmem:s17], [sflag:$0x6], $0x80, s30, s15, $0xb8;
	[tilespmem:$0x1E000] =	vst v63  }
0x79: {  	_ =	swait.ge [sflag:s22], $0x2000  }
0x7a: {  	[sflag:s22] =	ssyncset.done $0x0  }
0x7b: {  	s31 =	sadd.s32 $0x1100, s0;
	[sflag:s22] =	ssyncadd.s32 $0xFFFFE000  }
0x7c: {  	[spmem:s2] =	stream.indirect.scatter.add.f32 [tilespmem:s18], [sflag:$0x7], $0x80, s31, s15, $0xb8;
	[tilespmem:$0x1E000] =	vst v63  }
0x7d: {  	_ =	swait.ge [sflag:s23], $0x2000  }
0x7e: {  	[sflag:s23] =	ssyncset.done $0x0  }
0x7f: {  	s0 =	sadd.s32 $0x1180, s0;
	[sflag:s23] =	ssyncadd.s32 $0xFFFFE000  }
0x80: {  	[spmem:s2] =	stream.indirect.scatter.add.f32 [tilespmem:s19], [sflag:$0x8], $0x80, s0, s15, $0xb8;
	[tilespmem:$0x1E000] =	vst v63  }
0x81: {  	_ =	swait.ge [sflag:s24], $0x2000  }
0x82: {  	[sflag:s24] =	ssyncset.done $0x0  }
0x83: {  	[sflag:s24] =	ssyncadd.s32 $0xFFFFE000  }
0x84: {  	_ =	swait.ge [sflag:s25], $0x2000  }
0x85: {  	[sflag:s25] =	ssyncset.done $0x0  }
0x86: {  	s29 =	sadd.s32 $0x1, s29;
	[sflag:s25] =	ssyncadd.s32 $0xFFFFE000  }
0x87: {  	p0 =	sne.s32 s29, $0xA;
	_ =	swait.ge [sflag:s26], $0x2000  }
.Ltmp1:
0x88: {  	[sflag:s26] =	ssyncset.done $0x0;
	(pc) =	sbr.rel @p0 .LBB2_2-.Ltmp1, $4  }
0x89: {  	[sflag:s26] =	ssyncadd.s32 $0xFFFFE000  }
0x8a: {  	_ =	swait.ge [sflag:s28], $0x2000  }
0x8b: {  	[sflag:s28] =	ssyncset.done $0x0  }
0x8c: {  	[sflag:s28] =	ssyncadd.s32 $0xFFFFE000  }
0x8d: {  	s3 =	sadd.s32 $0x1, s3  }
0x8e: {  	p0 =	sne.s32 s3, s11  }
.Ltmp2:
0x8f: {  	[bflag:$0x0] =	sbarrier.arrive $0xFFFF;
	(pc) =	sbr.rel @p0 .LBB2_1-.Ltmp2, $4  }
0x90: {  	[hbm:s10], [sflag:s8] =	dma.local [spmem:s12], $0x2800  }
0x91: {  	_ =	swait.ge [sflag:s13], $0x2800  }
0x92: {  	[sflag:s13] =	ssyncset.done $0x0  }
0x93: {  	[sflag:s13] =	ssyncadd.s32 $0xFFFFD800  }
0x94: {  	_ =	sfence.sel $0x180000  }
0x95: {  	[bflag:$0x0] =	sbarrier.arrive $0xFFFF  }
0x96: {  	_ =	strace $0x9000004A  }
0x97: {  	s0 =	stileid.u32;
	[bflag:$0x2] =	sbarrier.arrive $0xFFFF  }
0x98: {  	p0 =	sne.s32 s0, $0x0;
	s0 =	rddreg [dreg:$0x2]  }
0x99: {  	s0 =	sadd.s32 @!p0 $0x100000, s0  }
0x9a: {  	[sflag:s0] =	ssyncadd.tile.s32 @!p0 $0x1;
	_ =	shalt  }
.Lfunc_end2:
_tile_overlayer_lowered:
.L_overlay_start_2:
0x9b: {  	(tag) =	ssettag $0x2  }
0x9c: {  	s0 =	rddreg [dreg:$0x0];
	s2 =	stileid.u32  }
0x9d: {  	s1 =	rddreg [dreg:$0x1];
	p0 =	sne.s32 s2, $0x0  }
0x9e: {  	s3 =	rddreg [dreg:$0x2];
	[bflag:$0x3] =	sbarrier.arrive $0xFFFF;
	s2 =	simm.s32 @!p0 $0x1C09  }
0x9f: {  	[timem:s3], [sflag:s2] =	dma.local @!p0 [hbm:s0], s1  }
0xa0: {  	s0 =	simm.s32 @!p0 $0x9  }
0xa1: {  	_ =	swait.ge @!p0 [sflag:s0], s1  }
0xa2: {  	s1 =	ssub.s32 @!p0 $0x0, s1;
	[sflag:s0] =	ssyncset.done @!p0 $0x0  }
0xa3: {  	[sflag:s0] =	ssyncadd.s32 @!p0 s1  }
0xa4: {  	[bflag:$0x3] =	sbarrier.arrive $0xFFFF  }
0xa5: {  	_ =	shalt  }

// kernel: kernel.16.cloned.1.call-start
scs
__scs_entry_jumppad:
0x0: {  	(pc) =	sbr.rel $0x88, $3  }
0x1: {  	(tag) =	ssettag $0x0;
	lr =	simm.s32 $0x1  }
0x2: {  	[smem:$0x3F8A] =	sst lr;
	_ =	strace $0xD0000000  }
0x3: {  	_ = 	snop  }
0x4: {  	_ = 	snop  }
0x5: {  	_ = 	snop  }
0x6: {  	_ = 	snop  }
0x7: {  	_ = 	snop  }
__scs_overlays_trampoline_lowered:
0x8: {  	[smem:$0x3F99] =	sst s0  }
0x9: {  	[smem:$0x3F9A] =	sst s1  }
0xa: {  	[smem:$0x3F9B] =	sst s2  }
0xb: {  	[smem:$0x3F9C] =	sst s3  }
0xc: {  	[smem:$0x3F9D] =	sst s4  }
0xd: {  	[smem:$0x3F9E] =	sst s5  }
0xe: {  	[smem:$0x3F9F] =	sst s6  }
0xf: {  	[smem:$0x3FA0] =	sst s7  }
0x10: {  	[smem:$0x3FA1] =	sst s8  }
0x11: {  	[smem:$0x3FA2] =	sst s9;
	s0 =	simm.s32 @!p0 $0x0  }
0x12: {  	s1 =	sld [smem:$0x3F88];
	s0 =	simm.s32 @p0 $0x1  }
0x13: {  	[smem:$0x3FA3] =	sst s0;
	s0 =	simm.s32 @!p1 $0x0  }
0x14: {  	s2 =	sld [smem:$0x3F87];
	s0 =	simm.s32 @p1 $0x1  }
0x15: {  	[smem:$0x3FA4] =	sst s0;
	s0 =	simm.s32 @!p2 $0x0  }
0x16: {  	s3 =	sld [smem:$0x3FDB];
	s0 =	simm.s32 @p2 $0x1  }
0x17: {  	s4 =	simm.s32 $0x1BF5;
	[smem:$0x3FA6] =	sst s0  }
0x18: {  	s0 =	sld [smem:$0x3F89];
	_ =	swait.ge [sflag:s4], $0x0  }
0x19: {  	s7 =	sld [smem:$0x3F8A]  }
0x1a: {  	s8 =	sadd.s32 $0xFFFFE003, lr  }
0x1b: {  	s9 =	sadd.s32 $0xFFFFFEF7, lr;
	s5 =	simm.s32 $0xFFFFFFFF;
	p2 =	slt.u32 s8, $0xFFFFF086  }
0x1c: {  	p1 =	slt.u32 s9, $0xF7A;
	s5 =	simm.s32 @!p2 $0x0  }
0x1d: {  	s5 =	simm.s32 @p1 $0x1;
	p0 =	seq.s32 s7, s2  }
0x1e: {  	s7 =	smul.u32 @!p0 $0xF7A, s2;
	p2 =	seq.s32 @!p0 s5, $0x0  }
0x1f: {  	s9 =	smul.u32 $0xF7A, s1;
	s8 =	simm.s32 @!p0 $0x1BF5;
	p2 =	por !p2, p0  }
0x20: {  	[sflag:s8] =	ssyncset.s32 @!p0 $0xFFFFF086;
	s6 =	sadd.s32 @!p0 s3, s7;
	s7 =	simm.s32 @!p0 $0x108  }
0x21: {  	s3 =	sadd.s32 s3, s9;
	s6 =	sadd.s32 @!p0 $0x88, s6;
	s7 =	simm.s32 @p2 $0x1082  }
0x22: {  	[simem:s7], [sflag:s8] =	dma.local @!p0 [hbm:s6], $0xF7A  }
0x23: {  	s9 =	sor.u32 $0xD0000000, s2;
	s6 =	simm.s32 $0x108;
	_ =	swait.ge @!p0 [sflag:s8], $0x0  }
0x24: {  	s3 =	sadd.s32 $0x88, s3;
	s6 =	simm.s32 @!p1 $0x1082;
	[sflag:s4] =	ssyncset.s32 $0xFFFFF086  }
0x25: {  	[simem:s6], [sflag:s4] =	dma.local [hbm:s3], $0xF7A  }
0x26: {  	[smem:$0x3F8A] =	sst s1;
	(tag) =	ssettag s2;
	_ =	strace s9  }
0x27: {  	s1 =	sld [smem:$0x3F9A]  }
0x28: {  	s2 =	sld [smem:$0x3F9B]  }
0x29: {  	s4 =	sld [smem:$0x3F9D]  }
0x2a: {  	p0 =	seq.s32 s5, $0x0;
	s5 =	sld [smem:$0x3F9E]  }
0x2b: {  	s6 =	sld [smem:$0x3F9F]  }
0x2c: {  	s7 =	sld [smem:$0x3FA0]  }
0x2d: {  	s3 =	simm.s32 $0x108;
	s8 =	sld [smem:$0x3FA1]  }
0x2e: {  	s3 =	simm.s32 @!p0 $0x1082;
	s9 =	sld [smem:$0x3FA2]  }
0x2f: {  	lr =	sadd.s32 s0, s3;
	s0 =	sld [smem:$0x3F99]  }
0x30: {  	s3 =	sld [smem:$0x3F9C]  }
0x31: {  	[smem:$0x3FA5] =	sst s10  }
0x32: {  	s10 =	sld [smem:$0x3FA3];
	_ =	sdelay $0x3  }
0x33: {  	p0 =	seq.s32 s10, $0x1;
	s10 =	sld [smem:$0x3FA5];
	_ =	sdelay $0x3  }
0x34: {  	[smem:$0x3FA5] =	sst s10  }
0x35: {  	s10 =	sld [smem:$0x3FA4];
	_ =	sdelay $0x3  }
0x36: {  	p1 =	seq.s32 s10, $0x1;
	s10 =	sld [smem:$0x3FA5];
	_ =	sdelay $0x3  }
0x37: {  	[smem:$0x3FA5] =	sst s10  }
0x38: {  	s10 =	sld [smem:$0x3FA6]  }
0x39: {  	_ = 	snop;
	(pc) =	sbr.ind lr, $3  }
0x3a: {  	_ = 	snop  }
0x3b: {  	_ = 	snop  }
0x3c: {  	p2 =	seq.s32 s10, $0x1;
	s10 =	sld [smem:$0x3FA5]  }
0x3d: {  	_ =	shalt  }
0x3e: {  	_ =	shalt  }
0x3f: {  	_ =	shalt  }
0x40: {  	_ =	shalt  }
0x41: {  	_ =	shalt  }
0x42: {  	_ =	shalt  }
0x43: {  	_ =	shalt  }
0x44: {  	_ =	shalt  }
0x45: {  	_ =	shalt  }
0x46: {  	_ =	shalt  }
0x47: {  	_ =	shalt  }
0x48: {  	_ =	shalt  }
0x49: {  	_ =	shalt  }
0x4a: {  	_ =	shalt  }
0x4b: {  	_ =	shalt  }
0x4c: {  	_ =	shalt  }
0x4d: {  	_ =	shalt  }
0x4e: {  	_ =	shalt  }
0x4f: {  	_ =	shalt  }
0x50: {  	_ =	shalt  }
0x51: {  	_ =	shalt  }
0x52: {  	_ =	shalt  }
0x53: {  	_ =	shalt  }
0x54: {  	_ =	shalt  }
0x55: {  	_ =	shalt  }
0x56: {  	_ =	shalt  }
0x57: {  	_ =	shalt  }
0x58: {  	_ =	shalt  }
0x59: {  	_ =	shalt  }
0x5a: {  	_ =	shalt  }
0x5b: {  	_ =	shalt  }
0x5c: {  	_ =	shalt  }
0x5d: {  	_ =	shalt  }
0x5e: {  	_ =	shalt  }
0x5f: {  	_ =	shalt  }
0x60: {  	_ =	shalt  }
0x61: {  	_ =	shalt  }
0x62: {  	_ =	shalt  }
0x63: {  	_ =	shalt  }
0x64: {  	_ =	shalt  }
0x65: {  	_ =	shalt  }
0x66: {  	_ =	shalt  }
0x67: {  	_ =	shalt  }
0x68: {  	_ =	shalt  }
0x69: {  	_ =	shalt  }
0x6a: {  	_ =	shalt  }
0x6b: {  	_ =	shalt  }
0x6c: {  	_ =	shalt  }
0x6d: {  	_ =	shalt  }
0x6e: {  	_ =	shalt  }
0x6f: {  	_ =	shalt  }
0x70: {  	_ =	shalt  }
0x71: {  	_ =	shalt  }
0x72: {  	_ =	shalt  }
0x73: {  	_ =	shalt  }
0x74: {  	_ =	shalt  }
0x75: {  	_ =	shalt  }
0x76: {  	_ =	shalt  }
0x77: {  	_ =	shalt  }
0x78: {  	_ =	shalt  }
0x79: {  	_ =	shalt  }
0x7a: {  	_ =	shalt  }
0x7b: {  	_ =	shalt  }
0x7c: {  	_ =	shalt  }
0x7d: {  	_ =	shalt  }
0x7e: {  	_ =	shalt  }
0x7f: {  	_ =	shalt  }
0x80: {  	_ =	shalt  }
0x81: {  	_ =	shalt  }
0x82: {  	_ =	shalt  }
0x83: {  	_ =	shalt  }
0x84: {  	_ =	shalt  }
0x85: {  	_ =	shalt  }
0x86: {  	_ =	shalt  }
0x87: {  	_ =	shalt  }
.Lfunc_end0:
.L_simem_size_0:
called_computation.2_lowered:
.L_overlay_start_0:
0x88: {  	s2 =	sld [smem:$0x3FD9]  }
0x89: {  	s3 =	sld [smem:$0x3FFE];
	_ =	sdelay $0x1  }
0x8a: {  	s1 =	srdreg.scid  }
0x8b: {  	s0 =	sand.u32 $0x1, s1  }
0x8c: {  	s16 =	sshll.u32 s0, $0xA;
	s2 =	sadd.s32 s3, s2  }
0x8d: {  	s2 =	sadd.s32 s2, s16  }
0x8e: {  	[smem:$0x3FB1] =	sst s2  }
0x8f: {  	_ = 	snop  }
0x90: {  	(tm) =	ssettm $0x1  }
0x91: {  	s17 =	sld [smem:$0x3FFB];
	_ =	sdelay $0x3  }
0x92: {  	_ =	strace s17  }
0x93: {  	s2 =	sld [smem:$0x3FFC];
	_ =	sdelay $0x3  }
0x94: {  	_ =	strace s2  }
0x95: {  	s2 =	sld [smem:$0x3FFD];
	_ =	sdelay $0x3  }
0x96: {  	_ =	strace s2  }
0x97: {  	_ =	strace $0x8FFFFFFF  }
0x98: {  	s18 =	sld [smem:$0x3FDB];
	_ =	sdelay $0x1  }
0x99: {  	s19 =	simm.s32 $_scs_section_size  }
0x9a: {  	s4 =	simm.s32 $_size__tile_overlayer_lowered;
	s5 =	simm.s32 $_tile_overlayer_lowered  }
0x9b: {  	s22 =	simm.s32 $0x1BFF;
	s21 =	sshll.u32 s5, $0x1;
	s2 =	sadd.s32 s19, s18  }
0x9c: {  	s6 =	simm.s32 $0x0;
	s20 =	sshll.u32 s4, $0x1;
	s4 =	sadd.s32 s21, s2  }
0x9d: {  	[timem:s6], [sflag:s22] =	dma.local [hbm:s4], s20  }
0x9e: {  	_ =	swait.ge [sflag:s22], s20  }
0x9f: {  	s3 =	ssub.s32 $0x0, s20;
	[sflag:s22] =	ssyncset.done $0x0  }
0xa0: {  	[sflag:s22] =	ssyncadd.s32 s3;
	_ =	sdelay $0x1  }
0xa1: {  	s23 =	simm.s32 $0x1B8B  }
0xa2: {  	_ =	swait.ge [sflag:s23], $0x1  }
0xa3: {  	[sflag:s23] =	ssyncset.done $0x0  }
0xa4: {  	s25 =	simm.s32 $0x1B8E;
	s24 =	sld [smem:$0x3FFE];
	[sflag:s23] =	ssyncadd.s32 $0xFFFFFFFF  }
0xa5: {  	s26 =	simm.s32 $execute0_lowered;
	[smem:$0x3FD2] =	sst s25  }
0xa6: {  	s4 =	sshll.u32 s26, $0x1;
	_ =	strace $0x8000004C;
	[dreg:$0x1] =	wrdreg $0xFFFFFFFF  }
0xa7: {  	s28 =	simm.s32 $_size_execute0_lowered;
	s2 =	sadd.s32 s2, s4;
	[dreg:$0x0] =	wrdreg $0x0  }
0xa8: {  	s4 =	sshll.u32 s28, $0x1;
	[dreg:$0x2] =	wrdreg s2  }
0xa9: {  	[dreg:$0x3] =	wrdreg s4  }
0xaa: {  	[dreg:$0x4] =	wrdreg $0xC0  }
0xab: {  	_ =	task [dreg:s6], $0x5FFFF  }
0xac: {  	[dreg:$0x1] =	wrdreg $0xFFFFFFFF  }
0xad: {  	[dreg:$0x0] =	wrdreg $0x60  }
0xae: {  	[dreg:$0x2] =	wrdreg s24  }
0xaf: {  	[dreg:$0x3] =	wrdreg $0xA0000  }
0xb0: {  	[dreg:$0x4] =	wrdreg $0x9  }
0xb1: {  	_ =	task.clear_ibuf [dreg:s6], $0x5FFFF;
	_ =	strace $0x9000004C  }
0xb2: {  	s29 =	simm.s32 $0x9;
	_ =	strace $0x8000004E  }
0xb3: {  	_ =	swait.ge [sflag:s29], $0x1  }
0xb4: {  	[sflag:s29] =	ssyncadd.s32 $0xFFFFFFFF  }
0xb5: {  	_ =	strace $0x9000004E  }
0xb6: {  	_ =	sfence  }
0xb7: {  	s30 =	sld [smem:$0x0];
	_ =	sdelay $0x2  }
0xb8: {  	s31 =	sshll.u32 s1, $0xD;
	s1 =	sshrl.u32 s1, $0x2  }
0xb9: {  	s3 =	sand.u32 $0x4000, s31;
	s1 =	sadd.s32 s1, s30  }
0xba: {  	s0 =	sor.u32 s3, s0;
	s1 =	sshll.u32 s1, $0x11  }
0xbb: {  	s0 =	sor.u32 s1, s0  }
0xbc: {  	s0 =	sadd.s32 $0x8F2B, s0  }
0xbd: {  	[sflag:s0] =	ssyncadd.remote.s32 $0x1  }
0xbe: {  	_ =	sfence.sel $0xFFFF  }
0xbf: {  	[dreg:$0x0] =	wrdreg $0xFFFFFFFF;
	(pc) =	sbr.abs _section_cstart, $3  }
0xc0: {  	[dreg:$0x1] =	wrdreg $0xFFFFFFFF  }
0xc1: {  	_ =	task.clear_ibuf [dreg:s6], $0x2FFFF;
	_ =	strace $0x9FFFFFFF  }
0xc2: {  	(tm) =	ssettm $0x7FFFFFFF  }
0xc3: {  	_ =	shalt  }
tec
execute0_lowered:
.L_overlay_start_1:
0x0: {  	(tag) =	ssettag $0x1  }
0x1: {  	s0 =	rddreg [dreg:$0x0]  }
0x2: {  	s2 =	rddreg [dreg:$0x1];
	s1 =	stileid.u32  }
0x3: {  	s4 =	srdreg.scid;
	s3 =	simm.s32 $0x0;
	s14 =	simm.s32 $0x1000  }
0x4: {  	s15 =	simm.s32 $0x40;
	s16 =	simm.s32 $0x2000;
	s17 =	simm.s32 $0x4000  }
0x5: {  	s18 =	simm.s32 $0x6000;
	s19 =	simm.s32 $0x8000;
	s20 =	simm.s32 $0x1  }
0x6: {  	s21 =	simm.s32 $0x2;
	s22 =	simm.s32 $0x3;
	s23 =	simm.s32 $0x4  }
0x7: {  	s28 =	simm.s32 $0x8;
	s7 =	smul.u32 $0x14000, s1;
	s8 =	sand.u32 $0x1, s4  }
0x8: {  	[smem:$0x7FF] =	sst s3;
	s4 =	sadd.s32 $0x69800, s0;
	s5 =	sadd.s32 $0x41800, s0  }
0x9: {  	s6 =	sadd.s32 $0x19800, s0;
	s11 =	smul.u32 $0x50000, s1;
	s26 =	sshll.u32 s1, $0x1  }
0xa: {  	s31 =	sshll.u32 s1, $0x6;
	s9 =	smul.u32 $0x140000, s8;
	_ =	strace $0x8000004D  }
0xb: {  	s24 =	ssub.s32 $0x2, s8;
	s30 =	sor.u32 s8, s26;
	s8 =	sor.u32 $0x1C09, s31  }
0xc: {  	s26 =	simm.s32 $0x7;
	s10 =	sshrl.u32 s7, $0x3;
	s25 =	sshrl.u32 s24, $0x1  }
0xd: {  	s29 =	sshrl.u32 s11, $0x2;
	s7 =	sadd.s32 s7, s9;
	s10 =	sadd.s32 s10, s0  }
0xe: {  	s12 =	ssub.s32 s24, s25;
	s13 =	sadd.s32 s29, s2;
	s9 =	smul.u32 $0xA000, s30  }
0xf: {  	s24 =	simm.s32 $0x5;
	s25 =	simm.s32 $0x6;
	s7 =	sshrl.u32 s7, $0x3  }
0x10: {  	s11 =	smax.u32 s12, $0x1;
	s12 =	sshrl.u32 s13, $0x3;
	s0 =	sadd.s32 s7, s0  }
0x11: {  	s13 =	simm.s32 $0x9;
	s7 =	sadd.s32 $0x91800, s10;
	s10 =	sadd.s32 $0xE1800, s0  }
.LBB2_1:
0x12: {  	[spmem:s12], [sflag:s8] =	dma.local [hbm:s7], $0x2800  }
0x13: {  	_ =	swait.ge [sflag:s13], $0x2800  }
0x14: {  	[sflag:s13] =	ssyncset.done $0x0  }
0x15: {  	[sflag:s13] =	ssyncadd.s32 $0xFFFFD800  }
0x16: {  	s29 =	simm.s32 $0x0;
	[bflag:$0x0] =	sbarrier.arrive $0xFFFF  }
.LBB2_2:
0x17: {  	s0 =	sshll.u32 s29, $0xC  }
0x18: {  	s0 =	sadd.s32 s9, s0  }
0x19: {  	s0 =	sshrl.u32 s0, $0x3  }
0x1a: {  	s31 =	simm.s32 $0x0;
	s30 =	sadd.s32 s5, s0  }
0x1b: {  	[tilespmem:s31], [sflag:$0x9] =	stream.linear.gather [hbm4b:s30+s31], $0x1000, $0x38;
	[tilespmem:$0x1E000] =	vst v63  }
0x1c: {  	_ =	swait.ge [sflag:s13], $0x1000  }
0x1d: {  	[sflag:s13] =	ssyncset.done $0x0  }
0x1e: {  	s0 =	sadd.s32 s6, s0;
	[sflag:s13] =	ssyncadd.s32 $0xFFFFF000  }
0x1f: {  	[tilespmem:s14], [sflag:$0x9] =	stream.linear.gather [hbm4b:s0+s31], $0x1000, $0x38;
	[tilespmem:$0x1E000] =	vst v63  }
0x20: {  	_ =	swait.ge [sflag:s13], $0x1000  }
0x21: {  	[sflag:s13] =	ssyncset.done $0x0  }
0x22: {  	s1 =	simm.s32 $0x0;
	[sflag:s13] =	ssyncadd.s32 $0xFFFFF000  }
0x23: {  	[tilespmem:s16], [sflag:$0x1] =	stream.indirect.gather [hbm4b:s4+s15], $0x80, s1, s15, $0xb8;
	[tilespmem:$0x1E000] =	vst v63  }
0x24: {  	s1 =	simm.s32 $0x80  }
0x25: {  	[tilespmem:s17], [sflag:$0x2] =	stream.indirect.gather [hbm4b:s4+s15], $0x80, s1, s15, $0xb8;
	[tilespmem:$0x1E000] =	vst v63  }
0x26: {  	s1 =	simm.s32 $0x100  }
0x27: {  	[tilespmem:s18], [sflag:$0x3] =	stream.indirect.gather [hbm4b:s4+s15], $0x80, s1, s15, $0xb8;
	[tilespmem:$0x1E000] =	vst v63  }
0x28: {  	s1 =	simm.s32 $0x180  }
0x29: {  	[tilespmem:s19], [sflag:$0x4] =	stream.indirect.gather [hbm4b:s4+s15], $0x80, s1, s15, $0xb8;
	[tilespmem:$0x1E000] =	vst v63  }
0x2a: {  	_ =	swait.ge [sflag:s20], $0x2000  }
0x2b: {  	[sflag:s20] =	ssyncset.done $0x0  }
0x2c: {  	s1 =	simm.s32 $0x1000;
	[sflag:s20] =	ssyncadd.s32 $0xFFFFE000  }
0x2d: {  	[spmem:s2] =	stream.indirect.scatter.add.f32 [tilespmem:s16], [sflag:$0x5], $0x80, s1, s15, $0xb8;
	[tilespmem:$0x1E000] =	vst v63  }
0x2e: {  	_ =	swait.ge [sflag:s21], $0x2000  }
0x2f: {  	[sflag:s21] =	ssyncset.done $0x0  }
0x30: {  	s1 =	simm.s32 $0x1080;
	[sflag:s21] =	ssyncadd.s32 $0xFFFFE000  }
0x31: {  	[spmem:s2] =	stream.indirect.scatter.add.f32 [tilespmem:s17], [sflag:$0x6], $0x80, s1, s15, $0xb8;
	[tilespmem:$0x1E000] =	vst v63  }
0x32: {  	_ =	swait.ge [sflag:s22], $0x2000  }
0x33: {  	[sflag:s22] =	ssyncset.done $0x0  }
0x34: {  	s1 =	simm.s32 $0x1100;
	[sflag:s22] =	ssyncadd.s32 $0xFFFFE000  }
0x35: {  	[spmem:s2] =	stream.indirect.scatter.add.f32 [tilespmem:s18], [sflag:$0x7], $0x80, s1, s15, $0xb8;
	[tilespmem:$0x1E000] =	vst v63  }
0x36: {  	_ =	swait.ge [sflag:s23], $0x2000  }
0x37: {  	[sflag:s23] =	ssyncset.done $0x0  }
0x38: {  	s1 =	simm.s32 $0x1180;
	[sflag:s23] =	ssyncadd.s32 $0xFFFFE000  }
0x39: {  	[spmem:s2] =	stream.indirect.scatter.add.f32 [tilespmem:s19], [sflag:$0x8], $0x80, s1, s15, $0xb8;
	[tilespmem:$0x1E000] =	vst v63  }
0x3a: {  	_ =	swait.ge [sflag:s24], $0x2000  }
0x3b: {  	[sflag:s24] =	ssyncset.done $0x0  }
0x3c: {  	[sflag:s24] =	ssyncadd.s32 $0xFFFFE000  }
0x3d: {  	_ =	swait.ge [sflag:s25], $0x2000  }
0x3e: {  	[sflag:s25] =	ssyncset.done $0x0  }
0x3f: {  	[sflag:s25] =	ssyncadd.s32 $0xFFFFE000  }
0x40: {  	_ =	swait.ge [sflag:s26], $0x2000  }
0x41: {  	[sflag:s26] =	ssyncset.done $0x0  }
0x42: {  	[sflag:s26] =	ssyncadd.s32 $0xFFFFE000  }
0x43: {  	_ =	swait.ge [sflag:s28], $0x2000  }
0x44: {  	s30 =	simm.s32 $0x800;
	s31 =	simm.s32 $0x1000;
	[sflag:s28] =	ssyncset.done $0x0  }
.LBB2_3:
0x45: {  	s1 =	sshra.s32 s30, $0x2  }
0x46: {  	[sflag:s28] =	ssyncadd.s32 $0xFFFFE000;
	s30 =	smov.u32 s31;
	s0 =	sadd.s32 $0x800, s31  }
0x47: {  	[tilespmem:s16], [sflag:$0x1] =	stream.indirect.gather [hbm4b:s4+s15], $0x80, s1, s15, $0xb8;
	[tilespmem:$0x1E000] =	vst v63  }
0x48: {  	p0 =	sne.s32 s31, $0x3800;
	s31 =	sadd.s32 $0x80, s1  }
0x49: {  	[tilespmem:s17], [sflag:$0x2] =	stream.indirect.gather [hbm4b:s4+s15], $0x80, s31, s15, $0xb8;
	[tilespmem:$0x1E000] =	vst v63  }
0x4a: {  	s31 =	sadd.s32 $0x100, s1  }
0x4b: {  	[tilespmem:s18], [sflag:$0x3] =	stream.indirect.gather [hbm4b:s4+s15], $0x80, s31, s15, $0xb8;
	[tilespmem:$0x1E000] =	vst v63  }
0x4c: {  	s31 =	sadd.s32 $0x180, s1  }
0x4d: {  	[tilespmem:s19], [sflag:$0x4] =	stream.indirect.gather [hbm4b:s4+s15], $0x80, s31, s15, $0xb8;
	[tilespmem:$0x1E000] =	vst v63  }
0x4e: {  	_ =	swait.ge [sflag:s20], $0x2000  }
0x4f: {  	[sflag:s20] =	ssyncset.done $0x0  }
0x50: {  	s31 =	sadd.s32 $0x1000, s1;
	[sflag:s20] =	ssyncadd.s32 $0xFFFFE000  }
0x51: {  	[spmem:s2] =	stream.indirect.scatter.add.f32 [tilespmem:s16], [sflag:$0x5], $0x80, s31, s15, $0xb8;
	[tilespmem:$0x1E000] =	vst v63  }
0x52: {  	_ =	swait.ge [sflag:s21], $0x2000  }
0x53: {  	[sflag:s21] =	ssyncset.done $0x0  }
0x54: {  	s31 =	sadd.s32 $0x1080, s1;
	[sflag:s21] =	ssyncadd.s32 $0xFFFFE000  }
0x55: {  	[spmem:s2] =	stream.indirect.scatter.add.f32 [tilespmem:s17], [sflag:$0x6], $0x80, s31, s15, $0xb8;
	[tilespmem:$0x1E000] =	vst v63  }
0x56: {  	_ =	swait.ge [sflag:s22], $0x2000  }
0x57: {  	[sflag:s22] =	ssyncset.done $0x0  }
0x58: {  	s31 =	sadd.s32 $0x1100, s1;
	[sflag:s22] =	ssyncadd.s32 $0xFFFFE000  }
0x59: {  	[spmem:s2] =	stream.indirect.scatter.add.f32 [tilespmem:s18], [sflag:$0x7], $0x80, s31, s15, $0xb8;
	[tilespmem:$0x1E000] =	vst v63  }
0x5a: {  	_ =	swait.ge [sflag:s23], $0x2000  }
0x5b: {  	[sflag:s23] =	ssyncset.done $0x0  }
0x5c: {  	s1 =	sadd.s32 $0x1180, s1;
	[sflag:s23] =	ssyncadd.s32 $0xFFFFE000  }
0x5d: {  	[spmem:s2] =	stream.indirect.scatter.add.f32 [tilespmem:s19], [sflag:$0x8], $0x80, s1, s15, $0xb8;
	[tilespmem:$0x1E000] =	vst v63  }
0x5e: {  	_ =	swait.ge [sflag:s24], $0x2000  }
0x5f: {  	[sflag:s24] =	ssyncset.done $0x0  }
0x60: {  	[sflag:s24] =	ssyncadd.s32 $0xFFFFE000  }
0x61: {  	_ =	swait.ge [sflag:s25], $0x2000  }
0x62: {  	[sflag:s25] =	ssyncset.done $0x0  }
0x63: {  	[sflag:s25] =	ssyncadd.s32 $0xFFFFE000  }
.Ltmp0:
0x64: {  	_ =	swait.ge [sflag:s26], $0x2000;
	(pc) =	sbr.rel @p0 .LBB2_3-.Ltmp0, $4  }
0x65: {  	[sflag:s26] =	ssyncset.done $0x0  }
0x66: {  	[sflag:s26] =	ssyncadd.s32 $0xFFFFE000  }
0x67: {  	_ =	swait.ge [sflag:s28], $0x2000  }
0x68: {  	s31 =	smov.u32 s0;
	[sflag:s28] =	ssyncset.done $0x0  }
0x69: {  	s0 =	sshra.s32 s30, $0x2;
	[sflag:s28] =	ssyncadd.s32 $0xFFFFE000  }
0x6a: {  	[tilespmem:s16], [sflag:$0x1] =	stream.indirect.gather [hbm4b:s4+s15], $0x80, s0, s15, $0xb8;
	[tilespmem:$0x1E000] =	vst v63  }
0x6b: {  	s1 =	sadd.s32 $0x80, s0  }
0x6c: {  	[tilespmem:s17], [sflag:$0x2] =	stream.indirect.gather [hbm4b:s4+s15], $0x80, s1, s15, $0xb8;
	[tilespmem:$0x1E000] =	vst v63  }
0x6d: {  	s31 =	sadd.s32 $0x100, s0  }
0x6e: {  	[tilespmem:s18], [sflag:$0x3] =	stream.indirect.gather [hbm4b:s4+s15], $0x80, s31, s15, $0xb8;
	[tilespmem:$0x1E000] =	vst v63  }
0x6f: {  	s30 =	sadd.s32 $0x180, s0  }
0x70: {  	[tilespmem:s19], [sflag:$0x4] =	stream.indirect.gather [hbm4b:s4+s15], $0x80, s30, s15, $0xb8;
	[tilespmem:$0x1E000] =	vst v63  }
0x71: {  	_ =	swait.ge [sflag:s20], $0x2000  }
0x72: {  	[sflag:s20] =	ssyncset.done $0x0  }
0x73: {  	s31 =	sadd.s32 $0x1000, s0;
	[sflag:s20] =	ssyncadd.s32 $0xFFFFE000  }
0x74: {  	[spmem:s2] =	stream.indirect.scatter.add.f32 [tilespmem:s16], [sflag:$0x5], $0x80, s31, s15, $0xb8;
	[tilespmem:$0x1E000] =	vst v63  }
0x75: {  	_ =	swait.ge [sflag:s21], $0x2000  }
0x76: {  	[sflag:s21] =	ssyncset.done $0x0  }
0x77: {  	s30 =	sadd.s32 $0x1080, s0;
	[sflag:s21] =	ssyncadd.s32 $0xFFFFE000  }
0x78: {  	[spmem:s2] =	stream.indirect.scatter.add.f32 [tilespmem:s17], [sflag:$0x6], $0x80, s30, s15, $0xb8;
	[tilespmem:$0x1E000] =	vst v63  }
0x79: {  	_ =	swait.ge [sflag:s22], $0x2000  }
0x7a: {  	[sflag:s22] =	ssyncset.done $0x0  }
0x7b: {  	s31 =	sadd.s32 $0x1100, s0;
	[sflag:s22] =	ssyncadd.s32 $0xFFFFE000  }
0x7c: {  	[spmem:s2] =	stream.indirect.scatter.add.f32 [tilespmem:s18], [sflag:$0x7], $0x80, s31, s15, $0xb8;
	[tilespmem:$0x1E000] =	vst v63  }
0x7d: {  	_ =	swait.ge [sflag:s23], $0x2000  }
0x7e: {  	[sflag:s23] =	ssyncset.done $0x0  }
0x7f: {  	s0 =	sadd.s32 $0x1180, s0;
	[sflag:s23] =	ssyncadd.s32 $0xFFFFE000  }
0x80: {  	[spmem:s2] =	stream.indirect.scatter.add.f32 [tilespmem:s19], [sflag:$0x8], $0x80, s0, s15, $0xb8;
	[tilespmem:$0x1E000] =	vst v63  }
0x81: {  	_ =	swait.ge [sflag:s24], $0x2000  }
0x82: {  	[sflag:s24] =	ssyncset.done $0x0  }
0x83: {  	[sflag:s24] =	ssyncadd.s32 $0xFFFFE000  }
0x84: {  	_ =	swait.ge [sflag:s25], $0x2000  }
0x85: {  	[sflag:s25] =	ssyncset.done $0x0  }
0x86: {  	s29 =	sadd.s32 $0x1, s29;
	[sflag:s25] =	ssyncadd.s32 $0xFFFFE000  }
0x87: {  	p0 =	sne.s32 s29, $0xA;
	_ =	swait.ge [sflag:s26], $0x2000  }
.Ltmp1:
0x88: {  	[sflag:s26] =	ssyncset.done $0x0;
	(pc) =	sbr.rel @p0 .LBB2_2-.Ltmp1, $4  }
0x89: {  	[sflag:s26] =	ssyncadd.s32 $0xFFFFE000  }
0x8a: {  	_ =	swait.ge [sflag:s28], $0x2000  }
0x8b: {  	[sflag:s28] =	ssyncset.done $0x0  }
0x8c: {  	[sflag:s28] =	ssyncadd.s32 $0xFFFFE000  }
0x8d: {  	s3 =	sadd.s32 $0x1, s3  }
0x8e: {  	p0 =	sne.s32 s3, s11  }
.Ltmp2:
0x8f: {  	[bflag:$0x0] =	sbarrier.arrive $0xFFFF;
	(pc) =	sbr.rel @p0 .LBB2_1-.Ltmp2, $4  }
0x90: {  	[hbm:s10], [sflag:s8] =	dma.local [spmem:s12], $0x2800  }
0x91: {  	_ =	swait.ge [sflag:s13], $0x2800  }
0x92: {  	[sflag:s13] =	ssyncset.done $0x0  }
0x93: {  	[sflag:s13] =	ssyncadd.s32 $0xFFFFD800  }
0x94: {  	_ =	sfence.sel $0x180000  }
0x95: {  	[bflag:$0x0] =	sbarrier.arrive $0xFFFF  }
0x96: {  	_ =	strace $0x9000004D  }
0x97: {  	s0 =	stileid.u32;
	[bflag:$0x2] =	sbarrier.arrive $0xFFFF  }
0x98: {  	p0 =	sne.s32 s0, $0x0;
	s0 =	rddreg [dreg:$0x2]  }
0x99: {  	s0 =	sadd.s32 @!p0 $0x100000, s0  }
0x9a: {  	[sflag:s0] =	ssyncadd.tile.s32 @!p0 $0x1;
	_ =	shalt  }
.Lfunc_end2:
_tile_overlayer_lowered:
.L_overlay_start_2:
0x9b: {  	(tag) =	ssettag $0x2  }
0x9c: {  	s0 =	rddreg [dreg:$0x0];
	s2 =	stileid.u32  }
0x9d: {  	s1 =	rddreg [dreg:$0x1];
	p0 =	sne.s32 s2, $0x0  }
0x9e: {  	s3 =	rddreg [dreg:$0x2];
	[bflag:$0x3] =	sbarrier.arrive $0xFFFF;
	s2 =	simm.s32 @!p0 $0x1C09  }
0x9f: {  	[timem:s3], [sflag:s2] =	dma.local @!p0 [hbm:s0], s1  }
0xa0: {  	s0 =	simm.s32 @!p0 $0x9  }
0xa1: {  	_ =	swait.ge @!p0 [sflag:s0], s1  }
0xa2: {  	s1 =	ssub.s32 @!p0 $0x0, s1;
	[sflag:s0] =	ssyncset.done @!p0 $0x0  }
0xa3: {  	[sflag:s0] =	ssyncadd.s32 @!p0 s1  }
0xa4: {  	[bflag:$0x3] =	sbarrier.arrive $0xFFFF  }
0xa5: {  	_ =	shalt  }

// kernel: kernel.19.cloned.1.call-start
scs
__scs_entry_jumppad:
0x0: {  	(pc) =	sbr.rel $0x88, $3  }
0x1: {  	(tag) =	ssettag $0x0;
	lr =	simm.s32 $0x1  }
0x2: {  	[smem:$0x3F8A] =	sst lr;
	_ =	strace $0xD0000000  }
0x3: {  	_ = 	snop  }
0x4: {  	_ = 	snop  }
0x5: {  	_ = 	snop  }
0x6: {  	_ = 	snop  }
0x7: {  	_ = 	snop  }
__scs_overlays_trampoline_lowered:
0x8: {  	[smem:$0x3F99] =	sst s0  }
0x9: {  	[smem:$0x3F9A] =	sst s1  }
0xa: {  	[smem:$0x3F9B] =	sst s2  }
0xb: {  	[smem:$0x3F9C] =	sst s3  }
0xc: {  	[smem:$0x3F9D] =	sst s4  }
0xd: {  	[smem:$0x3F9E] =	sst s5  }
0xe: {  	[smem:$0x3F9F] =	sst s6  }
0xf: {  	[smem:$0x3FA0] =	sst s7  }
0x10: {  	[smem:$0x3FA1] =	sst s8  }
0x11: {  	[smem:$0x3FA2] =	sst s9;
	s0 =	simm.s32 @!p0 $0x0  }
0x12: {  	s1 =	sld [smem:$0x3F88];
	s0 =	simm.s32 @p0 $0x1  }
0x13: {  	[smem:$0x3FA3] =	sst s0;
	s0 =	simm.s32 @!p1 $0x0  }
0x14: {  	s2 =	sld [smem:$0x3F87];
	s0 =	simm.s32 @p1 $0x1  }
0x15: {  	[smem:$0x3FA4] =	sst s0;
	s0 =	simm.s32 @!p2 $0x0  }
0x16: {  	s3 =	sld [smem:$0x3FDB];
	s0 =	simm.s32 @p2 $0x1  }
0x17: {  	s4 =	simm.s32 $0x1BF5;
	[smem:$0x3FA6] =	sst s0  }
0x18: {  	s0 =	sld [smem:$0x3F89];
	_ =	swait.ge [sflag:s4], $0x0  }
0x19: {  	s7 =	sld [smem:$0x3F8A]  }
0x1a: {  	s8 =	sadd.s32 $0xFFFFE003, lr  }
0x1b: {  	s9 =	sadd.s32 $0xFFFFFEF7, lr;
	s5 =	simm.s32 $0xFFFFFFFF;
	p2 =	slt.u32 s8, $0xFFFFF086  }
0x1c: {  	p1 =	slt.u32 s9, $0xF7A;
	s5 =	simm.s32 @!p2 $0x0  }
0x1d: {  	s5 =	simm.s32 @p1 $0x1;
	p0 =	seq.s32 s7, s2  }
0x1e: {  	s7 =	smul.u32 @!p0 $0xF7A, s2;
	p2 =	seq.s32 @!p0 s5, $0x0  }
0x1f: {  	s9 =	smul.u32 $0xF7A, s1;
	s8 =	simm.s32 @!p0 $0x1BF5;
	p2 =	por !p2, p0  }
0x20: {  	[sflag:s8] =	ssyncset.s32 @!p0 $0xFFFFF086;
	s6 =	sadd.s32 @!p0 s3, s7;
	s7 =	simm.s32 @!p0 $0x108  }
0x21: {  	s3 =	sadd.s32 s3, s9;
	s6 =	sadd.s32 @!p0 $0x88, s6;
	s7 =	simm.s32 @p2 $0x1082  }
0x22: {  	[simem:s7], [sflag:s8] =	dma.local @!p0 [hbm:s6], $0xF7A  }
0x23: {  	s9 =	sor.u32 $0xD0000000, s2;
	s6 =	simm.s32 $0x108;
	_ =	swait.ge @!p0 [sflag:s8], $0x0  }
0x24: {  	s3 =	sadd.s32 $0x88, s3;
	s6 =	simm.s32 @!p1 $0x1082;
	[sflag:s4] =	ssyncset.s32 $0xFFFFF086  }
0x25: {  	[simem:s6], [sflag:s4] =	dma.local [hbm:s3], $0xF7A  }
0x26: {  	[smem:$0x3F8A] =	sst s1;
	(tag) =	ssettag s2;
	_ =	strace s9  }
0x27: {  	s1 =	sld [smem:$0x3F9A]  }
0x28: {  	s2 =	sld [smem:$0x3F9B]  }
0x29: {  	s4 =	sld [smem:$0x3F9D]  }
0x2a: {  	p0 =	seq.s32 s5, $0x0;
	s5 =	sld [smem:$0x3F9E]  }
0x2b: {  	s6 =	sld [smem:$0x3F9F]  }
0x2c: {  	s7 =	sld [smem:$0x3FA0]  }
0x2d: {  	s3 =	simm.s32 $0x108;
	s8 =	sld [smem:$0x3FA1]  }
0x2e: {  	s3 =	simm.s32 @!p0 $0x1082;
	s9 =	sld [smem:$0x3FA2]  }
0x2f: {  	lr =	sadd.s32 s0, s3;
	s0 =	sld [smem:$0x3F99]  }
0x30: {  	s3 =	sld [smem:$0x3F9C]  }
0x31: {  	[smem:$0x3FA5] =	sst s10  }
0x32: {  	s10 =	sld [smem:$0x3FA3];
	_ =	sdelay $0x3  }
0x33: {  	p0 =	seq.s32 s10, $0x1;
	s10 =	sld [smem:$0x3FA5];
	_ =	sdelay $0x3  }
0x34: {  	[smem:$0x3FA5] =	sst s10  }
0x35: {  	s10 =	sld [smem:$0x3FA4];
	_ =	sdelay $0x3  }
0x36: {  	p1 =	seq.s32 s10, $0x1;
	s10 =	sld [smem:$0x3FA5];
	_ =	sdelay $0x3  }
0x37: {  	[smem:$0x3FA5] =	sst s10  }
0x38: {  	s10 =	sld [smem:$0x3FA6]  }
0x39: {  	_ = 	snop;
	(pc) =	sbr.ind lr, $3  }
0x3a: {  	_ = 	snop  }
0x3b: {  	_ = 	snop  }
0x3c: {  	p2 =	seq.s32 s10, $0x1;
	s10 =	sld [smem:$0x3FA5]  }
0x3d: {  	_ =	shalt  }
0x3e: {  	_ =	shalt  }
0x3f: {  	_ =	shalt  }
0x40: {  	_ =	shalt  }
0x41: {  	_ =	shalt  }
0x42: {  	_ =	shalt  }
0x43: {  	_ =	shalt  }
0x44: {  	_ =	shalt  }
0x45: {  	_ =	shalt  }
0x46: {  	_ =	shalt  }
0x47: {  	_ =	shalt  }
0x48: {  	_ =	shalt  }
0x49: {  	_ =	shalt  }
0x4a: {  	_ =	shalt  }
0x4b: {  	_ =	shalt  }
0x4c: {  	_ =	shalt  }
0x4d: {  	_ =	shalt  }
0x4e: {  	_ =	shalt  }
0x4f: {  	_ =	shalt  }
0x50: {  	_ =	shalt  }
0x51: {  	_ =	shalt  }
0x52: {  	_ =	shalt  }
0x53: {  	_ =	shalt  }
0x54: {  	_ =	shalt  }
0x55: {  	_ =	shalt  }
0x56: {  	_ =	shalt  }
0x57: {  	_ =	shalt  }
0x58: {  	_ =	shalt  }
0x59: {  	_ =	shalt  }
0x5a: {  	_ =	shalt  }
0x5b: {  	_ =	shalt  }
0x5c: {  	_ =	shalt  }
0x5d: {  	_ =	shalt  }
0x5e: {  	_ =	shalt  }
0x5f: {  	_ =	shalt  }
0x60: {  	_ =	shalt  }
0x61: {  	_ =	shalt  }
0x62: {  	_ =	shalt  }
0x63: {  	_ =	shalt  }
0x64: {  	_ =	shalt  }
0x65: {  	_ =	shalt  }
0x66: {  	_ =	shalt  }
0x67: {  	_ =	shalt  }
0x68: {  	_ =	shalt  }
0x69: {  	_ =	shalt  }
0x6a: {  	_ =	shalt  }
0x6b: {  	_ =	shalt  }
0x6c: {  	_ =	shalt  }
0x6d: {  	_ =	shalt  }
0x6e: {  	_ =	shalt  }
0x6f: {  	_ =	shalt  }
0x70: {  	_ =	shalt  }
0x71: {  	_ =	shalt  }
0x72: {  	_ =	shalt  }
0x73: {  	_ =	shalt  }
0x74: {  	_ =	shalt  }
0x75: {  	_ =	shalt  }
0x76: {  	_ =	shalt  }
0x77: {  	_ =	shalt  }
0x78: {  	_ =	shalt  }
0x79: {  	_ =	shalt  }
0x7a: {  	_ =	shalt  }
0x7b: {  	_ =	shalt  }
0x7c: {  	_ =	shalt  }
0x7d: {  	_ =	shalt  }
0x7e: {  	_ =	shalt  }
0x7f: {  	_ =	shalt  }
0x80: {  	_ =	shalt  }
0x81: {  	_ =	shalt  }
0x82: {  	_ =	shalt  }
0x83: {  	_ =	shalt  }
0x84: {  	_ =	shalt  }
0x85: {  	_ =	shalt  }
0x86: {  	_ =	shalt  }
0x87: {  	_ =	shalt  }
.Lfunc_end0:
.L_simem_size_0:
called_computation.3_lowered:
.L_overlay_start_0:
0x88: {  	s2 =	sld [smem:$0x3FD9]  }
0x89: {  	s3 =	sld [smem:$0x3FFE];
	_ =	sdelay $0x1  }
0x8a: {  	s1 =	srdreg.scid  }
0x8b: {  	s0 =	sand.u32 $0x1, s1  }
0x8c: {  	s16 =	sshll.u32 s0, $0xA;
	s2 =	sadd.s32 s3, s2  }
0x8d: {  	s2 =	sadd.s32 s2, s16  }
0x8e: {  	[smem:$0x3FB1] =	sst s2  }
0x8f: {  	_ = 	snop  }
0x90: {  	(tm) =	ssettm $0x1  }
0x91: {  	s17 =	sld [smem:$0x3FFB];
	_ =	sdelay $0x3  }
0x92: {  	_ =	strace s17  }
0x93: {  	s2 =	sld [smem:$0x3FFC];
	_ =	sdelay $0x3  }
0x94: {  	_ =	strace s2  }
0x95: {  	s2 =	sld [smem:$0x3FFD];
	_ =	sdelay $0x3  }
0x96: {  	_ =	strace s2  }
0x97: {  	_ =	strace $0x8FFFFFFF  }
0x98: {  	s18 =	sld [smem:$0x3FDB];
	_ =	sdelay $0x1  }
0x99: {  	s19 =	simm.s32 $_scs_section_size  }
0x9a: {  	s4 =	simm.s32 $_size__tile_overlayer_lowered;
	s5 =	simm.s32 $_tile_overlayer_lowered  }
0x9b: {  	s22 =	simm.s32 $0x1BFF;
	s21 =	sshll.u32 s5, $0x1;
	s2 =	sadd.s32 s19, s18  }
0x9c: {  	s6 =	simm.s32 $0x0;
	s20 =	sshll.u32 s4, $0x1;
	s4 =	sadd.s32 s21, s2  }
0x9d: {  	[timem:s6], [sflag:s22] =	dma.local [hbm:s4], s20  }
0x9e: {  	_ =	swait.ge [sflag:s22], s20  }
0x9f: {  	s3 =	ssub.s32 $0x0, s20;
	[sflag:s22] =	ssyncset.done $0x0  }
0xa0: {  	[sflag:s22] =	ssyncadd.s32 s3;
	_ =	sdelay $0x1  }
0xa1: {  	s23 =	simm.s32 $0x1B8B  }
0xa2: {  	_ =	swait.ge [sflag:s23], $0x1  }
0xa3: {  	[sflag:s23] =	ssyncset.done $0x0  }
0xa4: {  	s25 =	simm.s32 $0x1B8E;
	s24 =	sld [smem:$0x3FFE];
	[sflag:s23] =	ssyncadd.s32 $0xFFFFFFFF  }
0xa5: {  	s26 =	simm.s32 $execute0_lowered;
	[smem:$0x3FD2] =	sst s25  }
0xa6: {  	s4 =	sshll.u32 s26, $0x1;
	_ =	strace $0x8000004F;
	[dreg:$0x1] =	wrdreg $0xFFFFFFFF  }
0xa7: {  	s28 =	simm.s32 $_size_execute0_lowered;
	s2 =	sadd.s32 s2, s4;
	[dreg:$0x0] =	wrdreg $0x0  }
0xa8: {  	s4 =	sshll.u32 s28, $0x1;
	[dreg:$0x2] =	wrdreg s2  }
0xa9: {  	[dreg:$0x3] =	wrdreg s4  }
0xaa: {  	[dreg:$0x4] =	wrdreg $0xC0  }
0xab: {  	_ =	task [dreg:s6], $0x5FFFF  }
0xac: {  	[dreg:$0x1] =	wrdreg $0xFFFFFFFF  }
0xad: {  	[dreg:$0x0] =	wrdreg $0x60  }
0xae: {  	[dreg:$0x2] =	wrdreg s24  }
0xaf: {  	[dreg:$0x3] =	wrdreg $0x9  }
0xb0: {  	_ =	task.clear_ibuf [dreg:s6], $0x4FFFF;
	_ =	strace $0x9000004F  }
0xb1: {  	s29 =	simm.s32 $0x9;
	_ =	strace $0x80000051  }
0xb2: {  	_ =	swait.ge [sflag:s29], $0x1  }
0xb3: {  	[sflag:s29] =	ssyncadd.s32 $0xFFFFFFFF  }
0xb4: {  	_ =	strace $0x90000051  }
0xb5: {  	_ =	sfence  }
0xb6: {  	s30 =	sld [smem:$0x0];
	_ =	sdelay $0x2  }
0xb7: {  	s31 =	sshll.u32 s1, $0xD;
	s1 =	sshrl.u32 s1, $0x2  }
0xb8: {  	s3 =	sand.u32 $0x4000, s31;
	s1 =	sadd.s32 s1, s30  }
0xb9: {  	s0 =	sor.u32 s3, s0;
	s1 =	sshll.u32 s1, $0x11  }
0xba: {  	s0 =	sor.u32 s1, s0  }
0xbb: {  	s0 =	sadd.s32 $0x8F2B, s0  }
0xbc: {  	[sflag:s0] =	ssyncadd.remote.s32 $0x1  }
0xbd: {  	_ =	sfence.sel $0xFFFF  }
0xbe: {  	[dreg:$0x0] =	wrdreg $0xFFFFFFFF;
	(pc) =	sbr.abs _section_cstart, $3  }
0xbf: {  	[dreg:$0x1] =	wrdreg $0xFFFFFFFF  }
0xc0: {  	_ =	task.clear_ibuf [dreg:s6], $0x2FFFF;
	_ =	strace $0x9FFFFFFF  }
0xc1: {  	(tm) =	ssettm $0x7FFFFFFF  }
tec
execute0_lowered:
.L_overlay_start_1:
0x0: {  	(tag) =	ssettag $0x1  }
0x1: {  	s1 =	srdreg.scid;
	s0 =	stileid.u32  }
0x2: {  	s5 =	rddreg [dreg:$0x0];
	s2 =	simm.s32 $0x0;
	s15 =	simm.s32 $0xD000  }
0x3: {  	s16 =	simm.s32 $0x11000;
	s17 =	simm.s32 $0x1;
	s18 =	simm.s32 $0x2  }
0x4: {  	s19 =	simm.s32 $0x3;
	s20 =	simm.s32 $0x4;
	s21 =	simm.s32 $0x5  }
0x5: {  	s22 =	simm.s32 $0x6;
	s23 =	simm.s32 $0x7;
	s24 =	simm.s32 $0x8  }
0x6: {  	s25 =	simm.s32 $0x0;
	s8 =	sand.u32 $0x1, s1;
	s1 =	rddreg [dreg:$0x1]  }
0x7: {  	s3 =	sshll.u32 s0, $0x1;
	[smem:$0x7FF] =	sst s2;
	s9 =	smul.u32 $0x280000, s0  }
0x8: {  	s4 =	sadd.s32 $0x41600, s5;
	s10 =	sadd.s32 $0x91600, s5;
	s29 =	smul.u32 $0x50000, s0  }
0x9: {  	s13 =	sadd.s32 $0x591600, s5;
	s3 =	sor.u32 s8, s3;
	s12 =	smul.u32 $0x140000, s8  }
0xa: {  	_ =	strace $0x80000050;
	s7 =	ssub.s32 $0x2, s8;
	s8 =	smul.u32 $0x28000, s8  }
0xb: {  	s6 =	smul.u32 $0x2800, s3;
	s3 =	sadd.s32 $0x19600, s5;
	s11 =	sshrl.u32 s7, $0x1  }
0xc: {  	s14 =	sadd.s32 s29, s10;
	s7 =	ssub.s32 s7, s11;
	s9 =	sadd.s32 s12, s9  }
0xd: {  	s11 =	sadd.s32 s29, s13;
	s31 =	sadd.s32 s8, s14;
	s12 =	simm.s32 $0x80  }
0xe: {  	s14 =	simm.s32 $0x9000;
	s6 =	sshrl.u32 s6, $0x3;
	s7 =	smax.u32 s7, $0x1  }
0xf: {  	s9 =	sshrl.u32 s9, $0x3;
	s11 =	sadd.s32 s8, s11;
	s6 =	sadd.s32 s6, s5  }
0x10: {  	s30 =	sadd.s32 s9, s13;
	s8 =	sadd.s32 s9, s10;
	s9 =	sadd.s32 $0x800, s31  }
0x11: {  	s10 =	sadd.s32 $0x800, s11;
	s11 =	simm.s32 $0x9;
	s13 =	simm.s32 $0x5000  }
0x12: {  	s5 =	sadd.s32 $0x5600, s6;
	s6 =	sadd.s32 $0xF600, s6;
	[dreg:$0x2] =	wrdreg s30  }
.LBB2_1:
0x13: {  	[tilespmem:s2], [sflag:$0x9] =	stream.linear.gather [hbm4b:s5+s2], $0x2800, $0x38;
	[tilespmem:$0x15000] =	vst v63  }
0x14: {  	_ =	swait.ge [sflag:s11], $0x2800  }
0x15: {  	[sflag:s11] =	ssyncset.done $0x0  }
0x16: {  	s26 =	simm.s32 $0x2800;
	[sflag:s11] =	ssyncadd.s32 $0xFFFFD800  }
0x17: {  	[tilespmem:s26], [sflag:$0x9] =	stream.linear.gather [hbm4b:s6+s2], $0x2800, $0x38;
	[tilespmem:$0x15000] =	vst v63  }
0x18: {  	_ =	swait.ge [sflag:s11], $0x2800  }
0x19: {  	[sflag:s11] =	ssyncset.done $0x0  }
0x1a: {  	[sflag:s11] =	ssyncadd.s32 $0xFFFFD800  }
0x1b: {  	[tilespmem:s13], [sflag:$0x1] =	stream.indirect.gather [hbm4b:s3+s12], $0x80, s2, s12, $0xb8;
	[tilespmem:$0x15000] =	vst v63  }
0x1c: {  	_ = 	snop  }
0x1d: {  	[tilespmem:s14], [sflag:$0x2] =	stream.indirect.gather [hbm4b:s4+s12], $0x80, s26, s12, $0xb8;
	[tilespmem:$0x15000] =	vst v63  }
0x1e: {  	s28 =	simm.s32 $0x80  }
0x1f: {  	[tilespmem:s15], [sflag:$0x3] =	stream.indirect.gather [hbm4b:s3+s12], $0x80, s28, s12, $0xb8;
	[tilespmem:$0x15000] =	vst v63  }
0x20: {  	s28 =	simm.s32 $0x2880  }
0x21: {  	[tilespmem:s16], [sflag:$0x4] =	stream.indirect.gather [hbm4b:s4+s12], $0x80, s28, s12, $0xb8;
	[tilespmem:$0x15000] =	vst v63  }
0x22: {  	_ =	swait.ge [sflag:s17], $0x4000  }
0x23: {  	[sflag:s17] =	ssyncset.done $0x0  }
0x24: {  	s28 =	sadd.s32 $0x0, s8;
	[sflag:s17] =	ssyncadd.s32 $0xFFFFC000  }
0x25: {  	[hbm4b:s28+s2] =	stream.linear.scatter [tilespmem:s13], [sflag:$0x5], $0x4000, $0x38;
	[tilespmem:$0x15000] =	vst v63  }
0x26: {  	_ =	swait.ge [sflag:s18], $0x4000  }
0x27: {  	s28 =	rddreg [dreg:$0x2];
	[sflag:s18] =	ssyncset.done $0x0  }
0x28: {  	[sflag:s18] =	ssyncadd.s32 $0xFFFFC000;
	s28 =	sadd.s32 $0x0, s28  }
0x29: {  	[hbm4b:s28+s2] =	stream.linear.scatter [tilespmem:s14], [sflag:$0x6], $0x4000, $0x38;
	[tilespmem:$0x15000] =	vst v63  }
0x2a: {  	_ =	swait.ge [sflag:s19], $0x4000  }
0x2b: {  	[sflag:s19] =	ssyncset.done $0x0  }
0x2c: {  	s28 =	sadd.s32 $0x0, s9;
	[sflag:s19] =	ssyncadd.s32 $0xFFFFC000  }
0x2d: {  	[hbm4b:s28+s2] =	stream.linear.scatter [tilespmem:s15], [sflag:$0x7], $0x4000, $0x38;
	[tilespmem:$0x15000] =	vst v63  }
0x2e: {  	_ =	swait.ge [sflag:s20], $0x4000  }
0x2f: {  	[sflag:s20] =	ssyncset.done $0x0  }
0x30: {  	s28 =	sadd.s32 $0x0, s10;
	[sflag:s20] =	ssyncadd.s32 $0xFFFFC000  }
0x31: {  	[hbm4b:s28+s2] =	stream.linear.scatter [tilespmem:s16], [sflag:$0x8], $0x4000, $0x38;
	[tilespmem:$0x15000] =	vst v63  }
0x32: {  	_ =	swait.ge [sflag:s21], $0x4000  }
0x33: {  	[sflag:s21] =	ssyncset.done $0x0  }
0x34: {  	[sflag:s21] =	ssyncadd.s32 $0xFFFFC000  }
0x35: {  	_ =	swait.ge [sflag:s22], $0x4000  }
0x36: {  	[sflag:s22] =	ssyncset.done $0x0  }
0x37: {  	[sflag:s22] =	ssyncadd.s32 $0xFFFFC000  }
0x38: {  	_ =	swait.ge [sflag:s23], $0x4000  }
0x39: {  	[sflag:s23] =	ssyncset.done $0x0  }
0x3a: {  	[sflag:s23] =	ssyncadd.s32 $0xFFFFC000  }
0x3b: {  	_ =	swait.ge [sflag:s24], $0x4000  }
0x3c: {  	s29 =	simm.s32 $0x0;
	s28 =	simm.s32 $0x1000;
	[sflag:s24] =	ssyncset.done $0x0  }
.LBB2_2:
0x3d: {  	[sflag:s24] =	ssyncadd.s32 $0xFFFFC000;
	s29 =	sadd.s32 $0x100, s29  }
0x3e: {  	[tilespmem:s13], [sflag:$0x1] =	stream.indirect.gather [hbm4b:s3+s12], $0x80, s29, s12, $0xb8;
	[tilespmem:$0x15000] =	vst v63  }
0x3f: {  	s26 =	sadd.s32 $0x100, s26  }
0x40: {  	[tilespmem:s14], [sflag:$0x2] =	stream.indirect.gather [hbm4b:s4+s12], $0x80, s26, s12, $0xb8;
	[tilespmem:$0x15000] =	vst v63  }
0x41: {  	s31 =	sadd.s32 $0x80, s29  }
0x42: {  	[tilespmem:s15], [sflag:$0x3] =	stream.indirect.gather [hbm4b:s3+s12], $0x80, s31, s12, $0xb8;
	[tilespmem:$0x15000] =	vst v63  }
0x43: {  	s31 =	sadd.s32 $0x80, s26  }
0x44: {  	[tilespmem:s16], [sflag:$0x4] =	stream.indirect.gather [hbm4b:s4+s12], $0x80, s31, s12, $0xb8;
	[tilespmem:$0x15000] =	vst v63  }
0x45: {  	_ =	swait.ge [sflag:s17], $0x4000  }
0x46: {  	s30 =	smov.u32 s28;
	[sflag:s17] =	ssyncset.done $0x0  }
0x47: {  	s31 =	sadd.s32 s30, s8;
	[sflag:s17] =	ssyncadd.s32 $0xFFFFC000  }
0x48: {  	[hbm4b:s31+s2] =	stream.linear.scatter [tilespmem:s13], [sflag:$0x5], $0x4000, $0x38;
	[tilespmem:$0x15000] =	vst v63  }
0x49: {  	_ =	swait.ge [sflag:s18], $0x4000  }
0x4a: {  	s31 =	rddreg [dreg:$0x2];
	[sflag:s18] =	ssyncset.done $0x0  }
0x4b: {  	[sflag:s18] =	ssyncadd.s32 $0xFFFFC000;
	s31 =	sadd.s32 s30, s31  }
0x4c: {  	[hbm4b:s31+s2] =	stream.linear.scatter [tilespmem:s14], [sflag:$0x6], $0x4000, $0x38;
	[tilespmem:$0x15000] =	vst v63  }
0x4d: {  	_ =	swait.ge [sflag:s19], $0x4000  }
0x4e: {  	[sflag:s19] =	ssyncset.done $0x0  }
0x4f: {  	s31 =	sadd.s32 s30, s9;
	[sflag:s19] =	ssyncadd.s32 $0xFFFFC000  }
0x50: {  	[hbm4b:s31+s2] =	stream.linear.scatter [tilespmem:s15], [sflag:$0x7], $0x4000, $0x38;
	[tilespmem:$0x15000] =	vst v63  }
0x51: {  	_ =	swait.ge [sflag:s20], $0x4000  }
0x52: {  	[sflag:s20] =	ssyncset.done $0x0  }
0x53: {  	s30 =	sadd.s32 s30, s10;
	[sflag:s20] =	ssyncadd.s32 $0xFFFFC000  }
0x54: {  	[hbm4b:s30+s2] =	stream.linear.scatter [tilespmem:s16], [sflag:$0x8], $0x4000, $0x38;
	[tilespmem:$0x15000] =	vst v63  }
0x55: {  	_ =	swait.ge [sflag:s21], $0x4000  }
0x56: {  	[sflag:s21] =	ssyncset.done $0x0  }
0x57: {  	[sflag:s21] =	ssyncadd.s32 $0xFFFFC000  }
0x58: {  	_ =	swait.ge [sflag:s22], $0x4000  }
0x59: {  	[sflag:s22] =	ssyncset.done $0x0  }
0x5a: {  	p0 =	sne.s32 s28, $0x27000;
	[sflag:s22] =	ssyncadd.s32 $0xFFFFC000  }
.Ltmp0:
0x5b: {  	_ =	swait.ge [sflag:s23], $0x4000;
	(pc) =	sbr.rel @p0 .LBB2_2-.Ltmp0, $4  }
0x5c: {  	[sflag:s23] =	ssyncset.done $0x0  }
0x5d: {  	[sflag:s23] =	ssyncadd.s32 $0xFFFFC000  }
0x5e: {  	_ =	swait.ge [sflag:s24], $0x4000  }
0x5f: {  	s28 =	sadd.s32 $0x1000, s28;
	[sflag:s24] =	ssyncset.done $0x0  }
0x60: {  	s25 =	sadd.s32 $0x1, s25  }
0x61: {  	p0 =	sne.s32 s25, s7  }
.Ltmp1:
0x62: {  	_ = 	snop;
	(pc) =	sbr.rel @p0 .LBB2_1-.Ltmp1, $2  }
0x63: {  	_ =	sdelay $0x2  }
0x64: {  	[sflag:s24] =	ssyncadd.s32 $0xFFFFC000  }
0x65: {  	_ =	sfence.sel $0x180000  }
0x66: {  	[bflag:$0x0] =	sbarrier.arrive $0xFFFF  }
0x67: {  	p0 =	sne.s32 s0, $0x0;
	_ =	strace $0x90000050  }
0x68: {  	s0 =	sadd.s32 @!p0 $0x100000, s1;
	[bflag:$0x2] =	sbarrier.arrive $0xFFFF  }
0x69: {  	[sflag:s0] =	ssyncadd.tile.s32 @!p0 $0x1;
	_ =	shalt  }
.Lfunc_end2:
_tile_overlayer_lowered:
.L_overlay_start_2:
0x6a: {  	(tag) =	ssettag $0x2  }
0x6b: {  	s0 =	rddreg [dreg:$0x0];
	s2 =	stileid.u32  }
0x6c: {  	s1 =	rddreg [dreg:$0x1];
	p0 =	sne.s32 s2, $0x0  }
0x6d: {  	s3 =	rddreg [dreg:$0x2];
	[bflag:$0x3] =	sbarrier.arrive $0xFFFF;
	s2 =	simm.s32 @!p0 $0x1C09  }
0x6e: {  	[timem:s3], [sflag:s2] =	dma.local @!p0 [hbm:s0], s1  }
0x6f: {  	s0 =	simm.s32 @!p0 $0x9  }
0x70: {  	_ =	swait.ge @!p0 [sflag:s0], s1  }
0x71: {  	s1 =	ssub.s32 @!p0 $0x0, s1;
	[sflag:s0] =	ssyncset.done @!p0 $0x0  }
0x72: {  	[sflag:s0] =	ssyncadd.s32 @!p0 s1  }
0x73: {  	[bflag:$0x3] =	sbarrier.arrive $0xFFFF  }
0x74: {  	_ =	shalt  }

</sc_bundles>
